<compile_context>
chip_gen: v7x
topology: tpu7x:2x2x1
jax: 0.10.2.dev20260603
libtpu: 0.0.44.dev20260713+nightly
codegen_flags: <defaults>
</compile_context>

<pallas_src>
import dataclasses
import functools

import jax
import jax.numpy as jnp
from jax import lax
from jax.experimental import pallas as pl
from jax.experimental.pallas import tpu as pltpu
from jax.experimental.pallas import tpu_sc as plsc

_N = 20000
_NV = _N // 16
_P = 8192
_PPAD = _P + 32
_K = 2000
_KV = _K // 16
_BINS = 2048
_BV = _BINS // 16
_INT_MAX = 2**31 - 1


def _sc_body(starts_hbm, ends_hbm, bits_hbm, nts_hbm,
             sel_hbm, outs_hbm, oute_hbm, outsc_hbm,
             akey, aidx, bkey, bidx, sev, hist, tab,
             selv, ost, oen, osc, ntsv, csbuf, cebuf):
    cid = lax.axis_index("c")
    sid = lax.axis_index("s")

    @pl.when((cid == 0) & (sid == 0))
    def _main():
        iota = lax.iota(jnp.int32, 16)
        cnt0, _ = plsc.scan_count(jnp.zeros((16,), jnp.int32))
        cal = jnp.min(cnt0)

        pltpu.sync_copy(bits_hbm, akey)
        pltpu.sync_copy(starts_hbm, bkey)
        pltpu.sync_copy(ends_hbm, bidx.at[pl.ds(0, _N)])
        pltpu.sync_copy(nts_hbm, ntsv)
        nts = jnp.minimum(ntsv[pl.ds(0, 16)][0], jnp.int32(_K))
        lane0 = iota == 0

        @pl.loop(0, _PPAD // 16)
        def _init_tables(v):
            tab[pl.ds(v * 16, 16)] = jnp.full((16,), _P << 14, jnp.int32)

        def radix_pass(skey, sidx, dkey, didx, shift, mask,
                       fuse_prep=False, clear_src=False):
            @pl.loop(0, _BV)
            def _clr(v):
                hist[pl.ds(v * 16, 16)] = jnp.zeros((16,), jnp.int32)

            @pl.loop(0, _NV)
            def _count(v):
                sl = pl.ds(v * 16, 16)
                if fuse_prep:
                    u = skey[sl]
                    key = jnp.where(u >= 0, jnp.int32(_INT_MAX) - u, u)
                    skey[sl] = key
                    sidx[sl] = v * 16 + iota
                    s = bkey[sl]
                    e = bidx[sl]
                    sev[sl] = s | ((e - s) << 13)
                else:
                    key = skey[sl]
                d = lax.shift_right_logical(key, shift) & mask
                cnt, last = plsc.scan_count(d)
                base = plsc.load_gather(hist, [d])
                plsc.store_scatter(hist, [d], base + (cnt - cal) + 1, mask=last)

            def _scan(v, carry):
                sl = pl.ds(v * 16, 16)
                h = hist[sl]
                inc = plsc.cumsum(h)
                hist[sl] = inc - h + carry
                return carry + jnp.max(inc)

            lax.fori_loop(0, _BV, _scan, jnp.int32(0))

            @pl.loop(0, _NV)
            def _place(v):
                sl = pl.ds(v * 16, 16)
                k = skey[sl]
                ix = sidx[sl]
                if clear_src:
                    skey[sl] = jnp.zeros((16,), jnp.int32)
                d = lax.shift_right_logical(k, shift) & mask
                cnt, last = plsc.scan_count(d)
                base = plsc.load_gather(hist, [d])
                pos = base + (cnt - cal)
                plsc.store_scatter(dkey, [pos], k)
                plsc.store_scatter(didx, [pos], ix)
                plsc.store_scatter(hist, [d], base + (cnt - cal) + 1, mask=last)

        radix_pass(akey, aidx, bkey, bidx, 0, 2047, fuse_prep=True)
        radix_pass(bkey, bidx, akey, aidx, 11, 2047)
        radix_pass(akey, aidx, bkey, bidx, 22, 1023, clear_src=True)

        mask_gt0 = iota > 0
        iota16 = iota + 16
        ones_v = jnp.full((16,), 1, jnp.int32)
        ntsb = jnp.broadcast_to(nts, (16,))
        low14 = jnp.int32(0x3FFF)

        def greedy_cond(st):
            i, countv = st
            return (i < _N) & (countv[0] < nts)

        def greedy_body(st):
            i, countv = st
            ind_vec = bidx[pl.ds(i, 16)]
            se_vec = plsc.load_gather(sev, [ind_vec])
            csbuf[pl.ds(16, 16)] = se_vec & jnp.int32(_P - 1)
            cebuf[pl.ds(16, 16)] = ((se_vec & jnp.int32(_P - 1))
                                    + lax.shift_right_logical(se_vec, 13))
            takebits = jnp.zeros((16,), jnp.bool_)
            for k in range(16):
                kvec = jnp.full((16,), 16 + k, jnp.int32)
                csb = plsc.load_gather(csbuf, [kvec])
                ceb = plsc.load_gather(cebuf, [kvec])
                j0 = csb + iota
                j1 = csb + iota16
                t0 = plsc.load_gather(tab, [j0])
                t1 = plsc.load_gather(tab, [j1])
                s0 = t0 & low14
                s1 = t1 & low14
                e0 = lax.shift_right_logical(t0, 14)
                e1 = lax.shift_right_logical(t1, 14)
                c0 = (j0 <= ceb) & ((mask_gt0 & (s0 > ceb))
                                    | ((j0 < ceb) & (e0 < csb)))
                c1 = (j1 <= ceb) & ((s1 > ceb) | ((j1 < ceb) & (e1 < csb)))
                ncross = plsc.all_reduce_population_count(c0 | c1)
                take = (ncross == 0) & (countv < ntsb)
                tm = take & lane0
                takebits = takebits | (take & (iota == k))
                new0 = (jnp.maximum(t0 & low14, ceb)
                        | (lax.shift_right_logical(t0, 14) << 14))
                plsc.store_scatter(tab, [j0], new0, mask=tm)
                tc = plsc.load_gather(tab, [ceb])
                newc = ((tc & low14)
                        | (jnp.minimum(lax.shift_right_logical(tc, 14), csb)
                           << 14))
                plsc.store_scatter(tab, [ceb], newc, mask=tm)
                countv = countv + take.astype(jnp.int32)
            plsc.store_scatter(akey, [ind_vec], ones_v, mask=takebits)
            return i + 16, countv

        _, countv = lax.while_loop(
            greedy_cond, greedy_body,
            (jnp.int32(0), jnp.zeros((16,), jnp.int32)))
        count = countv[0]

        def comp_body(v, offv):
            sl = pl.ds(v * 16, 16)
            m = akey[sl] > 0
            c = plsc.cumsum(m.astype(jnp.int32))
            plsc.store_scatter(selv, [offv + c - 1], v * 16 + iota, mask=m)
            return offv + plsc.all_reduce_population_count(m)

        lax.fori_loop(0, _NV, comp_body, jnp.zeros((16,), jnp.int32))
        first = selv[pl.ds(0, 16)][0]

        pltpu.sync_copy(bits_hbm, bkey)

        @pl.loop(0, _KV)
        def _fill_gather(v):
            sl = pl.ds(v * 16, 16)
            lanes = v * 16 + iota
            sv = jnp.where(lanes < count, selv[sl], first)
            selv[sl] = sv
            se = plsc.load_gather(sev, [sv])
            cs = se & jnp.int32(_P - 1)
            ost[sl] = cs
            oen[sl] = cs + lax.shift_right_logical(se, 13)
            osc[sl] = plsc.load_gather(bkey, [sv])

        pltpu.sync_copy(selv, sel_hbm)
        pltpu.sync_copy(ost, outs_hbm)
        pltpu.sync_copy(oen, oute_hbm)
        pltpu.sync_copy(osc, outsc_hbm)


_cp = pltpu.CompilerParams()
if "needs_layout_passes" in pltpu.CompilerParams.__dataclass_fields__:
    _cp = dataclasses.replace(_cp, needs_layout_passes=False)

_decode = functools.partial(
    pl.kernel,
    compiler_params=_cp,
    out_type=(
        jax.ShapeDtypeStruct((_K,), jnp.int32),
        jax.ShapeDtypeStruct((_K,), jnp.int32),
        jax.ShapeDtypeStruct((_K,), jnp.int32),
        jax.ShapeDtypeStruct((_K,), jnp.int32),
    ),
    mesh=plsc.VectorSubcoreMesh(core_axis_name="c", subcore_axis_name="s"),
    scratch_types=[
        pltpu.VMEM((_N,), jnp.int32),
        pltpu.VMEM((_N,), jnp.int32),
        pltpu.VMEM((_N,), jnp.int32),
        pltpu.VMEM((_N + 16,), jnp.int32),
        pltpu.VMEM((_N + 16,), jnp.int32),
        pltpu.VMEM((_BINS,), jnp.int32),
        pltpu.VMEM((_PPAD,), jnp.int32),
        pltpu.VMEM((_K,), jnp.int32),
        pltpu.VMEM((_K,), jnp.int32),
        pltpu.VMEM((_K,), jnp.int32),
        pltpu.VMEM((_K,), jnp.int32),
        pltpu.VMEM((16,), jnp.int32),
        pltpu.VMEM((32,), jnp.int32),
        pltpu.VMEM((32,), jnp.int32),
    ],
)(_sc_body)


def kernel(candidate_starts, candidate_ends, candidate_mention_scores,
           num_top_spans):
    bits = lax.bitcast_convert_type(candidate_mention_scores, jnp.int32)
    nts = jnp.broadcast_to(
        jnp.asarray(num_top_spans, jnp.int32).reshape(()), (16,))
    sel, ts, te, tb = _decode(candidate_starts, candidate_ends, bits, nts)
    return sel, ts, te, lax.bitcast_convert_type(tb, jnp.float32)

# --- scband reference (transcript-rebuilt; emitter-appended) ---
"""Pipeline reference for scband-coref-decoder-mangoes-48979807043767 (READ-ONLY COPY).

The authoritative reference and input builder live on the scoring server;
editing this copy changes nothing except your own understanding.
"""

import jax, jax.numpy as jnp
from jax import lax
import numpy as np


def _extract_spans(starts, ends, scores, num_top_spans, num_top_spans_static):
    # Greedy selection of highest-scoring spans that do not cross-overlap
    # previously selected spans (NMS-like suppression).
    n = starts.shape[0]
    P = 8192
    WINDOW = 31
    INT_MAX = jnp.iinfo(jnp.int32).max
    order = jnp.argsort(-scores)
    start_to_latest_end = jnp.full((P,), -1, dtype=jnp.int32)
    end_to_earliest_start = jnp.full((P,), INT_MAX, dtype=jnp.int32)
    sel = jnp.full((num_top_spans_static,), INT_MAX, dtype=jnp.int32)
    count = jnp.int32(0)

    def body(i, state):
        sel, count, s2e, e2s = state
        ind = order[i]
        cs = starts[ind]
        ce = ends[ind]
        j = cs + jnp.arange(WINDOW, dtype=jnp.int32)
        jc = jnp.minimum(j, P - 1)
        valid = j <= ce
        crossing = jnp.any(
            valid & (((j > cs) & (s2e[jc] > ce)) | ((j < ce) & (e2s[jc] < cs)))
        )
        take = (~crossing) & (count < num_top_spans)
        sel = jnp.where(take, sel.at[count].set(ind.astype(jnp.int32)), sel)
        s2e = jnp.where(take, s2e.at[cs].set(jnp.maximum(s2e[cs], ce)), s2e)
        e2s = jnp.where(take, e2s.at[ce].set(jnp.minimum(e2s[ce], cs)), e2s)
        count = count + take.astype(jnp.int32)
        return sel, count, s2e, e2s

    sel, count, _, _ = lax.fori_loop(
        0, n, body, (sel, count, start_to_latest_end, end_to_earliest_start)
    )
    sel = jnp.sort(sel)
    sel = jnp.where(jnp.arange(num_top_spans_static) < count, sel, sel[0])
    return sel


def setup_inputs(seed: int = 0):
    key = jax.random.key(seed)
    k1, k2, k3 = jax.random.split(key, 3)
    N = 20000
    seq_len = 8192
    max_width = 30
    starts = jnp.sort(jax.random.randint(k1, (N,), 0, seq_len, dtype=jnp.int32))
    widths = jax.random.randint(k2, (N,), 0, max_width, dtype=jnp.int32)
    ends = jnp.minimum(starts + widths, seq_len - 1)
    scores = jax.random.normal(k3, (N,), dtype=jnp.float32)
    return {
        'candidate_starts': starts,
        'candidate_ends': ends,
        'candidate_mention_scores': scores,
        'num_top_spans': 2000,
    }


def reference(candidate_starts, candidate_ends, candidate_mention_scores, num_top_spans):
    sel = _extract_spans(
        candidate_starts,
        candidate_ends,
        candidate_mention_scores,
        num_top_spans,
        2000,
    )
    top_span_starts = jnp.take(candidate_starts, sel)
    top_span_ends = jnp.take(candidate_ends, sel)
    top_span_scores = jnp.take(candidate_mention_scores, sel)
    return (sel, top_span_starts, top_span_ends, top_span_scores)

if __name__ == "__main__":
    import jax
    _d = setup_inputs()
    print(jax.jit(kernel)(*tuple(_d.values())))

</pallas_src>

<mosaic_0001>
#map = affine_map<(d0, d1) -> (0)>
module attributes {stable_mosaic.version = 14 : i64} {
  func.func @_sc_body(%arg0: i32, %arg1: i32, %arg2: memref<20000xi32, #tpu.memory_space<hbm>>, %arg3: memref<20000xi32, #tpu.memory_space<hbm>>, %arg4: memref<20000xi32, #tpu.memory_space<hbm>>, %arg5: memref<16xi32, #tpu.memory_space<hbm>>, %arg6: memref<2000xi32, #tpu.memory_space<hbm>>, %arg7: memref<2000xi32, #tpu.memory_space<hbm>>, %arg8: memref<2000xi32, #tpu.memory_space<hbm>>, %arg9: memref<2000xi32, #tpu.memory_space<hbm>>, %arg10: memref<20000xi32, #tpu.memory_space<vmem>>, %arg11: memref<20000xi32, #tpu.memory_space<vmem>>, %arg12: memref<20000xi32, #tpu.memory_space<vmem>>, %arg13: memref<20016xi32, #tpu.memory_space<vmem>>, %arg14: memref<20016xi32, #tpu.memory_space<vmem>>, %arg15: memref<2048xi32, #tpu.memory_space<vmem>>, %arg16: memref<8224xi32, #tpu.memory_space<vmem>>, %arg17: memref<2000xi32, #tpu.memory_space<vmem>>, %arg18: memref<2000xi32, #tpu.memory_space<vmem>>, %arg19: memref<2000xi32, #tpu.memory_space<vmem>>, %arg20: memref<2000xi32, #tpu.memory_space<vmem>>, %arg21: memref<16xi32, #tpu.memory_space<vmem>>, %arg22: memref<32xi32, #tpu.memory_space<vmem>>, %arg23: memref<32xi32, #tpu.memory_space<vmem>>) attributes {dimension_semantics = [#tpu.dimension_semantics<core_parallel>, #tpu.dimension_semantics<subcore_parallel>], iteration_bounds = array<i64: 2, 16>, scalar_prefetch = 0 : i64, scratch_operands = 14 : i64, tpu.core_type = #tpu.core_type<sc_vector_subcore>, window_params = [{transform_indices = #map}, {transform_indices = #map}, {transform_indices = #map}, {transform_indices = #map}, {transform_indices = #map}, {transform_indices = #map}, {transform_indices = #map}, {transform_indices = #map}]} {
    %eq3A = arith.constant 0 : i32
    %eq3A_0 = arith.cmpi eq, %arg0, %eq3A : i32
    %eq3A_1 = arith.constant 0 : i32
    %eq3A_2 = arith.cmpi eq, %arg1, %eq3A_1 : i32
    %and3A = arith.andi %eq3A_0, %eq3A_2 : i1
    %convert_element_type3A = arith.extui %and3A : i1 to i32
    %cond3A = arith.constant 0 : i32
    %cond3A_3 = arith.cmpi ne, %convert_element_type3A, %cond3A : i32
    scf.if %cond3A_3 {
      %iota3A = tpu.iota {dimensions = array<i32: 0>} : vector<16xi32>
      %broadcast_in_dim3A = arith.constant 0 : i32
      %broadcast_in_dim3A_4 = vector.broadcast %broadcast_in_dim3A : i32 to vector<16xi32>
      %broadcast_in_dim3A_5 = arith.constant true
      %broadcast_in_dim3A_6 = vector.broadcast %broadcast_in_dim3A_5 : i1 to vector<16xi1>
      %unique3A, %unique3A_7 = tpu.scan_count mask(%broadcast_in_dim3A_6 : vector<16xi1>) value(%broadcast_in_dim3A_4 : vector<16xi32>) : vector<16xi1>, vector<16xi32>
      %reduce_min3A = arith.constant true
      %reduce_min3A_8 = vector.broadcast %reduce_min3A : i1 to vector<16xi1>
      %reduce_min3A_9 = arith.constant -2147483648 : i32
      %reduce_min3A_10 = vector.broadcast %reduce_min3A_9 : i32 to vector<16xi32>
      %reduce_min3A_11 = arith.xori %unique3A_7, %reduce_min3A_10 : vector<16xi32>
      %reduce_min3A_12 = tpu.scan <min>, %reduce_min3A_11 masked %reduce_min3A_8 : vector<16xi32>, vector<16xi1> -> vector<16xi32>
      %reduce_min3A_13 = arith.xori %reduce_min3A_12, %reduce_min3A_10 : vector<16xi32>
      %reduce_min3A_14 = vector.extract %reduce_min3A_13[15] : i32 from vector<16xi32>
      "tpu.region"() ({
        %run_scoped3A = tpu.sem_alloc : memref<!tpu.dma_semaphore, #tpu.memory_space<semaphore_mem>>
        tpu.enqueue_dma source(%arg4 : memref<20000xi32, #tpu.memory_space<hbm>>) target(%arg10 : memref<20000xi32, #tpu.memory_space<vmem>>) target_semaphore(%run_scoped3A : memref<!tpu.dma_semaphore, #tpu.memory_space<semaphore_mem>>)
        tpu.wait_dma2 semaphore(%run_scoped3A : memref<!tpu.dma_semaphore, #tpu.memory_space<semaphore_mem>>) src(%arg4 : memref<20000xi32, #tpu.memory_space<hbm>>) dst(%arg10 : memref<20000xi32, #tpu.memory_space<vmem>>)
        tpu.yield
      }) : () -> ()
      "tpu.region"() ({
        %run_scoped3A = tpu.sem_alloc : memref<!tpu.dma_semaphore, #tpu.memory_space<semaphore_mem>>
        tpu.enqueue_dma source(%arg2 : memref<20000xi32, #tpu.memory_space<hbm>>) target(%arg12 : memref<20000xi32, #tpu.memory_space<vmem>>) target_semaphore(%run_scoped3A : memref<!tpu.dma_semaphore, #tpu.memory_space<semaphore_mem>>)
        tpu.wait_dma2 semaphore(%run_scoped3A : memref<!tpu.dma_semaphore, #tpu.memory_space<semaphore_mem>>) src(%arg2 : memref<20000xi32, #tpu.memory_space<hbm>>) dst(%arg12 : memref<20000xi32, #tpu.memory_space<vmem>>)
        tpu.yield
      }) : () -> ()
      "tpu.region"() ({
        %run_scoped3A = tpu.sem_alloc : memref<!tpu.dma_semaphore, #tpu.memory_space<semaphore_mem>>
        %dma_start3A = arith.constant 0 : i32
        %dma_start3A_120 = tpu.memref_slice %arg13[%dma_start3A] : memref<20016xi32, #tpu.memory_space<vmem>> -> memref<20000xi32, #tpu.memory_space<vmem>>
        %dma_start3A_121 = arith.constant 0 : i32
        %dma_start3A_122 = tpu.memref_slice %arg13[%dma_start3A_121] : memref<20016xi32, #tpu.memory_space<vmem>> -> memref<20000xi32, #tpu.memory_space<vmem>>
        tpu.enqueue_dma source(%arg3 : memref<20000xi32, #tpu.memory_space<hbm>>) target(%dma_start3A_122 : memref<20000xi32, #tpu.memory_space<vmem>>) target_semaphore(%run_scoped3A : memref<!tpu.dma_semaphore, #tpu.memory_space<semaphore_mem>>)
        %dma_wait3A = arith.constant 0 : i32
        %dma_wait3A_123 = tpu.memref_slice %arg13[%dma_wait3A] : memref<20016xi32, #tpu.memory_space<vmem>> -> memref<20000xi32, #tpu.memory_space<vmem>>
        %dma_wait3A_124 = arith.constant 0 : i32
        %dma_wait3A_125 = tpu.memref_slice %arg13[%dma_wait3A_124] : memref<20016xi32, #tpu.memory_space<vmem>> -> memref<20000xi32, #tpu.memory_space<vmem>>
        tpu.wait_dma2 semaphore(%run_scoped3A : memref<!tpu.dma_semaphore, #tpu.memory_space<semaphore_mem>>) src(%arg3 : memref<20000xi32, #tpu.memory_space<hbm>>) dst(%dma_wait3A_125 : memref<20000xi32, #tpu.memory_space<vmem>>)
        tpu.yield
      }) : () -> ()
      "tpu.region"() ({
        %run_scoped3A = tpu.sem_alloc : memref<!tpu.dma_semaphore, #tpu.memory_space<semaphore_mem>>
        tpu.enqueue_dma source(%arg5 : memref<16xi32, #tpu.memory_space<hbm>>) target(%arg21 : memref<16xi32, #tpu.memory_space<vmem>>) target_semaphore(%run_scoped3A : memref<!tpu.dma_semaphore, #tpu.memory_space<semaphore_mem>>)
        tpu.wait_dma2 semaphore(%run_scoped3A : memref<!tpu.dma_semaphore, #tpu.memory_space<semaphore_mem>>) src(%arg5 : memref<16xi32, #tpu.memory_space<hbm>>) dst(%arg21 : memref<16xi32, #tpu.memory_space<vmem>>)
        tpu.yield
      }) : () -> ()
      %get3A = arith.constant 0 : index
      %get3A_15 = tpu.vector_load %arg21[%get3A] {strides = array<i32>} : memref<16xi32, #tpu.memory_space<vmem>>, vector<16xi32>,
      %slice3A = vector.extract_strided_slice %get3A_15 {offsets = [0], sizes = [1], strides = [1]} : vector<16xi32> to vector<1xi32>
      %squeeze3A = vector.extract %slice3A[0] : i32 from vector<1xi32>
      %min3A = arith.constant 2000 : i32
      %min3A_16 = arith.minsi %squeeze3A, %min3A : i32
      %eq3A_17 = arith.constant 0 : i32
      %eq3A_18 = vector.broadcast %eq3A_17 : i32 to vector<16xi32>
      %eq3A_19 = arith.cmpi eq, %iota3A, %eq3A_18 : vector<16xi32>
      %scan3A = arith.constant 0 : i32
      %scan3A_20 = arith.constant 514 : i32
      %scan3A_21 = arith.addi %scan3A, %scan3A_20 : i32
      %scan3A_22 = arith.constant 1 : i32
      scf.for %scan3A_120 = %scan3A to %scan3A_21 step %scan3A_22  : i32 {
        %mul3A = arith.constant 1 : i32
        %mul3A_121 = arith.muli %scan3A_120, %mul3A : i32
        %add3A_122 = arith.constant 0 : i32
        %add3A_123 = arith.addi %add3A_122, %mul3A_121 : i32
        %broadcast_in_dim3A_124 = arith.constant 134217728 : i32
        %broadcast_in_dim3A_125 = vector.broadcast %broadcast_in_dim3A_124 : i32 to vector<16xi32>
        %mul3A_126 = arith.constant 16 : i32
        %mul3A_127 = arith.muli %add3A_123, %mul3A_126 : i32
        %swap3A = arith.index_cast %mul3A_127 : i32 to index
        %swap3A_128 = tpu.vector_load %arg16[%swap3A] {strides = array<i32>} : memref<8224xi32, #tpu.memory_space<vmem>>, vector<16xi32>,
        tpu.vector_store %arg16[%swap3A], %broadcast_in_dim3A_125 {strides = array<i32>} : memref<8224xi32, #tpu.memory_space<vmem>>, vector<16xi32>,
      }
      %scan3A_23 = arith.constant 514 : i32
      %scan3A_24 = arith.constant 0 : i32
      %scan3A_25 = arith.constant 128 : i32
      %scan3A_26 = arith.addi %scan3A_24, %scan3A_25 : i32
      %scan3A_27 = arith.constant 1 : i32
      scf.for %scan3A_120 = %scan3A_24 to %scan3A_26 step %scan3A_27  : i32 {
        %mul3A = arith.constant 1 : i32
        %mul3A_121 = arith.muli %scan3A_120, %mul3A : i32
        %add3A_122 = arith.constant 0 : i32
        %add3A_123 = arith.addi %add3A_122, %mul3A_121 : i32
        %broadcast_in_dim3A_124 = arith.constant 0 : i32
        %broadcast_in_dim3A_125 = vector.broadcast %broadcast_in_dim3A_124 : i32 to vector<16xi32>
        %mul3A_126 = arith.constant 16 : i32
        %mul3A_127 = arith.muli %add3A_123, %mul3A_126 : i32
        %swap3A = arith.index_cast %mul3A_127 : i32 to index
        %swap3A_128 = tpu.vector_load %arg15[%swap3A] {strides = array<i32>} : memref<2048xi32, #tpu.memory_space<vmem>>, vector<16xi32>,
        tpu.vector_store %arg15[%swap3A], %broadcast_in_dim3A_125 {strides = array<i32>} : memref<2048xi32, #tpu.memory_space<vmem>>, vector<16xi32>,
      }
      %scan3A_28 = arith.constant 128 : i32
      %scan3A_29 = arith.constant 0 : i32
      %scan3A_30 = arith.constant 1250 : i32
      %scan3A_31 = arith.addi %scan3A_29, %scan3A_30 : i32
      %scan3A_32 = arith.constant 1 : i32
      scf.for %scan3A_120 = %scan3A_29 to %scan3A_31 step %scan3A_32  : i32 {
        %mul3A = arith.constant 1 : i32
        %mul3A_121 = arith.muli %scan3A_120, %mul3A : i32
        %add3A_122 = arith.constant 0 : i32
        %add3A_123 = arith.addi %add3A_122, %mul3A_121 : i32
        %mul3A_124 = arith.constant 16 : i32
        %mul3A_125 = arith.muli %add3A_123, %mul3A_124 : i32
        %get3A_126 = arith.index_cast %mul3A_125 : i32 to index
        %get3A_127 = tpu.vector_load %arg10[%get3A_126] {strides = array<i32>} : memref<20000xi32, #tpu.memory_space<vmem>>, vector<16xi32>,
        %ge3A = arith.constant 0 : i32
        %ge3A_128 = vector.broadcast %ge3A : i32 to vector<16xi32>
        %ge3A_129 = arith.cmpi sge, %get3A_127, %ge3A_128 : vector<16xi32>
        %sub3A = arith.constant 2147483647 : i32
        %sub3A_130 = vector.broadcast %sub3A : i32 to vector<16xi32>
        %sub3A_131 = arith.subi %sub3A_130, %get3A_127 : vector<16xi32>
        %select_n3A = arith.select %ge3A_129, %sub3A_131, %get3A_127 : vector<16xi1>, vector<16xi32>
        %swap3A = arith.index_cast %mul3A_125 : i32 to index
        %swap3A_132 = tpu.vector_load %arg10[%swap3A] {strides = array<i32>} : memref<20000xi32, #tpu.memory_space<vmem>>, vector<16xi32>,
        tpu.vector_store %arg10[%swap3A], %select_n3A {strides = array<i32>} : memref<20000xi32, #tpu.memory_space<vmem>>, vector<16xi32>,
        %mul3A_133 = arith.constant 16 : i32
        %mul3A_134 = arith.muli %add3A_123, %mul3A_133 : i32
        %add3A_135 = vector.broadcast %mul3A_134 : i32 to vector<16xi32>
        %add3A_136 = arith.addi %add3A_135, %iota3A : vector<16xi32>
        %swap3A_137 = arith.index_cast %mul3A_125 : i32 to index
        %swap3A_138 = tpu.vector_load %arg11[%swap3A_137] {strides = array<i32>} : memref<20000xi32, #tpu.memory_space<vmem>>, vector<16xi32>,
        tpu.vector_store %arg11[%swap3A_137], %add3A_136 {strides = array<i32>} : memref<20000xi32, #tpu.memory_space<vmem>>, vector<16xi32>,
        %get3A_139 = arith.index_cast %mul3A_125 : i32 to index
        %get3A_140 = tpu.vector_load %arg12[%get3A_139] {strides = array<i32>} : memref<20000xi32, #tpu.memory_space<vmem>>, vector<16xi32>,
        %get3A_141 = arith.index_cast %mul3A_125 : i32 to index
        %get3A_142 = tpu.vector_load %arg13[%get3A_141] {strides = array<i32>} : memref<20016xi32, #tpu.memory_space<vmem>>, vector<16xi32>,
        %sub3A_143 = arith.subi %get3A_142, %get3A_140 : vector<16xi32>
        %shift_left3A = arith.constant 13 : i32
        %shift_left3A_144 = vector.broadcast %shift_left3A : i32 to vector<16xi32>
        %shift_left3A_145 = arith.shli %sub3A_143, %shift_left3A_144 : vector<16xi32>
        %or3A = arith.ori %get3A_140, %shift_left3A_145 : vector<16xi32>
        %swap3A_146 = arith.index_cast %mul3A_125 : i32 to index
        %swap3A_147 = tpu.vector_load %arg14[%swap3A_146] {strides = array<i32>} : memref<20016xi32, #tpu.memory_space<vmem>>, vector<16xi32>,
        tpu.vector_store %arg14[%swap3A_146], %or3A {strides = array<i32>} : memref<20016xi32, #tpu.memory_space<vmem>>, vector<16xi32>,
        %shift_right_logical3A = arith.constant 0 : i32
        %shift_right_logical3A_148 = vector.broadcast %shift_right_logical3A : i32 to vector<16xi32>
        %shift_right_logical3A_149 = arith.shrui %select_n3A, %shift_right_logical3A_148 : vector<16xi32>
        %and3A_150 = arith.constant 2047 : i32
        %and3A_151 = vector.broadcast %and3A_150 : i32 to vector<16xi32>
        %and3A_152 = arith.andi %shift_right_logical3A_149, %and3A_151 : vector<16xi32>
        %broadcast_in_dim3A_153 = arith.constant true
        %broadcast_in_dim3A_154 = vector.broadcast %broadcast_in_dim3A_153 : i1 to vector<16xi1>
        %unique3A_155, %unique3A_156 = tpu.scan_count mask(%broadcast_in_dim3A_154 : vector<16xi1>) value(%and3A_152 : vector<16xi32>) : vector<16xi1>, vector<16xi32>
        %gather3A = tpu.vector_load_idx %arg15[%and3A_152] : memref<2048xi32, #tpu.memory_space<vmem>>[vector<16xi32>], vector<16xi32>,
        %sub3A_157 = vector.broadcast %reduce_min3A_14 : i32 to vector<16xi32>
        %sub3A_158 = arith.subi %unique3A_156, %sub3A_157 : vector<16xi32>
        %add3A_159 = arith.addi %gather3A, %sub3A_158 : vector<16xi32>
        %add3A_160 = arith.constant 1 : i32
        %add3A_161 = vector.broadcast %add3A_160 : i32 to vector<16xi32>
        %add3A_162 = arith.addi %add3A_159, %add3A_161 : vector<16xi32>
        tpu.vector_store_idx %arg15[%and3A_152], %add3A_162 masked %unique3A_155 : memref<2048xi32, #tpu.memory_space<vmem>>[vector<16xi32>], vector<16xi32>, vector<16xi1>
      }
      %scan3A_33 = arith.constant 1250 : i32
      %scan3A_34 = arith.constant 0 : i32
      %scan3A_35 = arith.constant 0 : i32
      %scan3A_36 = arith.constant 128 : i32
      %scan3A_37 = arith.addi %scan3A_35, %scan3A_36 : i32
      %scan3A_38 = arith.constant 1 : i32
      %scan3A_39 = scf.for %scan3A_120 = %scan3A_35 to %scan3A_37 step %scan3A_38 iter_args(%scan3A_121 = %scan3A_34) -> (i32)  : i32 {
        %mul3A = arith.constant 16 : i32
        %mul3A_122 = arith.muli %scan3A_120, %mul3A : i32
        %get3A_123 = arith.index_cast %mul3A_122 : i32 to index
        %get3A_124 = tpu.vector_load %arg15[%get3A_123] {strides = array<i32>} : memref<2048xi32, #tpu.memory_space<vmem>>, vector<16xi32>,
        %broadcast_in_dim3A_125 = arith.constant true
        %broadcast_in_dim3A_126 = vector.broadcast %broadcast_in_dim3A_125 : i1 to vector<16xi1>
        %masked_cumsum3A = tpu.scan <sum>, %get3A_124 masked %broadcast_in_dim3A_126 : vector<16xi32>, vector<16xi1> -> vector<16xi32>
        %sub3A = arith.subi %masked_cumsum3A, %get3A_124 : vector<16xi32>
        %add3A_127 = vector.broadcast %scan3A_121 : i32 to vector<16xi32>
        %add3A_128 = arith.addi %sub3A, %add3A_127 : vector<16xi32>
        %swap3A = arith.index_cast %mul3A_122 : i32 to index
        %swap3A_129 = tpu.vector_load %arg15[%swap3A] {strides = array<i32>} : memref<2048xi32, #tpu.memory_space<vmem>>, vector<16xi32>,
        tpu.vector_store %arg15[%swap3A], %add3A_128 {strides = array<i32>} : memref<2048xi32, #tpu.memory_space<vmem>>, vector<16xi32>,
        %reduce_max3A = arith.constant true
        %reduce_max3A_130 = vector.broadcast %reduce_max3A : i1 to vector<16xi1>
        %reduce_max3A_131 = arith.constant -2147483648 : i32
        %reduce_max3A_132 = vector.broadcast %reduce_max3A_131 : i32 to vector<16xi32>
        %reduce_max3A_133 = arith.xori %masked_cumsum3A, %reduce_max3A_132 : vector<16xi32>
        %reduce_max3A_134 = tpu.scan <max>, %reduce_max3A_133 masked %reduce_max3A_130 : vector<16xi32>, vector<16xi1> -> vector<16xi32>
        %reduce_max3A_135 = arith.xori %reduce_max3A_134, %reduce_max3A_132 : vector<16xi32>
        %reduce_max3A_136 = vector.extract %reduce_max3A_135[15] : i32 from vector<16xi32>
        %add3A_137 = arith.addi %scan3A_121, %reduce_max3A_136 : i32
        scf.yield %add3A_137 : i32
      }
      %scan3A_40 = arith.constant 128 : i32
      %scan3A_41 = arith.constant 0 : i32
      %scan3A_42 = arith.constant 1250 : i32
      %scan3A_43 = arith.addi %scan3A_41, %scan3A_42 : i32
      %scan3A_44 = arith.constant 1 : i32
      scf.for %scan3A_120 = %scan3A_41 to %scan3A_43 step %scan3A_44  : i32 {
        %mul3A = arith.constant 1 : i32
        %mul3A_121 = arith.muli %scan3A_120, %mul3A : i32
        %add3A_122 = arith.constant 0 : i32
        %add3A_123 = arith.addi %add3A_122, %mul3A_121 : i32
        %mul3A_124 = arith.constant 16 : i32
        %mul3A_125 = arith.muli %add3A_123, %mul3A_124 : i32
        %get3A_126 = arith.index_cast %mul3A_125 : i32 to index
        %get3A_127 = tpu.vector_load %arg10[%get3A_126] {strides = array<i32>} : memref<20000xi32, #tpu.memory_space<vmem>>, vector<16xi32>,
        %get3A_128 = arith.index_cast %mul3A_125 : i32 to index
        %get3A_129 = tpu.vector_load %arg11[%get3A_128] {strides = array<i32>} : memref<20000xi32, #tpu.memory_space<vmem>>, vector<16xi32>,
        %shift_right_logical3A = arith.constant 0 : i32
        %shift_right_logical3A_130 = vector.broadcast %shift_right_logical3A : i32 to vector<16xi32>
        %shift_right_logical3A_131 = arith.shrui %get3A_127, %shift_right_logical3A_130 : vector<16xi32>
        %and3A_132 = arith.constant 2047 : i32
        %and3A_133 = vector.broadcast %and3A_132 : i32 to vector<16xi32>
        %and3A_134 = arith.andi %shift_right_logical3A_131, %and3A_133 : vector<16xi32>
        %broadcast_in_dim3A_135 = arith.constant true
        %broadcast_in_dim3A_136 = vector.broadcast %broadcast_in_dim3A_135 : i1 to vector<16xi1>
        %unique3A_137, %unique3A_138 = tpu.scan_count mask(%broadcast_in_dim3A_136 : vector<16xi1>) value(%and3A_134 : vector<16xi32>) : vector<16xi1>, vector<16xi32>
        %gather3A = tpu.vector_load_idx %arg15[%and3A_134] : memref<2048xi32, #tpu.memory_space<vmem>>[vector<16xi32>], vector<16xi32>,
        %sub3A = vector.broadcast %reduce_min3A_14 : i32 to vector<16xi32>
        %sub3A_139 = arith.subi %unique3A_138, %sub3A : vector<16xi32>
        %add3A_140 = arith.addi %gather3A, %sub3A_139 : vector<16xi32>
        tpu.vector_store_idx %arg12[%add3A_140], %get3A_127 : memref<20000xi32, #tpu.memory_space<vmem>>[vector<16xi32>], vector<16xi32>,
        tpu.vector_store_idx %arg13[%add3A_140], %get3A_129 : memref<20016xi32, #tpu.memory_space<vmem>>[vector<16xi32>], vector<16xi32>,
        %sub3A_141 = vector.broadcast %reduce_min3A_14 : i32 to vector<16xi32>
        %sub3A_142 = arith.subi %unique3A_138, %sub3A_141 : vector<16xi32>
        %add3A_143 = arith.addi %gather3A, %sub3A_142 : vector<16xi32>
        %add3A_144 = arith.constant 1 : i32
        %add3A_145 = vector.broadcast %add3A_144 : i32 to vector<16xi32>
        %add3A_146 = arith.addi %add3A_143, %add3A_145 : vector<16xi32>
        tpu.vector_store_idx %arg15[%and3A_134], %add3A_146 masked %unique3A_137 : memref<2048xi32, #tpu.memory_space<vmem>>[vector<16xi32>], vector<16xi32>, vector<16xi1>
      }
      %scan3A_45 = arith.constant 1250 : i32
      %scan3A_46 = arith.constant 0 : i32
      %scan3A_47 = arith.constant 128 : i32
      %scan3A_48 = arith.addi %scan3A_46, %scan3A_47 : i32
      %scan3A_49 = arith.constant 1 : i32
      scf.for %scan3A_120 = %scan3A_46 to %scan3A_48 step %scan3A_49  : i32 {
        %mul3A = arith.constant 1 : i32
        %mul3A_121 = arith.muli %scan3A_120, %mul3A : i32
        %add3A_122 = arith.constant 0 : i32
        %add3A_123 = arith.addi %add3A_122, %mul3A_121 : i32
        %broadcast_in_dim3A_124 = arith.constant 0 : i32
        %broadcast_in_dim3A_125 = vector.broadcast %broadcast_in_dim3A_124 : i32 to vector<16xi32>
        %mul3A_126 = arith.constant 16 : i32
        %mul3A_127 = arith.muli %add3A_123, %mul3A_126 : i32
        %swap3A = arith.index_cast %mul3A_127 : i32 to index
        %swap3A_128 = tpu.vector_load %arg15[%swap3A] {strides = array<i32>} : memref<2048xi32, #tpu.memory_space<vmem>>, vector<16xi32>,
        tpu.vector_store %arg15[%swap3A], %broadcast_in_dim3A_125 {strides = array<i32>} : memref<2048xi32, #tpu.memory_space<vmem>>, vector<16xi32>,
      }
      %scan3A_50 = arith.constant 128 : i32
      %scan3A_51 = arith.constant 0 : i32
      %scan3A_52 = arith.constant 1250 : i32
      %scan3A_53 = arith.addi %scan3A_51, %scan3A_52 : i32
      %scan3A_54 = arith.constant 1 : i32
      scf.for %scan3A_120 = %scan3A_51 to %scan3A_53 step %scan3A_54  : i32 {
        %mul3A = arith.constant 1 : i32
        %mul3A_121 = arith.muli %scan3A_120, %mul3A : i32
        %add3A_122 = arith.constant 0 : i32
        %add3A_123 = arith.addi %add3A_122, %mul3A_121 : i32
        %mul3A_124 = arith.constant 16 : i32
        %mul3A_125 = arith.muli %add3A_123, %mul3A_124 : i32
        %get3A_126 = arith.index_cast %mul3A_125 : i32 to index
        %get3A_127 = tpu.vector_load %arg12[%get3A_126] {strides = array<i32>} : memref<20000xi32, #tpu.memory_space<vmem>>, vector<16xi32>,
        %shift_right_logical3A = arith.constant 11 : i32
        %shift_right_logical3A_128 = vector.broadcast %shift_right_logical3A : i32 to vector<16xi32>
        %shift_right_logical3A_129 = arith.shrui %get3A_127, %shift_right_logical3A_128 : vector<16xi32>
        %and3A_130 = arith.constant 2047 : i32
        %and3A_131 = vector.broadcast %and3A_130 : i32 to vector<16xi32>
        %and3A_132 = arith.andi %shift_right_logical3A_129, %and3A_131 : vector<16xi32>
        %broadcast_in_dim3A_133 = arith.constant true
        %broadcast_in_dim3A_134 = vector.broadcast %broadcast_in_dim3A_133 : i1 to vector<16xi1>
        %unique3A_135, %unique3A_136 = tpu.scan_count mask(%broadcast_in_dim3A_134 : vector<16xi1>) value(%and3A_132 : vector<16xi32>) : vector<16xi1>, vector<16xi32>
        %gather3A = tpu.vector_load_idx %arg15[%and3A_132] : memref<2048xi32, #tpu.memory_space<vmem>>[vector<16xi32>], vector<16xi32>,
        %sub3A = vector.broadcast %reduce_min3A_14 : i32 to vector<16xi32>
        %sub3A_137 = arith.subi %unique3A_136, %sub3A : vector<16xi32>
        %add3A_138 = arith.addi %gather3A, %sub3A_137 : vector<16xi32>
        %add3A_139 = arith.constant 1 : i32
        %add3A_140 = vector.broadcast %add3A_139 : i32 to vector<16xi32>
        %add3A_141 = arith.addi %add3A_138, %add3A_140 : vector<16xi32>
        tpu.vector_store_idx %arg15[%and3A_132], %add3A_141 masked %unique3A_135 : memref<2048xi32, #tpu.memory_space<vmem>>[vector<16xi32>], vector<16xi32>, vector<16xi1>
      }
      %scan3A_55 = arith.constant 1250 : i32
      %scan3A_56 = arith.constant 0 : i32
      %scan3A_57 = arith.constant 0 : i32
      %scan3A_58 = arith.constant 128 : i32
      %scan3A_59 = arith.addi %scan3A_57, %scan3A_58 : i32
      %scan3A_60 = arith.constant 1 : i32
      %scan3A_61 = scf.for %scan3A_120 = %scan3A_57 to %scan3A_59 step %scan3A_60 iter_args(%scan3A_121 = %scan3A_56) -> (i32)  : i32 {
        %mul3A = arith.constant 16 : i32
        %mul3A_122 = arith.muli %scan3A_120, %mul3A : i32
        %get3A_123 = arith.index_cast %mul3A_122 : i32 to index
        %get3A_124 = tpu.vector_load %arg15[%get3A_123] {strides = array<i32>} : memref<2048xi32, #tpu.memory_space<vmem>>, vector<16xi32>,
        %broadcast_in_dim3A_125 = arith.constant true
        %broadcast_in_dim3A_126 = vector.broadcast %broadcast_in_dim3A_125 : i1 to vector<16xi1>
        %masked_cumsum3A = tpu.scan <sum>, %get3A_124 masked %broadcast_in_dim3A_126 : vector<16xi32>, vector<16xi1> -> vector<16xi32>
        %sub3A = arith.subi %masked_cumsum3A, %get3A_124 : vector<16xi32>
        %add3A_127 = vector.broadcast %scan3A_121 : i32 to vector<16xi32>
        %add3A_128 = arith.addi %sub3A, %add3A_127 : vector<16xi32>
        %swap3A = arith.index_cast %mul3A_122 : i32 to index
        %swap3A_129 = tpu.vector_load %arg15[%swap3A] {strides = array<i32>} : memref<2048xi32, #tpu.memory_space<vmem>>, vector<16xi32>,
        tpu.vector_store %arg15[%swap3A], %add3A_128 {strides = array<i32>} : memref<2048xi32, #tpu.memory_space<vmem>>, vector<16xi32>,
        %reduce_max3A = arith.constant true
        %reduce_max3A_130 = vector.broadcast %reduce_max3A : i1 to vector<16xi1>
        %reduce_max3A_131 = arith.constant -2147483648 : i32
        %reduce_max3A_132 = vector.broadcast %reduce_max3A_131 : i32 to vector<16xi32>
        %reduce_max3A_133 = arith.xori %masked_cumsum3A, %reduce_max3A_132 : vector<16xi32>
        %reduce_max3A_134 = tpu.scan <max>, %reduce_max3A_133 masked %reduce_max3A_130 : vector<16xi32>, vector<16xi1> -> vector<16xi32>
        %reduce_max3A_135 = arith.xori %reduce_max3A_134, %reduce_max3A_132 : vector<16xi32>
        %reduce_max3A_136 = vector.extract %reduce_max3A_135[15] : i32 from vector<16xi32>
        %add3A_137 = arith.addi %scan3A_121, %reduce_max3A_136 : i32
        scf.yield %add3A_137 : i32
      }
      %scan3A_62 = arith.constant 128 : i32
      %scan3A_63 = arith.constant 0 : i32
      %scan3A_64 = arith.constant 1250 : i32
      %scan3A_65 = arith.addi %scan3A_63, %scan3A_64 : i32
      %scan3A_66 = arith.constant 1 : i32
      scf.for %scan3A_120 = %scan3A_63 to %scan3A_65 step %scan3A_66  : i32 {
        %mul3A = arith.constant 1 : i32
        %mul3A_121 = arith.muli %scan3A_120, %mul3A : i32
        %add3A_122 = arith.constant 0 : i32
        %add3A_123 = arith.addi %add3A_122, %mul3A_121 : i32
        %mul3A_124 = arith.constant 16 : i32
        %mul3A_125 = arith.muli %add3A_123, %mul3A_124 : i32
        %get3A_126 = arith.index_cast %mul3A_125 : i32 to index
        %get3A_127 = tpu.vector_load %arg12[%get3A_126] {strides = array<i32>} : memref<20000xi32, #tpu.memory_space<vmem>>, vector<16xi32>,
        %get3A_128 = arith.index_cast %mul3A_125 : i32 to index
        %get3A_129 = tpu.vector_load %arg13[%get3A_128] {strides = array<i32>} : memref<20016xi32, #tpu.memory_space<vmem>>, vector<16xi32>,
        %shift_right_logical3A = arith.constant 11 : i32
        %shift_right_logical3A_130 = vector.broadcast %shift_right_logical3A : i32 to vector<16xi32>
        %shift_right_logical3A_131 = arith.shrui %get3A_127, %shift_right_logical3A_130 : vector<16xi32>
        %and3A_132 = arith.constant 2047 : i32
        %and3A_133 = vector.broadcast %and3A_132 : i32 to vector<16xi32>
        %and3A_134 = arith.andi %shift_right_logical3A_131, %and3A_133 : vector<16xi32>
        %broadcast_in_dim3A_135 = arith.constant true
        %broadcast_in_dim3A_136 = vector.broadcast %broadcast_in_dim3A_135 : i1 to vector<16xi1>
        %unique3A_137, %unique3A_138 = tpu.scan_count mask(%broadcast_in_dim3A_136 : vector<16xi1>) value(%and3A_134 : vector<16xi32>) : vector<16xi1>, vector<16xi32>
        %gather3A = tpu.vector_load_idx %arg15[%and3A_134] : memref<2048xi32, #tpu.memory_space<vmem>>[vector<16xi32>], vector<16xi32>,
        %sub3A = vector.broadcast %reduce_min3A_14 : i32 to vector<16xi32>
        %sub3A_139 = arith.subi %unique3A_138, %sub3A : vector<16xi32>
        %add3A_140 = arith.addi %gather3A, %sub3A_139 : vector<16xi32>
        tpu.vector_store_idx %arg10[%add3A_140], %get3A_127 : memref<20000xi32, #tpu.memory_space<vmem>>[vector<16xi32>], vector<16xi32>,
        tpu.vector_store_idx %arg11[%add3A_140], %get3A_129 : memref<20000xi32, #tpu.memory_space<vmem>>[vector<16xi32>], vector<16xi32>,
        %sub3A_141 = vector.broadcast %reduce_min3A_14 : i32 to vector<16xi32>
        %sub3A_142 = arith.subi %unique3A_138, %sub3A_141 : vector<16xi32>
        %add3A_143 = arith.addi %gather3A, %sub3A_142 : vector<16xi32>
        %add3A_144 = arith.constant 1 : i32
        %add3A_145 = vector.broadcast %add3A_144 : i32 to vector<16xi32>
        %add3A_146 = arith.addi %add3A_143, %add3A_145 : vector<16xi32>
        tpu.vector_store_idx %arg15[%and3A_134], %add3A_146 masked %unique3A_137 : memref<2048xi32, #tpu.memory_space<vmem>>[vector<16xi32>], vector<16xi32>, vector<16xi1>
      }
      %scan3A_67 = arith.constant 1250 : i32
      %scan3A_68 = arith.constant 0 : i32
      %scan3A_69 = arith.constant 128 : i32
      %scan3A_70 = arith.addi %scan3A_68, %scan3A_69 : i32
      %scan3A_71 = arith.constant 1 : i32
      scf.for %scan3A_120 = %scan3A_68 to %scan3A_70 step %scan3A_71  : i32 {
        %mul3A = arith.constant 1 : i32
        %mul3A_121 = arith.muli %scan3A_120, %mul3A : i32
        %add3A_122 = arith.constant 0 : i32
        %add3A_123 = arith.addi %add3A_122, %mul3A_121 : i32
        %broadcast_in_dim3A_124 = arith.constant 0 : i32
        %broadcast_in_dim3A_125 = vector.broadcast %broadcast_in_dim3A_124 : i32 to vector<16xi32>
        %mul3A_126 = arith.constant 16 : i32
        %mul3A_127 = arith.muli %add3A_123, %mul3A_126 : i32
        %swap3A = arith.index_cast %mul3A_127 : i32 to index
        %swap3A_128 = tpu.vector_load %arg15[%swap3A] {strides = array<i32>} : memref<2048xi32, #tpu.memory_space<vmem>>, vector<16xi32>,
        tpu.vector_store %arg15[%swap3A], %broadcast_in_dim3A_125 {strides = array<i32>} : memref<2048xi32, #tpu.memory_space<vmem>>, vector<16xi32>,
      }
      %scan3A_72 = arith.constant 128 : i32
      %scan3A_73 = arith.constant 0 : i32
      %scan3A_74 = arith.constant 1250 : i32
      %scan3A_75 = arith.addi %scan3A_73, %scan3A_74 : i32
      %scan3A_76 = arith.constant 1 : i32
      scf.for %scan3A_120 = %scan3A_73 to %scan3A_75 step %scan3A_76  : i32 {
        %mul3A = arith.constant 1 : i32
        %mul3A_121 = arith.muli %scan3A_120, %mul3A : i32
        %add3A_122 = arith.constant 0 : i32
        %add3A_123 = arith.addi %add3A_122, %mul3A_121 : i32
        %mul3A_124 = arith.constant 16 : i32
        %mul3A_125 = arith.muli %add3A_123, %mul3A_124 : i32
        %get3A_126 = arith.index_cast %mul3A_125 : i32 to index
        %get3A_127 = tpu.vector_load %arg10[%get3A_126] {strides = array<i32>} : memref<20000xi32, #tpu.memory_space<vmem>>, vector<16xi32>,
        %shift_right_logical3A = arith.constant 22 : i32
        %shift_right_logical3A_128 = vector.broadcast %shift_right_logical3A : i32 to vector<16xi32>
        %shift_right_logical3A_129 = arith.shrui %get3A_127, %shift_right_logical3A_128 : vector<16xi32>
        %and3A_130 = arith.constant 1023 : i32
        %and3A_131 = vector.broadcast %and3A_130 : i32 to vector<16xi32>
        %and3A_132 = arith.andi %shift_right_logical3A_129, %and3A_131 : vector<16xi32>
        %broadcast_in_dim3A_133 = arith.constant true
        %broadcast_in_dim3A_134 = vector.broadcast %broadcast_in_dim3A_133 : i1 to vector<16xi1>
        %unique3A_135, %unique3A_136 = tpu.scan_count mask(%broadcast_in_dim3A_134 : vector<16xi1>) value(%and3A_132 : vector<16xi32>) : vector<16xi1>, vector<16xi32>
        %gather3A = tpu.vector_load_idx %arg15[%and3A_132] : memref<2048xi32, #tpu.memory_space<vmem>>[vector<16xi32>], vector<16xi32>,
        %sub3A = vector.broadcast %reduce_min3A_14 : i32 to vector<16xi32>
        %sub3A_137 = arith.subi %unique3A_136, %sub3A : vector<16xi32>
        %add3A_138 = arith.addi %gather3A, %sub3A_137 : vector<16xi32>
        %add3A_139 = arith.constant 1 : i32
        %add3A_140 = vector.broadcast %add3A_139 : i32 to vector<16xi32>
        %add3A_141 = arith.addi %add3A_138, %add3A_140 : vector<16xi32>
        tpu.vector_store_idx %arg15[%and3A_132], %add3A_141 masked %unique3A_135 : memref<2048xi32, #tpu.memory_space<vmem>>[vector<16xi32>], vector<16xi32>, vector<16xi1>
      }
      %scan3A_77 = arith.constant 1250 : i32
      %scan3A_78 = arith.constant 0 : i32
      %scan3A_79 = arith.constant 0 : i32
      %scan3A_80 = arith.constant 128 : i32
      %scan3A_81 = arith.addi %scan3A_79, %scan3A_80 : i32
      %scan3A_82 = arith.constant 1 : i32
      %scan3A_83 = scf.for %scan3A_120 = %scan3A_79 to %scan3A_81 step %scan3A_82 iter_args(%scan3A_121 = %scan3A_78) -> (i32)  : i32 {
        %mul3A = arith.constant 16 : i32
        %mul3A_122 = arith.muli %scan3A_120, %mul3A : i32
        %get3A_123 = arith.index_cast %mul3A_122 : i32 to index
        %get3A_124 = tpu.vector_load %arg15[%get3A_123] {strides = array<i32>} : memref<2048xi32, #tpu.memory_space<vmem>>, vector<16xi32>,
        %broadcast_in_dim3A_125 = arith.constant true
        %broadcast_in_dim3A_126 = vector.broadcast %broadcast_in_dim3A_125 : i1 to vector<16xi1>
        %masked_cumsum3A = tpu.scan <sum>, %get3A_124 masked %broadcast_in_dim3A_126 : vector<16xi32>, vector<16xi1> -> vector<16xi32>
        %sub3A = arith.subi %masked_cumsum3A, %get3A_124 : vector<16xi32>
        %add3A_127 = vector.broadcast %scan3A_121 : i32 to vector<16xi32>
        %add3A_128 = arith.addi %sub3A, %add3A_127 : vector<16xi32>
        %swap3A = arith.index_cast %mul3A_122 : i32 to index
        %swap3A_129 = tpu.vector_load %arg15[%swap3A] {strides = array<i32>} : memref<2048xi32, #tpu.memory_space<vmem>>, vector<16xi32>,
        tpu.vector_store %arg15[%swap3A], %add3A_128 {strides = array<i32>} : memref<2048xi32, #tpu.memory_space<vmem>>, vector<16xi32>,
        %reduce_max3A = arith.constant true
        %reduce_max3A_130 = vector.broadcast %reduce_max3A : i1 to vector<16xi1>
        %reduce_max3A_131 = arith.constant -2147483648 : i32
        %reduce_max3A_132 = vector.broadcast %reduce_max3A_131 : i32 to vector<16xi32>
        %reduce_max3A_133 = arith.xori %masked_cumsum3A, %reduce_max3A_132 : vector<16xi32>
        %reduce_max3A_134 = tpu.scan <max>, %reduce_max3A_133 masked %reduce_max3A_130 : vector<16xi32>, vector<16xi1> -> vector<16xi32>
        %reduce_max3A_135 = arith.xori %reduce_max3A_134, %reduce_max3A_132 : vector<16xi32>
        %reduce_max3A_136 = vector.extract %reduce_max3A_135[15] : i32 from vector<16xi32>
        %add3A_137 = arith.addi %scan3A_121, %reduce_max3A_136 : i32
        scf.yield %add3A_137 : i32
      }
      %scan3A_84 = arith.constant 128 : i32
      %scan3A_85 = arith.constant 0 : i32
      %scan3A_86 = arith.constant 1250 : i32
      %scan3A_87 = arith.addi %scan3A_85, %scan3A_86 : i32
      %scan3A_88 = arith.constant 1 : i32
      scf.for %scan3A_120 = %scan3A_85 to %scan3A_87 step %scan3A_88  : i32 {
        %mul3A = arith.constant 1 : i32
        %mul3A_121 = arith.muli %scan3A_120, %mul3A : i32
        %add3A_122 = arith.constant 0 : i32
        %add3A_123 = arith.addi %add3A_122, %mul3A_121 : i32
        %mul3A_124 = arith.constant 16 : i32
        %mul3A_125 = arith.muli %add3A_123, %mul3A_124 : i32
        %get3A_126 = arith.index_cast %mul3A_125 : i32 to index
        %get3A_127 = tpu.vector_load %arg10[%get3A_126] {strides = array<i32>} : memref<20000xi32, #tpu.memory_space<vmem>>, vector<16xi32>,
        %get3A_128 = arith.index_cast %mul3A_125 : i32 to index
        %get3A_129 = tpu.vector_load %arg11[%get3A_128] {strides = array<i32>} : memref<20000xi32, #tpu.memory_space<vmem>>, vector<16xi32>,
        %broadcast_in_dim3A_130 = arith.constant 0 : i32
        %broadcast_in_dim3A_131 = vector.broadcast %broadcast_in_dim3A_130 : i32 to vector<16xi32>
        %swap3A = arith.index_cast %mul3A_125 : i32 to index
        %swap3A_132 = tpu.vector_load %arg10[%swap3A] {strides = array<i32>} : memref<20000xi32, #tpu.memory_space<vmem>>, vector<16xi32>,
        tpu.vector_store %arg10[%swap3A], %broadcast_in_dim3A_131 {strides = array<i32>} : memref<20000xi32, #tpu.memory_space<vmem>>, vector<16xi32>,
        %shift_right_logical3A = arith.constant 22 : i32
        %shift_right_logical3A_133 = vector.broadcast %shift_right_logical3A : i32 to vector<16xi32>
        %shift_right_logical3A_134 = arith.shrui %get3A_127, %shift_right_logical3A_133 : vector<16xi32>
        %and3A_135 = arith.constant 1023 : i32
        %and3A_136 = vector.broadcast %and3A_135 : i32 to vector<16xi32>
        %and3A_137 = arith.andi %shift_right_logical3A_134, %and3A_136 : vector<16xi32>
        %broadcast_in_dim3A_138 = arith.constant true
        %broadcast_in_dim3A_139 = vector.broadcast %broadcast_in_dim3A_138 : i1 to vector<16xi1>
        %unique3A_140, %unique3A_141 = tpu.scan_count mask(%broadcast_in_dim3A_139 : vector<16xi1>) value(%and3A_137 : vector<16xi32>) : vector<16xi1>, vector<16xi32>
        %gather3A = tpu.vector_load_idx %arg15[%and3A_137] : memref<2048xi32, #tpu.memory_space<vmem>>[vector<16xi32>], vector<16xi32>,
        %sub3A = vector.broadcast %reduce_min3A_14 : i32 to vector<16xi32>
        %sub3A_142 = arith.subi %unique3A_141, %sub3A : vector<16xi32>
        %add3A_143 = arith.addi %gather3A, %sub3A_142 : vector<16xi32>
        tpu.vector_store_idx %arg12[%add3A_143], %get3A_127 : memref<20000xi32, #tpu.memory_space<vmem>>[vector<16xi32>], vector<16xi32>,
        tpu.vector_store_idx %arg13[%add3A_143], %get3A_129 : memref<20016xi32, #tpu.memory_space<vmem>>[vector<16xi32>], vector<16xi32>,
        %sub3A_144 = vector.broadcast %reduce_min3A_14 : i32 to vector<16xi32>
        %sub3A_145 = arith.subi %unique3A_141, %sub3A_144 : vector<16xi32>
        %add3A_146 = arith.addi %gather3A, %sub3A_145 : vector<16xi32>
        %add3A_147 = arith.constant 1 : i32
        %add3A_148 = vector.broadcast %add3A_147 : i32 to vector<16xi32>
        %add3A_149 = arith.addi %add3A_146, %add3A_148 : vector<16xi32>
        tpu.vector_store_idx %arg15[%and3A_137], %add3A_149 masked %unique3A_140 : memref<2048xi32, #tpu.memory_space<vmem>>[vector<16xi32>], vector<16xi32>, vector<16xi1>
      }
      %scan3A_89 = arith.constant 1250 : i32
      %gt3A = arith.constant 0 : i32
      %gt3A_90 = vector.broadcast %gt3A : i32 to vector<16xi32>
      %gt3A_91 = arith.cmpi sgt, %iota3A, %gt3A_90 : vector<16xi32>
      %add3A = arith.constant 16 : i32
      %add3A_92 = vector.broadcast %add3A : i32 to vector<16xi32>
      %add3A_93 = arith.addi %iota3A, %add3A_92 : vector<16xi32>
      %broadcast_in_dim3A_94 = arith.constant 1 : i32
      %broadcast_in_dim3A_95 = vector.broadcast %broadcast_in_dim3A_94 : i32 to vector<16xi32>
      %broadcast_in_dim3A_96 = vector.broadcast %min3A_16 : i32 to vector<16xi32>
      %broadcast_in_dim3A_97 = arith.constant 0 : i32
      %broadcast_in_dim3A_98 = vector.broadcast %broadcast_in_dim3A_97 : i32 to vector<16xi32>
      %while3A = arith.constant 16383 : i32
      %while3A_99 = arith.constant 0 : i32
      %while3A_100:2 = scf.while (%while3A_120 = %while3A_99, %while3A_121 = %broadcast_in_dim3A_98) : (i32, vector<16xi32>) -> (i32, vector<16xi32>) {
        %lt3A = arith.constant 20000 : i32
        %lt3A_122 = arith.cmpi slt, %while3A_120, %lt3A : i32
        %slice3A_123 = vector.extract_strided_slice %while3A_121 {offsets = [0], sizes = [1], strides = [1]} : vector<16xi32> to vector<1xi32>
        %squeeze3A_124 = vector.extract %slice3A_123[0] : i32 from vector<1xi32>
        %lt3A_125 = arith.cmpi slt, %squeeze3A_124, %min3A_16 : i32
        %and3A_126 = arith.andi %lt3A_122, %lt3A_125 : i1
        scf.condition(%and3A_126) %while3A_120, %while3A_121 : i32, vector<16xi32>
      } do {
      ^bb0(%while3A_120: i32, %while3A_121: vector<16xi32>):
        %get3A_122 = arith.index_cast %while3A_120 : i32 to index
        %get3A_123 = tpu.vector_load %arg13[%get3A_122] {strides = array<i32>} : memref<20016xi32, #tpu.memory_space<vmem>>, vector<16xi32>,
        %gather3A = tpu.vector_load_idx %arg14[%get3A_123] : memref<20016xi32, #tpu.memory_space<vmem>>[vector<16xi32>], vector<16xi32>,
        %and3A_124 = arith.constant 8191 : i32
        %and3A_125 = vector.broadcast %and3A_124 : i32 to vector<16xi32>
        %and3A_126 = arith.andi %gather3A, %and3A_125 : vector<16xi32>
        %swap3A = arith.constant 16 : index
        %swap3A_127 = tpu.vector_load %arg22[%swap3A] {strides = array<i32>} : memref<32xi32, #tpu.memory_space<vmem>>, vector<16xi32>,
        tpu.vector_store %arg22[%swap3A], %and3A_126 {strides = array<i32>} : memref<32xi32, #tpu.memory_space<vmem>>, vector<16xi32>,
        %and3A_128 = arith.constant 8191 : i32
        %and3A_129 = vector.broadcast %and3A_128 : i32 to vector<16xi32>
        %and3A_130 = arith.andi %gather3A, %and3A_129 : vector<16xi32>
        %shift_right_logical3A = arith.constant 13 : i32
        %shift_right_logical3A_131 = vector.broadcast %shift_right_logical3A : i32 to vector<16xi32>
        %shift_right_logical3A_132 = arith.shrui %gather3A, %shift_right_logical3A_131 : vector<16xi32>
        %add3A_133 = arith.addi %and3A_130, %shift_right_logical3A_132 : vector<16xi32>
        %swap3A_134 = arith.constant 16 : index
        %swap3A_135 = tpu.vector_load %arg23[%swap3A_134] {strides = array<i32>} : memref<32xi32, #tpu.memory_space<vmem>>, vector<16xi32>,
        tpu.vector_store %arg23[%swap3A_134], %add3A_133 {strides = array<i32>} : memref<32xi32, #tpu.memory_space<vmem>>, vector<16xi32>,
        %broadcast_in_dim3A_136 = arith.constant false
        %broadcast_in_dim3A_137 = vector.broadcast %broadcast_in_dim3A_136 : i1 to vector<16xi1>
        %broadcast_in_dim3A_138 = arith.constant 16 : i32
        %broadcast_in_dim3A_139 = vector.broadcast %broadcast_in_dim3A_138 : i32 to vector<16xi32>
        %gather3A_140 = tpu.vector_load_idx %arg22[%broadcast_in_dim3A_139] : memref<32xi32, #tpu.memory_space<vmem>>[vector<16xi32>], vector<16xi32>,
        %gather3A_141 = tpu.vector_load_idx %arg23[%broadcast_in_dim3A_139] : memref<32xi32, #tpu.memory_space<vmem>>[vector<16xi32>], vector<16xi32>,
        %add3A_142 = arith.addi %gather3A_140, %iota3A : vector<16xi32>
        %add3A_143 = arith.addi %gather3A_140, %add3A_93 : vector<16xi32>
        %gather3A_144 = tpu.vector_load_idx %arg16[%add3A_142] : memref<8224xi32, #tpu.memory_space<vmem>>[vector<16xi32>], vector<16xi32>,
        %gather3A_145 = tpu.vector_load_idx %arg16[%add3A_143] : memref<8224xi32, #tpu.memory_space<vmem>>[vector<16xi32>], vector<16xi32>,
        %and3A_146 = vector.broadcast %while3A : i32 to vector<16xi32>
        %and3A_147 = arith.andi %gather3A_144, %and3A_146 : vector<16xi32>
        %and3A_148 = vector.broadcast %while3A : i32 to vector<16xi32>
        %and3A_149 = arith.andi %gather3A_145, %and3A_148 : vector<16xi32>
        %shift_right_logical3A_150 = arith.constant 14 : i32
        %shift_right_logical3A_151 = vector.broadcast %shift_right_logical3A_150 : i32 to vector<16xi32>
        %shift_right_logical3A_152 = arith.shrui %gather3A_144, %shift_right_logical3A_151 : vector<16xi32>
        %shift_right_logical3A_153 = arith.constant 14 : i32
        %shift_right_logical3A_154 = vector.broadcast %shift_right_logical3A_153 : i32 to vector<16xi32>
        %shift_right_logical3A_155 = arith.shrui %gather3A_145, %shift_right_logical3A_154 : vector<16xi32>
        %le3A = arith.cmpi sle, %add3A_142, %gather3A_141 : vector<16xi32>
        %gt3A_156 = arith.cmpi sgt, %and3A_147, %gather3A_141 : vector<16xi32>
        %and3A_157 = arith.andi %gt3A_91, %gt3A_156 : vector<16xi1>
        %lt3A = arith.cmpi slt, %add3A_142, %gather3A_141 : vector<16xi32>
        %lt3A_158 = arith.cmpi slt, %shift_right_logical3A_152, %gather3A_140 : vector<16xi32>
        %and3A_159 = arith.andi %lt3A, %lt3A_158 : vector<16xi1>
        %or3A = arith.ori %and3A_157, %and3A_159 : vector<16xi1>
        %and3A_160 = arith.andi %le3A, %or3A : vector<16xi1>
        %le3A_161 = arith.cmpi sle, %add3A_143, %gather3A_141 : vector<16xi32>
        %gt3A_162 = arith.cmpi sgt, %and3A_149, %gather3A_141 : vector<16xi32>
        %lt3A_163 = arith.cmpi slt, %add3A_143, %gather3A_141 : vector<16xi32>
        %lt3A_164 = arith.cmpi slt, %shift_right_logical3A_155, %gather3A_140 : vector<16xi32>
        %and3A_165 = arith.andi %lt3A_163, %lt3A_164 : vector<16xi1>
        %or3A_166 = arith.ori %gt3A_162, %and3A_165 : vector<16xi1>
        %and3A_167 = arith.andi %le3A_161, %or3A_166 : vector<16xi1>
        %or3A_168 = arith.ori %and3A_160, %and3A_167 : vector<16xi1>
        %all_reduce_population_count3A = tpu.all_reduce %or3A_168 {dim = 0 : i64, kind = #tpu.reduction_kind<sum>} : vector<16xi1> -> vector<16xi32>
        %eq3A_169 = arith.constant 0 : i32
        %eq3A_170 = vector.broadcast %eq3A_169 : i32 to vector<16xi32>
        %eq3A_171 = arith.cmpi eq, %all_reduce_population_count3A, %eq3A_170 : vector<16xi32>
        %lt3A_172 = arith.cmpi slt, %while3A_121, %broadcast_in_dim3A_96 : vector<16xi32>
        %and3A_173 = arith.andi %eq3A_171, %lt3A_172 : vector<16xi1>
        %and3A_174 = arith.andi %and3A_173, %eq3A_19 : vector<16xi1>
        %eq3A_175 = arith.constant 0 : i32
        %eq3A_176 = vector.broadcast %eq3A_175 : i32 to vector<16xi32>
        %eq3A_177 = arith.cmpi eq, %iota3A, %eq3A_176 : vector<16xi32>
        %and3A_178 = arith.andi %and3A_173, %eq3A_177 : vector<16xi1>
        %or3A_179 = arith.ori %broadcast_in_dim3A_137, %and3A_178 : vector<16xi1>
        %and3A_180 = vector.broadcast %while3A : i32 to vector<16xi32>
        %and3A_181 = arith.andi %gather3A_144, %and3A_180 : vector<16xi32>
        %max3A = arith.maxsi %and3A_181, %gather3A_141 : vector<16xi32>
        %shift_right_logical3A_182 = arith.constant 14 : i32
        %shift_right_logical3A_183 = vector.broadcast %shift_right_logical3A_182 : i32 to vector<16xi32>
        %shift_right_logical3A_184 = arith.shrui %gather3A_144, %shift_right_logical3A_183 : vector<16xi32>
        %shift_left3A = arith.constant 14 : i32
        %shift_left3A_185 = vector.broadcast %shift_left3A : i32 to vector<16xi32>
        %shift_left3A_186 = arith.shli %shift_right_logical3A_184, %shift_left3A_185 : vector<16xi32>
        %or3A_187 = arith.ori %max3A, %shift_left3A_186 : vector<16xi32>
        tpu.vector_store_idx %arg16[%add3A_142], %or3A_187 masked %and3A_174 : memref<8224xi32, #tpu.memory_space<vmem>>[vector<16xi32>], vector<16xi32>, vector<16xi1>
        %gather3A_188 = tpu.vector_load_idx %arg16[%gather3A_141] : memref<8224xi32, #tpu.memory_space<vmem>>[vector<16xi32>], vector<16xi32>,
        %and3A_189 = vector.broadcast %while3A : i32 to vector<16xi32>
        %and3A_190 = arith.andi %gather3A_188, %and3A_189 : vector<16xi32>
        %shift_right_logical3A_191 = arith.constant 14 : i32
        %shift_right_logical3A_192 = vector.broadcast %shift_right_logical3A_191 : i32 to vector<16xi32>
        %shift_right_logical3A_193 = arith.shrui %gather3A_188, %shift_right_logical3A_192 : vector<16xi32>
        %min3A_194 = arith.minsi %shift_right_logical3A_193, %gather3A_140 : vector<16xi32>
        %shift_left3A_195 = arith.constant 14 : i32
        %shift_left3A_196 = vector.broadcast %shift_left3A_195 : i32 to vector<16xi32>
        %shift_left3A_197 = arith.shli %min3A_194, %shift_left3A_196 : vector<16xi32>
        %or3A_198 = arith.ori %and3A_190, %shift_left3A_197 : vector<16xi32>
        tpu.vector_store_idx %arg16[%gather3A_141], %or3A_198 masked %and3A_174 : memref<8224xi32, #tpu.memory_space<vmem>>[vector<16xi32>], vector<16xi32>, vector<16xi1>
        %convert_element_type3A_199 = arith.extui %and3A_173 : vector<16xi1> to vector<16xi32>
        %add3A_200 = arith.addi %while3A_121, %convert_element_type3A_199 : vector<16xi32>
        %broadcast_in_dim3A_201 = arith.constant 17 : i32
        %broadcast_in_dim3A_202 = vector.broadcast %broadcast_in_dim3A_201 : i32 to vector<16xi32>
        %gather3A_203 = tpu.vector_load_idx %arg22[%broadcast_in_dim3A_202] : memref<32xi32, #tpu.memory_space<vmem>>[vector<16xi32>], vector<16xi32>,
        %gather3A_204 = tpu.vector_load_idx %arg23[%broadcast_in_dim3A_202] : memref<32xi32, #tpu.memory_space<vmem>>[vector<16xi32>], vector<16xi32>,
        %add3A_205 = arith.addi %gather3A_203, %iota3A : vector<16xi32>
        %add3A_206 = arith.addi %gather3A_203, %add3A_93 : vector<16xi32>
        %gather3A_207 = tpu.vector_load_idx %arg16[%add3A_205] : memref<8224xi32, #tpu.memory_space<vmem>>[vector<16xi32>], vector<16xi32>,
        %gather3A_208 = tpu.vector_load_idx %arg16[%add3A_206] : memref<8224xi32, #tpu.memory_space<vmem>>[vector<16xi32>], vector<16xi32>,
        %and3A_209 = vector.broadcast %while3A : i32 to vector<16xi32>
        %and3A_210 = arith.andi %gather3A_207, %and3A_209 : vector<16xi32>
        %and3A_211 = vector.broadcast %while3A : i32 to vector<16xi32>
        %and3A_212 = arith.andi %gather3A_208, %and3A_211 : vector<16xi32>
        %shift_right_logical3A_213 = arith.constant 14 : i32
        %shift_right_logical3A_214 = vector.broadcast %shift_right_logical3A_213 : i32 to vector<16xi32>
        %shift_right_logical3A_215 = arith.shrui %gather3A_207, %shift_right_logical3A_214 : vector<16xi32>
        %shift_right_logical3A_216 = arith.constant 14 : i32
        %shift_right_logical3A_217 = vector.broadcast %shift_right_logical3A_216 : i32 to vector<16xi32>
        %shift_right_logical3A_218 = arith.shrui %gather3A_208, %shift_right_logical3A_217 : vector<16xi32>
        %le3A_219 = arith.cmpi sle, %add3A_205, %gather3A_204 : vector<16xi32>
        %gt3A_220 = arith.cmpi sgt, %and3A_210, %gather3A_204 : vector<16xi32>
        %and3A_221 = arith.andi %gt3A_91, %gt3A_220 : vector<16xi1>
        %lt3A_222 = arith.cmpi slt, %add3A_205, %gather3A_204 : vector<16xi32>
        %lt3A_223 = arith.cmpi slt, %shift_right_logical3A_215, %gather3A_203 : vector<16xi32>
        %and3A_224 = arith.andi %lt3A_222, %lt3A_223 : vector<16xi1>
        %or3A_225 = arith.ori %and3A_221, %and3A_224 : vector<16xi1>
        %and3A_226 = arith.andi %le3A_219, %or3A_225 : vector<16xi1>
        %le3A_227 = arith.cmpi sle, %add3A_206, %gather3A_204 : vector<16xi32>
        %gt3A_228 = arith.cmpi sgt, %and3A_212, %gather3A_204 : vector<16xi32>
        %lt3A_229 = arith.cmpi slt, %add3A_206, %gather3A_204 : vector<16xi32>
        %lt3A_230 = arith.cmpi slt, %shift_right_logical3A_218, %gather3A_203 : vector<16xi32>
        %and3A_231 = arith.andi %lt3A_229, %lt3A_230 : vector<16xi1>
        %or3A_232 = arith.ori %gt3A_228, %and3A_231 : vector<16xi1>
        %and3A_233 = arith.andi %le3A_227, %or3A_232 : vector<16xi1>
        %or3A_234 = arith.ori %and3A_226, %and3A_233 : vector<16xi1>
        %all_reduce_population_count3A_235 = tpu.all_reduce %or3A_234 {dim = 0 : i64, kind = #tpu.reduction_kind<sum>} : vector<16xi1> -> vector<16xi32>
        %eq3A_236 = arith.constant 0 : i32
        %eq3A_237 = vector.broadcast %eq3A_236 : i32 to vector<16xi32>
        %eq3A_238 = arith.cmpi eq, %all_reduce_population_count3A_235, %eq3A_237 : vector<16xi32>
        %lt3A_239 = arith.cmpi slt, %add3A_200, %broadcast_in_dim3A_96 : vector<16xi32>
        %and3A_240 = arith.andi %eq3A_238, %lt3A_239 : vector<16xi1>
        %and3A_241 = arith.andi %and3A_240, %eq3A_19 : vector<16xi1>
        %eq3A_242 = arith.constant 1 : i32
        %eq3A_243 = vector.broadcast %eq3A_242 : i32 to vector<16xi32>
        %eq3A_244 = arith.cmpi eq, %iota3A, %eq3A_243 : vector<16xi32>
        %and3A_245 = arith.andi %and3A_240, %eq3A_244 : vector<16xi1>
        %or3A_246 = arith.ori %or3A_179, %and3A_245 : vector<16xi1>
        %and3A_247 = vector.broadcast %while3A : i32 to vector<16xi32>
        %and3A_248 = arith.andi %gather3A_207, %and3A_247 : vector<16xi32>
        %max3A_249 = arith.maxsi %and3A_248, %gather3A_204 : vector<16xi32>
        %shift_right_logical3A_250 = arith.constant 14 : i32
        %shift_right_logical3A_251 = vector.broadcast %shift_right_logical3A_250 : i32 to vector<16xi32>
        %shift_right_logical3A_252 = arith.shrui %gather3A_207, %shift_right_logical3A_251 : vector<16xi32>
        %shift_left3A_253 = arith.constant 14 : i32
        %shift_left3A_254 = vector.broadcast %shift_left3A_253 : i32 to vector<16xi32>
        %shift_left3A_255 = arith.shli %shift_right_logical3A_252, %shift_left3A_254 : vector<16xi32>
        %or3A_256 = arith.ori %max3A_249, %shift_left3A_255 : vector<16xi32>
        tpu.vector_store_idx %arg16[%add3A_205], %or3A_256 masked %and3A_241 : memref<8224xi32, #tpu.memory_space<vmem>>[vector<16xi32>], vector<16xi32>, vector<16xi1>
        %gather3A_257 = tpu.vector_load_idx %arg16[%gather3A_204] : memref<8224xi32, #tpu.memory_space<vmem>>[vector<16xi32>], vector<16xi32>,
        %and3A_258 = vector.broadcast %while3A : i32 to vector<16xi32>
        %and3A_259 = arith.andi %gather3A_257, %and3A_258 : vector<16xi32>
        %shift_right_logical3A_260 = arith.constant 14 : i32
        %shift_right_logical3A_261 = vector.broadcast %shift_right_logical3A_260 : i32 to vector<16xi32>
        %shift_right_logical3A_262 = arith.shrui %gather3A_257, %shift_right_logical3A_261 : vector<16xi32>
        %min3A_263 = arith.minsi %shift_right_logical3A_262, %gather3A_203 : vector<16xi32>
        %shift_left3A_264 = arith.constant 14 : i32
        %shift_left3A_265 = vector.broadcast %shift_left3A_264 : i32 to vector<16xi32>
        %shift_left3A_266 = arith.shli %min3A_263, %shift_left3A_265 : vector<16xi32>
        %or3A_267 = arith.ori %and3A_259, %shift_left3A_266 : vector<16xi32>
        tpu.vector_store_idx %arg16[%gather3A_204], %or3A_267 masked %and3A_241 : memref<8224xi32, #tpu.memory_space<vmem>>[vector<16xi32>], vector<16xi32>, vector<16xi1>
        %convert_element_type3A_268 = arith.extui %and3A_240 : vector<16xi1> to vector<16xi32>
        %add3A_269 = arith.addi %add3A_200, %convert_element_type3A_268 : vector<16xi32>
        %broadcast_in_dim3A_270 = arith.constant 18 : i32
        %broadcast_in_dim3A_271 = vector.broadcast %broadcast_in_dim3A_270 : i32 to vector<16xi32>
        %gather3A_272 = tpu.vector_load_idx %arg22[%broadcast_in_dim3A_271] : memref<32xi32, #tpu.memory_space<vmem>>[vector<16xi32>], vector<16xi32>,
        %gather3A_273 = tpu.vector_load_idx %arg23[%broadcast_in_dim3A_271] : memref<32xi32, #tpu.memory_space<vmem>>[vector<16xi32>], vector<16xi32>,
        %add3A_274 = arith.addi %gather3A_272, %iota3A : vector<16xi32>
        %add3A_275 = arith.addi %gather3A_272, %add3A_93 : vector<16xi32>
        %gather3A_276 = tpu.vector_load_idx %arg16[%add3A_274] : memref<8224xi32, #tpu.memory_space<vmem>>[vector<16xi32>], vector<16xi32>,
        %gather3A_277 = tpu.vector_load_idx %arg16[%add3A_275] : memref<8224xi32, #tpu.memory_space<vmem>>[vector<16xi32>], vector<16xi32>,
        %and3A_278 = vector.broadcast %while3A : i32 to vector<16xi32>
        %and3A_279 = arith.andi %gather3A_276, %and3A_278 : vector<16xi32>
        %and3A_280 = vector.broadcast %while3A : i32 to vector<16xi32>
        %and3A_281 = arith.andi %gather3A_277, %and3A_280 : vector<16xi32>
        %shift_right_logical3A_282 = arith.constant 14 : i32
        %shift_right_logical3A_283 = vector.broadcast %shift_right_logical3A_282 : i32 to vector<16xi32>
        %shift_right_logical3A_284 = arith.shrui %gather3A_276, %shift_right_logical3A_283 : vector<16xi32>
        %shift_right_logical3A_285 = arith.constant 14 : i32
        %shift_right_logical3A_286 = vector.broadcast %shift_right_logical3A_285 : i32 to vector<16xi32>
        %shift_right_logical3A_287 = arith.shrui %gather3A_277, %shift_right_logical3A_286 : vector<16xi32>
        %le3A_288 = arith.cmpi sle, %add3A_274, %gather3A_273 : vector<16xi32>
        %gt3A_289 = arith.cmpi sgt, %and3A_279, %gather3A_273 : vector<16xi32>
        %and3A_290 = arith.andi %gt3A_91, %gt3A_289 : vector<16xi1>
        %lt3A_291 = arith.cmpi slt, %add3A_274, %gather3A_273 : vector<16xi32>
        %lt3A_292 = arith.cmpi slt, %shift_right_logical3A_284, %gather3A_272 : vector<16xi32>
        %and3A_293 = arith.andi %lt3A_291, %lt3A_292 : vector<16xi1>
        %or3A_294 = arith.ori %and3A_290, %and3A_293 : vector<16xi1>
        %and3A_295 = arith.andi %le3A_288, %or3A_294 : vector<16xi1>
        %le3A_296 = arith.cmpi sle, %add3A_275, %gather3A_273 : vector<16xi32>
        %gt3A_297 = arith.cmpi sgt, %and3A_281, %gather3A_273 : vector<16xi32>
        %lt3A_298 = arith.cmpi slt, %add3A_275, %gather3A_273 : vector<16xi32>
        %lt3A_299 = arith.cmpi slt, %shift_right_logical3A_287, %gather3A_272 : vector<16xi32>
        %and3A_300 = arith.andi %lt3A_298, %lt3A_299 : vector<16xi1>
        %or3A_301 = arith.ori %gt3A_297, %and3A_300 : vector<16xi1>
        %and3A_302 = arith.andi %le3A_296, %or3A_301 : vector<16xi1>
        %or3A_303 = arith.ori %and3A_295, %and3A_302 : vector<16xi1>
        %all_reduce_population_count3A_304 = tpu.all_reduce %or3A_303 {dim = 0 : i64, kind = #tpu.reduction_kind<sum>} : vector<16xi1> -> vector<16xi32>
        %eq3A_305 = arith.constant 0 : i32
        %eq3A_306 = vector.broadcast %eq3A_305 : i32 to vector<16xi32>
        %eq3A_307 = arith.cmpi eq, %all_reduce_population_count3A_304, %eq3A_306 : vector<16xi32>
        %lt3A_308 = arith.cmpi slt, %add3A_269, %broadcast_in_dim3A_96 : vector<16xi32>
        %and3A_309 = arith.andi %eq3A_307, %lt3A_308 : vector<16xi1>
        %and3A_310 = arith.andi %and3A_309, %eq3A_19 : vector<16xi1>
        %eq3A_311 = arith.constant 2 : i32
        %eq3A_312 = vector.broadcast %eq3A_311 : i32 to vector<16xi32>
        %eq3A_313 = arith.cmpi eq, %iota3A, %eq3A_312 : vector<16xi32>
        %and3A_314 = arith.andi %and3A_309, %eq3A_313 : vector<16xi1>
        %or3A_315 = arith.ori %or3A_246, %and3A_314 : vector<16xi1>
        %and3A_316 = vector.broadcast %while3A : i32 to vector<16xi32>
        %and3A_317 = arith.andi %gather3A_276, %and3A_316 : vector<16xi32>
        %max3A_318 = arith.maxsi %and3A_317, %gather3A_273 : vector<16xi32>
        %shift_right_logical3A_319 = arith.constant 14 : i32
        %shift_right_logical3A_320 = vector.broadcast %shift_right_logical3A_319 : i32 to vector<16xi32>
        %shift_right_logical3A_321 = arith.shrui %gather3A_276, %shift_right_logical3A_320 : vector<16xi32>
        %shift_left3A_322 = arith.constant 14 : i32
        %shift_left3A_323 = vector.broadcast %shift_left3A_322 : i32 to vector<16xi32>
        %shift_left3A_324 = arith.shli %shift_right_logical3A_321, %shift_left3A_323 : vector<16xi32>
        %or3A_325 = arith.ori %max3A_318, %shift_left3A_324 : vector<16xi32>
        tpu.vector_store_idx %arg16[%add3A_274], %or3A_325 masked %and3A_310 : memref<8224xi32, #tpu.memory_space<vmem>>[vector<16xi32>], vector<16xi32>, vector<16xi1>
        %gather3A_326 = tpu.vector_load_idx %arg16[%gather3A_273] : memref<8224xi32, #tpu.memory_space<vmem>>[vector<16xi32>], vector<16xi32>,
        %and3A_327 = vector.broadcast %while3A : i32 to vector<16xi32>
        %and3A_328 = arith.andi %gather3A_326, %and3A_327 : vector<16xi32>
        %shift_right_logical3A_329 = arith.constant 14 : i32
        %shift_right_logical3A_330 = vector.broadcast %shift_right_logical3A_329 : i32 to vector<16xi32>
        %shift_right_logical3A_331 = arith.shrui %gather3A_326, %shift_right_logical3A_330 : vector<16xi32>
        %min3A_332 = arith.minsi %shift_right_logical3A_331, %gather3A_272 : vector<16xi32>
        %shift_left3A_333 = arith.constant 14 : i32
        %shift_left3A_334 = vector.broadcast %shift_left3A_333 : i32 to vector<16xi32>
        %shift_left3A_335 = arith.shli %min3A_332, %shift_left3A_334 : vector<16xi32>
        %or3A_336 = arith.ori %and3A_328, %shift_left3A_335 : vector<16xi32>
        tpu.vector_store_idx %arg16[%gather3A_273], %or3A_336 masked %and3A_310 : memref<8224xi32, #tpu.memory_space<vmem>>[vector<16xi32>], vector<16xi32>, vector<16xi1>
        %convert_element_type3A_337 = arith.extui %and3A_309 : vector<16xi1> to vector<16xi32>
        %add3A_338 = arith.addi %add3A_269, %convert_element_type3A_337 : vector<16xi32>
        %broadcast_in_dim3A_339 = arith.constant 19 : i32
        %broadcast_in_dim3A_340 = vector.broadcast %broadcast_in_dim3A_339 : i32 to vector<16xi32>
        %gather3A_341 = tpu.vector_load_idx %arg22[%broadcast_in_dim3A_340] : memref<32xi32, #tpu.memory_space<vmem>>[vector<16xi32>], vector<16xi32>,
        %gather3A_342 = tpu.vector_load_idx %arg23[%broadcast_in_dim3A_340] : memref<32xi32, #tpu.memory_space<vmem>>[vector<16xi32>], vector<16xi32>,
        %add3A_343 = arith.addi %gather3A_341, %iota3A : vector<16xi32>
        %add3A_344 = arith.addi %gather3A_341, %add3A_93 : vector<16xi32>
        %gather3A_345 = tpu.vector_load_idx %arg16[%add3A_343] : memref<8224xi32, #tpu.memory_space<vmem>>[vector<16xi32>], vector<16xi32>,
        %gather3A_346 = tpu.vector_load_idx %arg16[%add3A_344] : memref<8224xi32, #tpu.memory_space<vmem>>[vector<16xi32>], vector<16xi32>,
        %and3A_347 = vector.broadcast %while3A : i32 to vector<16xi32>
        %and3A_348 = arith.andi %gather3A_345, %and3A_347 : vector<16xi32>
        %and3A_349 = vector.broadcast %while3A : i32 to vector<16xi32>
        %and3A_350 = arith.andi %gather3A_346, %and3A_349 : vector<16xi32>
        %shift_right_logical3A_351 = arith.constant 14 : i32
        %shift_right_logical3A_352 = vector.broadcast %shift_right_logical3A_351 : i32 to vector<16xi32>
        %shift_right_logical3A_353 = arith.shrui %gather3A_345, %shift_right_logical3A_352 : vector<16xi32>
        %shift_right_logical3A_354 = arith.constant 14 : i32
        %shift_right_logical3A_355 = vector.broadcast %shift_right_logical3A_354 : i32 to vector<16xi32>
        %shift_right_logical3A_356 = arith.shrui %gather3A_346, %shift_right_logical3A_355 : vector<16xi32>
        %le3A_357 = arith.cmpi sle, %add3A_343, %gather3A_342 : vector<16xi32>
        %gt3A_358 = arith.cmpi sgt, %and3A_348, %gather3A_342 : vector<16xi32>
        %and3A_359 = arith.andi %gt3A_91, %gt3A_358 : vector<16xi1>
        %lt3A_360 = arith.cmpi slt, %add3A_343, %gather3A_342 : vector<16xi32>
        %lt3A_361 = arith.cmpi slt, %shift_right_logical3A_353, %gather3A_341 : vector<16xi32>
        %and3A_362 = arith.andi %lt3A_360, %lt3A_361 : vector<16xi1>
        %or3A_363 = arith.ori %and3A_359, %and3A_362 : vector<16xi1>
        %and3A_364 = arith.andi %le3A_357, %or3A_363 : vector<16xi1>
        %le3A_365 = arith.cmpi sle, %add3A_344, %gather3A_342 : vector<16xi32>
        %gt3A_366 = arith.cmpi sgt, %and3A_350, %gather3A_342 : vector<16xi32>
        %lt3A_367 = arith.cmpi slt, %add3A_344, %gather3A_342 : vector<16xi32>
        %lt3A_368 = arith.cmpi slt, %shift_right_logical3A_356, %gather3A_341 : vector<16xi32>
        %and3A_369 = arith.andi %lt3A_367, %lt3A_368 : vector<16xi1>
        %or3A_370 = arith.ori %gt3A_366, %and3A_369 : vector<16xi1>
        %and3A_371 = arith.andi %le3A_365, %or3A_370 : vector<16xi1>
        %or3A_372 = arith.ori %and3A_364, %and3A_371 : vector<16xi1>
        %all_reduce_population_count3A_373 = tpu.all_reduce %or3A_372 {dim = 0 : i64, kind = #tpu.reduction_kind<sum>} : vector<16xi1> -> vector<16xi32>
        %eq3A_374 = arith.constant 0 : i32
        %eq3A_375 = vector.broadcast %eq3A_374 : i32 to vector<16xi32>
        %eq3A_376 = arith.cmpi eq, %all_reduce_population_count3A_373, %eq3A_375 : vector<16xi32>
        %lt3A_377 = arith.cmpi slt, %add3A_338, %broadcast_in_dim3A_96 : vector<16xi32>
        %and3A_378 = arith.andi %eq3A_376, %lt3A_377 : vector<16xi1>
        %and3A_379 = arith.andi %and3A_378, %eq3A_19 : vector<16xi1>
        %eq3A_380 = arith.constant 3 : i32
        %eq3A_381 = vector.broadcast %eq3A_380 : i32 to vector<16xi32>
        %eq3A_382 = arith.cmpi eq, %iota3A, %eq3A_381 : vector<16xi32>
        %and3A_383 = arith.andi %and3A_378, %eq3A_382 : vector<16xi1>
        %or3A_384 = arith.ori %or3A_315, %and3A_383 : vector<16xi1>
        %and3A_385 = vector.broadcast %while3A : i32 to vector<16xi32>
        %and3A_386 = arith.andi %gather3A_345, %and3A_385 : vector<16xi32>
        %max3A_387 = arith.maxsi %and3A_386, %gather3A_342 : vector<16xi32>
        %shift_right_logical3A_388 = arith.constant 14 : i32
        %shift_right_logical3A_389 = vector.broadcast %shift_right_logical3A_388 : i32 to vector<16xi32>
        %shift_right_logical3A_390 = arith.shrui %gather3A_345, %shift_right_logical3A_389 : vector<16xi32>
        %shift_left3A_391 = arith.constant 14 : i32
        %shift_left3A_392 = vector.broadcast %shift_left3A_391 : i32 to vector<16xi32>
        %shift_left3A_393 = arith.shli %shift_right_logical3A_390, %shift_left3A_392 : vector<16xi32>
        %or3A_394 = arith.ori %max3A_387, %shift_left3A_393 : vector<16xi32>
        tpu.vector_store_idx %arg16[%add3A_343], %or3A_394 masked %and3A_379 : memref<8224xi32, #tpu.memory_space<vmem>>[vector<16xi32>], vector<16xi32>, vector<16xi1>
        %gather3A_395 = tpu.vector_load_idx %arg16[%gather3A_342] : memref<8224xi32, #tpu.memory_space<vmem>>[vector<16xi32>], vector<16xi32>,
        %and3A_396 = vector.broadcast %while3A : i32 to vector<16xi32>
        %and3A_397 = arith.andi %gather3A_395, %and3A_396 : vector<16xi32>
        %shift_right_logical3A_398 = arith.constant 14 : i32
        %shift_right_logical3A_399 = vector.broadcast %shift_right_logical3A_398 : i32 to vector<16xi32>
        %shift_right_logical3A_400 = arith.shrui %gather3A_395, %shift_right_logical3A_399 : vector<16xi32>
        %min3A_401 = arith.minsi %shift_right_logical3A_400, %gather3A_341 : vector<16xi32>
        %shift_left3A_402 = arith.constant 14 : i32
        %shift_left3A_403 = vector.broadcast %shift_left3A_402 : i32 to vector<16xi32>
        %shift_left3A_404 = arith.shli %min3A_401, %shift_left3A_403 : vector<16xi32>
        %or3A_405 = arith.ori %and3A_397, %shift_left3A_404 : vector<16xi32>
        tpu.vector_store_idx %arg16[%gather3A_342], %or3A_405 masked %and3A_379 : memref<8224xi32, #tpu.memory_space<vmem>>[vector<16xi32>], vector<16xi32>, vector<16xi1>
        %convert_element_type3A_406 = arith.extui %and3A_378 : vector<16xi1> to vector<16xi32>
        %add3A_407 = arith.addi %add3A_338, %convert_element_type3A_406 : vector<16xi32>
        %broadcast_in_dim3A_408 = arith.constant 20 : i32
        %broadcast_in_dim3A_409 = vector.broadcast %broadcast_in_dim3A_408 : i32 to vector<16xi32>
        %gather3A_410 = tpu.vector_load_idx %arg22[%broadcast_in_dim3A_409] : memref<32xi32, #tpu.memory_space<vmem>>[vector<16xi32>], vector<16xi32>,
        %gather3A_411 = tpu.vector_load_idx %arg23[%broadcast_in_dim3A_409] : memref<32xi32, #tpu.memory_space<vmem>>[vector<16xi32>], vector<16xi32>,
        %add3A_412 = arith.addi %gather3A_410, %iota3A : vector<16xi32>
        %add3A_413 = arith.addi %gather3A_410, %add3A_93 : vector<16xi32>
        %gather3A_414 = tpu.vector_load_idx %arg16[%add3A_412] : memref<8224xi32, #tpu.memory_space<vmem>>[vector<16xi32>], vector<16xi32>,
        %gather3A_415 = tpu.vector_load_idx %arg16[%add3A_413] : memref<8224xi32, #tpu.memory_space<vmem>>[vector<16xi32>], vector<16xi32>,
        %and3A_416 = vector.broadcast %while3A : i32 to vector<16xi32>
        %and3A_417 = arith.andi %gather3A_414, %and3A_416 : vector<16xi32>
        %and3A_418 = vector.broadcast %while3A : i32 to vector<16xi32>
        %and3A_419 = arith.andi %gather3A_415, %and3A_418 : vector<16xi32>
        %shift_right_logical3A_420 = arith.constant 14 : i32
        %shift_right_logical3A_421 = vector.broadcast %shift_right_logical3A_420 : i32 to vector<16xi32>
        %shift_right_logical3A_422 = arith.shrui %gather3A_414, %shift_right_logical3A_421 : vector<16xi32>
        %shift_right_logical3A_423 = arith.constant 14 : i32
        %shift_right_logical3A_424 = vector.broadcast %shift_right_logical3A_423 : i32 to vector<16xi32>
        %shift_right_logical3A_425 = arith.shrui %gather3A_415, %shift_right_logical3A_424 : vector<16xi32>
        %le3A_426 = arith.cmpi sle, %add3A_412, %gather3A_411 : vector<16xi32>
        %gt3A_427 = arith.cmpi sgt, %and3A_417, %gather3A_411 : vector<16xi32>
        %and3A_428 = arith.andi %gt3A_91, %gt3A_427 : vector<16xi1>
        %lt3A_429 = arith.cmpi slt, %add3A_412, %gather3A_411 : vector<16xi32>
        %lt3A_430 = arith.cmpi slt, %shift_right_logical3A_422, %gather3A_410 : vector<16xi32>
        %and3A_431 = arith.andi %lt3A_429, %lt3A_430 : vector<16xi1>
        %or3A_432 = arith.ori %and3A_428, %and3A_431 : vector<16xi1>
        %and3A_433 = arith.andi %le3A_426, %or3A_432 : vector<16xi1>
        %le3A_434 = arith.cmpi sle, %add3A_413, %gather3A_411 : vector<16xi32>
        %gt3A_435 = arith.cmpi sgt, %and3A_419, %gather3A_411 : vector<16xi32>
        %lt3A_436 = arith.cmpi slt, %add3A_413, %gather3A_411 : vector<16xi32>
        %lt3A_437 = arith.cmpi slt, %shift_right_logical3A_425, %gather3A_410 : vector<16xi32>
        %and3A_438 = arith.andi %lt3A_436, %lt3A_437 : vector<16xi1>
        %or3A_439 = arith.ori %gt3A_435, %and3A_438 : vector<16xi1>
        %and3A_440 = arith.andi %le3A_434, %or3A_439 : vector<16xi1>
        %or3A_441 = arith.ori %and3A_433, %and3A_440 : vector<16xi1>
        %all_reduce_population_count3A_442 = tpu.all_reduce %or3A_441 {dim = 0 : i64, kind = #tpu.reduction_kind<sum>} : vector<16xi1> -> vector<16xi32>
        %eq3A_443 = arith.constant 0 : i32
        %eq3A_444 = vector.broadcast %eq3A_443 : i32 to vector<16xi32>
        %eq3A_445 = arith.cmpi eq, %all_reduce_population_count3A_442, %eq3A_444 : vector<16xi32>
        %lt3A_446 = arith.cmpi slt, %add3A_407, %broadcast_in_dim3A_96 : vector<16xi32>
        %and3A_447 = arith.andi %eq3A_445, %lt3A_446 : vector<16xi1>
        %and3A_448 = arith.andi %and3A_447, %eq3A_19 : vector<16xi1>
        %eq3A_449 = arith.constant 4 : i32
        %eq3A_450 = vector.broadcast %eq3A_449 : i32 to vector<16xi32>
        %eq3A_451 = arith.cmpi eq, %iota3A, %eq3A_450 : vector<16xi32>
        %and3A_452 = arith.andi %and3A_447, %eq3A_451 : vector<16xi1>
        %or3A_453 = arith.ori %or3A_384, %and3A_452 : vector<16xi1>
        %and3A_454 = vector.broadcast %while3A : i32 to vector<16xi32>
        %and3A_455 = arith.andi %gather3A_414, %and3A_454 : vector<16xi32>
        %max3A_456 = arith.maxsi %and3A_455, %gather3A_411 : vector<16xi32>
        %shift_right_logical3A_457 = arith.constant 14 : i32
        %shift_right_logical3A_458 = vector.broadcast %shift_right_logical3A_457 : i32 to vector<16xi32>
        %shift_right_logical3A_459 = arith.shrui %gather3A_414, %shift_right_logical3A_458 : vector<16xi32>
        %shift_left3A_460 = arith.constant 14 : i32
        %shift_left3A_461 = vector.broadcast %shift_left3A_460 : i32 to vector<16xi32>
        %shift_left3A_462 = arith.shli %shift_right_logical3A_459, %shift_left3A_461 : vector<16xi32>
        %or3A_463 = arith.ori %max3A_456, %shift_left3A_462 : vector<16xi32>
        tpu.vector_store_idx %arg16[%add3A_412], %or3A_463 masked %and3A_448 : memref<8224xi32, #tpu.memory_space<vmem>>[vector<16xi32>], vector<16xi32>, vector<16xi1>
        %gather3A_464 = tpu.vector_load_idx %arg16[%gather3A_411] : memref<8224xi32, #tpu.memory_space<vmem>>[vector<16xi32>], vector<16xi32>,
        %and3A_465 = vector.broadcast %while3A : i32 to vector<16xi32>
        %and3A_466 = arith.andi %gather3A_464, %and3A_465 : vector<16xi32>
        %shift_right_logical3A_467 = arith.constant 14 : i32
        %shift_right_logical3A_468 = vector.broadcast %shift_right_logical3A_467 : i32 to vector<16xi32>
        %shift_right_logical3A_469 = arith.shrui %gather3A_464, %shift_right_logical3A_468 : vector<16xi32>
        %min3A_470 = arith.minsi %shift_right_logical3A_469, %gather3A_410 : vector<16xi32>
        %shift_left3A_471 = arith.constant 14 : i32
        %shift_left3A_472 = vector.broadcast %shift_left3A_471 : i32 to vector<16xi32>
        %shift_left3A_473 = arith.shli %min3A_470, %shift_left3A_472 : vector<16xi32>
        %or3A_474 = arith.ori %and3A_466, %shift_left3A_473 : vector<16xi32>
        tpu.vector_store_idx %arg16[%gather3A_411], %or3A_474 masked %and3A_448 : memref<8224xi32, #tpu.memory_space<vmem>>[vector<16xi32>], vector<16xi32>, vector<16xi1>
        %convert_element_type3A_475 = arith.extui %and3A_447 : vector<16xi1> to vector<16xi32>
        %add3A_476 = arith.addi %add3A_407, %convert_element_type3A_475 : vector<16xi32>
        %broadcast_in_dim3A_477 = arith.constant 21 : i32
        %broadcast_in_dim3A_478 = vector.broadcast %broadcast_in_dim3A_477 : i32 to vector<16xi32>
        %gather3A_479 = tpu.vector_load_idx %arg22[%broadcast_in_dim3A_478] : memref<32xi32, #tpu.memory_space<vmem>>[vector<16xi32>], vector<16xi32>,
        %gather3A_480 = tpu.vector_load_idx %arg23[%broadcast_in_dim3A_478] : memref<32xi32, #tpu.memory_space<vmem>>[vector<16xi32>], vector<16xi32>,
        %add3A_481 = arith.addi %gather3A_479, %iota3A : vector<16xi32>
        %add3A_482 = arith.addi %gather3A_479, %add3A_93 : vector<16xi32>
        %gather3A_483 = tpu.vector_load_idx %arg16[%add3A_481] : memref<8224xi32, #tpu.memory_space<vmem>>[vector<16xi32>], vector<16xi32>,
        %gather3A_484 = tpu.vector_load_idx %arg16[%add3A_482] : memref<8224xi32, #tpu.memory_space<vmem>>[vector<16xi32>], vector<16xi32>,
        %and3A_485 = vector.broadcast %while3A : i32 to vector<16xi32>
        %and3A_486 = arith.andi %gather3A_483, %and3A_485 : vector<16xi32>
        %and3A_487 = vector.broadcast %while3A : i32 to vector<16xi32>
        %and3A_488 = arith.andi %gather3A_484, %and3A_487 : vector<16xi32>
        %shift_right_logical3A_489 = arith.constant 14 : i32
        %shift_right_logical3A_490 = vector.broadcast %shift_right_logical3A_489 : i32 to vector<16xi32>
        %shift_right_logical3A_491 = arith.shrui %gather3A_483, %shift_right_logical3A_490 : vector<16xi32>
        %shift_right_logical3A_492 = arith.constant 14 : i32
        %shift_right_logical3A_493 = vector.broadcast %shift_right_logical3A_492 : i32 to vector<16xi32>
        %shift_right_logical3A_494 = arith.shrui %gather3A_484, %shift_right_logical3A_493 : vector<16xi32>
        %le3A_495 = arith.cmpi sle, %add3A_481, %gather3A_480 : vector<16xi32>
        %gt3A_496 = arith.cmpi sgt, %and3A_486, %gather3A_480 : vector<16xi32>
        %and3A_497 = arith.andi %gt3A_91, %gt3A_496 : vector<16xi1>
        %lt3A_498 = arith.cmpi slt, %add3A_481, %gather3A_480 : vector<16xi32>
        %lt3A_499 = arith.cmpi slt, %shift_right_logical3A_491, %gather3A_479 : vector<16xi32>
        %and3A_500 = arith.andi %lt3A_498, %lt3A_499 : vector<16xi1>
        %or3A_501 = arith.ori %and3A_497, %and3A_500 : vector<16xi1>
        %and3A_502 = arith.andi %le3A_495, %or3A_501 : vector<16xi1>
        %le3A_503 = arith.cmpi sle, %add3A_482, %gather3A_480 : vector<16xi32>
        %gt3A_504 = arith.cmpi sgt, %and3A_488, %gather3A_480 : vector<16xi32>
        %lt3A_505 = arith.cmpi slt, %add3A_482, %gather3A_480 : vector<16xi32>
        %lt3A_506 = arith.cmpi slt, %shift_right_logical3A_494, %gather3A_479 : vector<16xi32>
        %and3A_507 = arith.andi %lt3A_505, %lt3A_506 : vector<16xi1>
        %or3A_508 = arith.ori %gt3A_504, %and3A_507 : vector<16xi1>
        %and3A_509 = arith.andi %le3A_503, %or3A_508 : vector<16xi1>
        %or3A_510 = arith.ori %and3A_502, %and3A_509 : vector<16xi1>
        %all_reduce_population_count3A_511 = tpu.all_reduce %or3A_510 {dim = 0 : i64, kind = #tpu.reduction_kind<sum>} : vector<16xi1> -> vector<16xi32>
        %eq3A_512 = arith.constant 0 : i32
        %eq3A_513 = vector.broadcast %eq3A_512 : i32 to vector<16xi32>
        %eq3A_514 = arith.cmpi eq, %all_reduce_population_count3A_511, %eq3A_513 : vector<16xi32>
        %lt3A_515 = arith.cmpi slt, %add3A_476, %broadcast_in_dim3A_96 : vector<16xi32>
        %and3A_516 = arith.andi %eq3A_514, %lt3A_515 : vector<16xi1>
        %and3A_517 = arith.andi %and3A_516, %eq3A_19 : vector<16xi1>
        %eq3A_518 = arith.constant 5 : i32
        %eq3A_519 = vector.broadcast %eq3A_518 : i32 to vector<16xi32>
        %eq3A_520 = arith.cmpi eq, %iota3A, %eq3A_519 : vector<16xi32>
        %and3A_521 = arith.andi %and3A_516, %eq3A_520 : vector<16xi1>
        %or3A_522 = arith.ori %or3A_453, %and3A_521 : vector<16xi1>
        %and3A_523 = vector.broadcast %while3A : i32 to vector<16xi32>
        %and3A_524 = arith.andi %gather3A_483, %and3A_523 : vector<16xi32>
        %max3A_525 = arith.maxsi %and3A_524, %gather3A_480 : vector<16xi32>
        %shift_right_logical3A_526 = arith.constant 14 : i32
        %shift_right_logical3A_527 = vector.broadcast %shift_right_logical3A_526 : i32 to vector<16xi32>
        %shift_right_logical3A_528 = arith.shrui %gather3A_483, %shift_right_logical3A_527 : vector<16xi32>
        %shift_left3A_529 = arith.constant 14 : i32
        %shift_left3A_530 = vector.broadcast %shift_left3A_529 : i32 to vector<16xi32>
        %shift_left3A_531 = arith.shli %shift_right_logical3A_528, %shift_left3A_530 : vector<16xi32>
        %or3A_532 = arith.ori %max3A_525, %shift_left3A_531 : vector<16xi32>
        tpu.vector_store_idx %arg16[%add3A_481], %or3A_532 masked %and3A_517 : memref<8224xi32, #tpu.memory_space<vmem>>[vector<16xi32>], vector<16xi32>, vector<16xi1>
        %gather3A_533 = tpu.vector_load_idx %arg16[%gather3A_480] : memref<8224xi32, #tpu.memory_space<vmem>>[vector<16xi32>], vector<16xi32>,
        %and3A_534 = vector.broadcast %while3A : i32 to vector<16xi32>
        %and3A_535 = arith.andi %gather3A_533, %and3A_534 : vector<16xi32>
        %shift_right_logical3A_536 = arith.constant 14 : i32
        %shift_right_logical3A_537 = vector.broadcast %shift_right_logical3A_536 : i32 to vector<16xi32>
        %shift_right_logical3A_538 = arith.shrui %gather3A_533, %shift_right_logical3A_537 : vector<16xi32>
        %min3A_539 = arith.minsi %shift_right_logical3A_538, %gather3A_479 : vector<16xi32>
        %shift_left3A_540 = arith.constant 14 : i32
        %shift_left3A_541 = vector.broadcast %shift_left3A_540 : i32 to vector<16xi32>
        %shift_left3A_542 = arith.shli %min3A_539, %shift_left3A_541 : vector<16xi32>
        %or3A_543 = arith.ori %and3A_535, %shift_left3A_542 : vector<16xi32>
        tpu.vector_store_idx %arg16[%gather3A_480], %or3A_543 masked %and3A_517 : memref<8224xi32, #tpu.memory_space<vmem>>[vector<16xi32>], vector<16xi32>, vector<16xi1>
        %convert_element_type3A_544 = arith.extui %and3A_516 : vector<16xi1> to vector<16xi32>
        %add3A_545 = arith.addi %add3A_476, %convert_element_type3A_544 : vector<16xi32>
        %broadcast_in_dim3A_546 = arith.constant 22 : i32
        %broadcast_in_dim3A_547 = vector.broadcast %broadcast_in_dim3A_546 : i32 to vector<16xi32>
        %gather3A_548 = tpu.vector_load_idx %arg22[%broadcast_in_dim3A_547] : memref<32xi32, #tpu.memory_space<vmem>>[vector<16xi32>], vector<16xi32>,
        %gather3A_549 = tpu.vector_load_idx %arg23[%broadcast_in_dim3A_547] : memref<32xi32, #tpu.memory_space<vmem>>[vector<16xi32>], vector<16xi32>,
        %add3A_550 = arith.addi %gather3A_548, %iota3A : vector<16xi32>
        %add3A_551 = arith.addi %gather3A_548, %add3A_93 : vector<16xi32>
        %gather3A_552 = tpu.vector_load_idx %arg16[%add3A_550] : memref<8224xi32, #tpu.memory_space<vmem>>[vector<16xi32>], vector<16xi32>,
        %gather3A_553 = tpu.vector_load_idx %arg16[%add3A_551] : memref<8224xi32, #tpu.memory_space<vmem>>[vector<16xi32>], vector<16xi32>,
        %and3A_554 = vector.broadcast %while3A : i32 to vector<16xi32>
        %and3A_555 = arith.andi %gather3A_552, %and3A_554 : vector<16xi32>
        %and3A_556 = vector.broadcast %while3A : i32 to vector<16xi32>
        %and3A_557 = arith.andi %gather3A_553, %and3A_556 : vector<16xi32>
        %shift_right_logical3A_558 = arith.constant 14 : i32
        %shift_right_logical3A_559 = vector.broadcast %shift_right_logical3A_558 : i32 to vector<16xi32>
        %shift_right_logical3A_560 = arith.shrui %gather3A_552, %shift_right_logical3A_559 : vector<16xi32>
        %shift_right_logical3A_561 = arith.constant 14 : i32
        %shift_right_logical3A_562 = vector.broadcast %shift_right_logical3A_561 : i32 to vector<16xi32>
        %shift_right_logical3A_563 = arith.shrui %gather3A_553, %shift_right_logical3A_562 : vector<16xi32>
        %le3A_564 = arith.cmpi sle, %add3A_550, %gather3A_549 : vector<16xi32>
        %gt3A_565 = arith.cmpi sgt, %and3A_555, %gather3A_549 : vector<16xi32>
        %and3A_566 = arith.andi %gt3A_91, %gt3A_565 : vector<16xi1>
        %lt3A_567 = arith.cmpi slt, %add3A_550, %gather3A_549 : vector<16xi32>
        %lt3A_568 = arith.cmpi slt, %shift_right_logical3A_560, %gather3A_548 : vector<16xi32>
        %and3A_569 = arith.andi %lt3A_567, %lt3A_568 : vector<16xi1>
        %or3A_570 = arith.ori %and3A_566, %and3A_569 : vector<16xi1>
        %and3A_571 = arith.andi %le3A_564, %or3A_570 : vector<16xi1>
        %le3A_572 = arith.cmpi sle, %add3A_551, %gather3A_549 : vector<16xi32>
        %gt3A_573 = arith.cmpi sgt, %and3A_557, %gather3A_549 : vector<16xi32>
        %lt3A_574 = arith.cmpi slt, %add3A_551, %gather3A_549 : vector<16xi32>
        %lt3A_575 = arith.cmpi slt, %shift_right_logical3A_563, %gather3A_548 : vector<16xi32>
        %and3A_576 = arith.andi %lt3A_574, %lt3A_575 : vector<16xi1>
        %or3A_577 = arith.ori %gt3A_573, %and3A_576 : vector<16xi1>
        %and3A_578 = arith.andi %le3A_572, %or3A_577 : vector<16xi1>
        %or3A_579 = arith.ori %and3A_571, %and3A_578 : vector<16xi1>
        %all_reduce_population_count3A_580 = tpu.all_reduce %or3A_579 {dim = 0 : i64, kind = #tpu.reduction_kind<sum>} : vector<16xi1> -> vector<16xi32>
        %eq3A_581 = arith.constant 0 : i32
        %eq3A_582 = vector.broadcast %eq3A_581 : i32 to vector<16xi32>
        %eq3A_583 = arith.cmpi eq, %all_reduce_population_count3A_580, %eq3A_582 : vector<16xi32>
        %lt3A_584 = arith.cmpi slt, %add3A_545, %broadcast_in_dim3A_96 : vector<16xi32>
        %and3A_585 = arith.andi %eq3A_583, %lt3A_584 : vector<16xi1>
        %and3A_586 = arith.andi %and3A_585, %eq3A_19 : vector<16xi1>
        %eq3A_587 = arith.constant 6 : i32
        %eq3A_588 = vector.broadcast %eq3A_587 : i32 to vector<16xi32>
        %eq3A_589 = arith.cmpi eq, %iota3A, %eq3A_588 : vector<16xi32>
        %and3A_590 = arith.andi %and3A_585, %eq3A_589 : vector<16xi1>
        %or3A_591 = arith.ori %or3A_522, %and3A_590 : vector<16xi1>
        %and3A_592 = vector.broadcast %while3A : i32 to vector<16xi32>
        %and3A_593 = arith.andi %gather3A_552, %and3A_592 : vector<16xi32>
        %max3A_594 = arith.maxsi %and3A_593, %gather3A_549 : vector<16xi32>
        %shift_right_logical3A_595 = arith.constant 14 : i32
        %shift_right_logical3A_596 = vector.broadcast %shift_right_logical3A_595 : i32 to vector<16xi32>
        %shift_right_logical3A_597 = arith.shrui %gather3A_552, %shift_right_logical3A_596 : vector<16xi32>
        %shift_left3A_598 = arith.constant 14 : i32
        %shift_left3A_599 = vector.broadcast %shift_left3A_598 : i32 to vector<16xi32>
        %shift_left3A_600 = arith.shli %shift_right_logical3A_597, %shift_left3A_599 : vector<16xi32>
        %or3A_601 = arith.ori %max3A_594, %shift_left3A_600 : vector<16xi32>
        tpu.vector_store_idx %arg16[%add3A_550], %or3A_601 masked %and3A_586 : memref<8224xi32, #tpu.memory_space<vmem>>[vector<16xi32>], vector<16xi32>, vector<16xi1>
        %gather3A_602 = tpu.vector_load_idx %arg16[%gather3A_549] : memref<8224xi32, #tpu.memory_space<vmem>>[vector<16xi32>], vector<16xi32>,
        %and3A_603 = vector.broadcast %while3A : i32 to vector<16xi32>
        %and3A_604 = arith.andi %gather3A_602, %and3A_603 : vector<16xi32>
        %shift_right_logical3A_605 = arith.constant 14 : i32
        %shift_right_logical3A_606 = vector.broadcast %shift_right_logical3A_605 : i32 to vector<16xi32>
        %shift_right_logical3A_607 = arith.shrui %gather3A_602, %shift_right_logical3A_606 : vector<16xi32>
        %min3A_608 = arith.minsi %shift_right_logical3A_607, %gather3A_548 : vector<16xi32>
        %shift_left3A_609 = arith.constant 14 : i32
        %shift_left3A_610 = vector.broadcast %shift_left3A_609 : i32 to vector<16xi32>
        %shift_left3A_611 = arith.shli %min3A_608, %shift_left3A_610 : vector<16xi32>
        %or3A_612 = arith.ori %and3A_604, %shift_left3A_611 : vector<16xi32>
        tpu.vector_store_idx %arg16[%gather3A_549], %or3A_612 masked %and3A_586 : memref<8224xi32, #tpu.memory_space<vmem>>[vector<16xi32>], vector<16xi32>, vector<16xi1>
        %convert_element_type3A_613 = arith.extui %and3A_585 : vector<16xi1> to vector<16xi32>
        %add3A_614 = arith.addi %add3A_545, %convert_element_type3A_613 : vector<16xi32>
        %broadcast_in_dim3A_615 = arith.constant 23 : i32
        %broadcast_in_dim3A_616 = vector.broadcast %broadcast_in_dim3A_615 : i32 to vector<16xi32>
        %gather3A_617 = tpu.vector_load_idx %arg22[%broadcast_in_dim3A_616] : memref<32xi32, #tpu.memory_space<vmem>>[vector<16xi32>], vector<16xi32>,
        %gather3A_618 = tpu.vector_load_idx %arg23[%broadcast_in_dim3A_616] : memref<32xi32, #tpu.memory_space<vmem>>[vector<16xi32>], vector<16xi32>,
        %add3A_619 = arith.addi %gather3A_617, %iota3A : vector<16xi32>
        %add3A_620 = arith.addi %gather3A_617, %add3A_93 : vector<16xi32>
        %gather3A_621 = tpu.vector_load_idx %arg16[%add3A_619] : memref<8224xi32, #tpu.memory_space<vmem>>[vector<16xi32>], vector<16xi32>,
        %gather3A_622 = tpu.vector_load_idx %arg16[%add3A_620] : memref<8224xi32, #tpu.memory_space<vmem>>[vector<16xi32>], vector<16xi32>,
        %and3A_623 = vector.broadcast %while3A : i32 to vector<16xi32>
        %and3A_624 = arith.andi %gather3A_621, %and3A_623 : vector<16xi32>
        %and3A_625 = vector.broadcast %while3A : i32 to vector<16xi32>
        %and3A_626 = arith.andi %gather3A_622, %and3A_625 : vector<16xi32>
        %shift_right_logical3A_627 = arith.constant 14 : i32
        %shift_right_logical3A_628 = vector.broadcast %shift_right_logical3A_627 : i32 to vector<16xi32>
        %shift_right_logical3A_629 = arith.shrui %gather3A_621, %shift_right_logical3A_628 : vector<16xi32>
        %shift_right_logical3A_630 = arith.constant 14 : i32
        %shift_right_logical3A_631 = vector.broadcast %shift_right_logical3A_630 : i32 to vector<16xi32>
        %shift_right_logical3A_632 = arith.shrui %gather3A_622, %shift_right_logical3A_631 : vector<16xi32>
        %le3A_633 = arith.cmpi sle, %add3A_619, %gather3A_618 : vector<16xi32>
        %gt3A_634 = arith.cmpi sgt, %and3A_624, %gather3A_618 : vector<16xi32>
        %and3A_635 = arith.andi %gt3A_91, %gt3A_634 : vector<16xi1>
        %lt3A_636 = arith.cmpi slt, %add3A_619, %gather3A_618 : vector<16xi32>
        %lt3A_637 = arith.cmpi slt, %shift_right_logical3A_629, %gather3A_617 : vector<16xi32>
        %and3A_638 = arith.andi %lt3A_636, %lt3A_637 : vector<16xi1>
        %or3A_639 = arith.ori %and3A_635, %and3A_638 : vector<16xi1>
        %and3A_640 = arith.andi %le3A_633, %or3A_639 : vector<16xi1>
        %le3A_641 = arith.cmpi sle, %add3A_620, %gather3A_618 : vector<16xi32>
        %gt3A_642 = arith.cmpi sgt, %and3A_626, %gather3A_618 : vector<16xi32>
        %lt3A_643 = arith.cmpi slt, %add3A_620, %gather3A_618 : vector<16xi32>
        %lt3A_644 = arith.cmpi slt, %shift_right_logical3A_632, %gather3A_617 : vector<16xi32>
        %and3A_645 = arith.andi %lt3A_643, %lt3A_644 : vector<16xi1>
        %or3A_646 = arith.ori %gt3A_642, %and3A_645 : vector<16xi1>
        %and3A_647 = arith.andi %le3A_641, %or3A_646 : vector<16xi1>
        %or3A_648 = arith.ori %and3A_640, %and3A_647 : vector<16xi1>
        %all_reduce_population_count3A_649 = tpu.all_reduce %or3A_648 {dim = 0 : i64, kind = #tpu.reduction_kind<sum>} : vector<16xi1> -> vector<16xi32>
        %eq3A_650 = arith.constant 0 : i32
        %eq3A_651 = vector.broadcast %eq3A_650 : i32 to vector<16xi32>
        %eq3A_652 = arith.cmpi eq, %all_reduce_population_count3A_649, %eq3A_651 : vector<16xi32>
        %lt3A_653 = arith.cmpi slt, %add3A_614, %broadcast_in_dim3A_96 : vector<16xi32>
        %and3A_654 = arith.andi %eq3A_652, %lt3A_653 : vector<16xi1>
        %and3A_655 = arith.andi %and3A_654, %eq3A_19 : vector<16xi1>
        %eq3A_656 = arith.constant 7 : i32
        %eq3A_657 = vector.broadcast %eq3A_656 : i32 to vector<16xi32>
        %eq3A_658 = arith.cmpi eq, %iota3A, %eq3A_657 : vector<16xi32>
        %and3A_659 = arith.andi %and3A_654, %eq3A_658 : vector<16xi1>
        %or3A_660 = arith.ori %or3A_591, %and3A_659 : vector<16xi1>
        %and3A_661 = vector.broadcast %while3A : i32 to vector<16xi32>
        %and3A_662 = arith.andi %gather3A_621, %and3A_661 : vector<16xi32>
        %max3A_663 = arith.maxsi %and3A_662, %gather3A_618 : vector<16xi32>
        %shift_right_logical3A_664 = arith.constant 14 : i32
        %shift_right_logical3A_665 = vector.broadcast %shift_right_logical3A_664 : i32 to vector<16xi32>
        %shift_right_logical3A_666 = arith.shrui %gather3A_621, %shift_right_logical3A_665 : vector<16xi32>
        %shift_left3A_667 = arith.constant 14 : i32
        %shift_left3A_668 = vector.broadcast %shift_left3A_667 : i32 to vector<16xi32>
        %shift_left3A_669 = arith.shli %shift_right_logical3A_666, %shift_left3A_668 : vector<16xi32>
        %or3A_670 = arith.ori %max3A_663, %shift_left3A_669 : vector<16xi32>
        tpu.vector_store_idx %arg16[%add3A_619], %or3A_670 masked %and3A_655 : memref<8224xi32, #tpu.memory_space<vmem>>[vector<16xi32>], vector<16xi32>, vector<16xi1>
        %gather3A_671 = tpu.vector_load_idx %arg16[%gather3A_618] : memref<8224xi32, #tpu.memory_space<vmem>>[vector<16xi32>], vector<16xi32>,
        %and3A_672 = vector.broadcast %while3A : i32 to vector<16xi32>
        %and3A_673 = arith.andi %gather3A_671, %and3A_672 : vector<16xi32>
        %shift_right_logical3A_674 = arith.constant 14 : i32
        %shift_right_logical3A_675 = vector.broadcast %shift_right_logical3A_674 : i32 to vector<16xi32>
        %shift_right_logical3A_676 = arith.shrui %gather3A_671, %shift_right_logical3A_675 : vector<16xi32>
        %min3A_677 = arith.minsi %shift_right_logical3A_676, %gather3A_617 : vector<16xi32>
        %shift_left3A_678 = arith.constant 14 : i32
        %shift_left3A_679 = vector.broadcast %shift_left3A_678 : i32 to vector<16xi32>
        %shift_left3A_680 = arith.shli %min3A_677, %shift_left3A_679 : vector<16xi32>
        %or3A_681 = arith.ori %and3A_673, %shift_left3A_680 : vector<16xi32>
        tpu.vector_store_idx %arg16[%gather3A_618], %or3A_681 masked %and3A_655 : memref<8224xi32, #tpu.memory_space<vmem>>[vector<16xi32>], vector<16xi32>, vector<16xi1>
        %convert_element_type3A_682 = arith.extui %and3A_654 : vector<16xi1> to vector<16xi32>
        %add3A_683 = arith.addi %add3A_614, %convert_element_type3A_682 : vector<16xi32>
        %broadcast_in_dim3A_684 = arith.constant 24 : i32
        %broadcast_in_dim3A_685 = vector.broadcast %broadcast_in_dim3A_684 : i32 to vector<16xi32>
        %gather3A_686 = tpu.vector_load_idx %arg22[%broadcast_in_dim3A_685] : memref<32xi32, #tpu.memory_space<vmem>>[vector<16xi32>], vector<16xi32>,
        %gather3A_687 = tpu.vector_load_idx %arg23[%broadcast_in_dim3A_685] : memref<32xi32, #tpu.memory_space<vmem>>[vector<16xi32>], vector<16xi32>,
        %add3A_688 = arith.addi %gather3A_686, %iota3A : vector<16xi32>
        %add3A_689 = arith.addi %gather3A_686, %add3A_93 : vector<16xi32>
        %gather3A_690 = tpu.vector_load_idx %arg16[%add3A_688] : memref<8224xi32, #tpu.memory_space<vmem>>[vector<16xi32>], vector<16xi32>,
        %gather3A_691 = tpu.vector_load_idx %arg16[%add3A_689] : memref<8224xi32, #tpu.memory_space<vmem>>[vector<16xi32>], vector<16xi32>,
        %and3A_692 = vector.broadcast %while3A : i32 to vector<16xi32>
        %and3A_693 = arith.andi %gather3A_690, %and3A_692 : vector<16xi32>
        %and3A_694 = vector.broadcast %while3A : i32 to vector<16xi32>
        %and3A_695 = arith.andi %gather3A_691, %and3A_694 : vector<16xi32>
        %shift_right_logical3A_696 = arith.constant 14 : i32
        %shift_right_logical3A_697 = vector.broadcast %shift_right_logical3A_696 : i32 to vector<16xi32>
        %shift_right_logical3A_698 = arith.shrui %gather3A_690, %shift_right_logical3A_697 : vector<16xi32>
        %shift_right_logical3A_699 = arith.constant 14 : i32
        %shift_right_logical3A_700 = vector.broadcast %shift_right_logical3A_699 : i32 to vector<16xi32>
        %shift_right_logical3A_701 = arith.shrui %gather3A_691, %shift_right_logical3A_700 : vector<16xi32>
        %le3A_702 = arith.cmpi sle, %add3A_688, %gather3A_687 : vector<16xi32>
        %gt3A_703 = arith.cmpi sgt, %and3A_693, %gather3A_687 : vector<16xi32>
        %and3A_704 = arith.andi %gt3A_91, %gt3A_703 : vector<16xi1>
        %lt3A_705 = arith.cmpi slt, %add3A_688, %gather3A_687 : vector<16xi32>
        %lt3A_706 = arith.cmpi slt, %shift_right_logical3A_698, %gather3A_686 : vector<16xi32>
        %and3A_707 = arith.andi %lt3A_705, %lt3A_706 : vector<16xi1>
        %or3A_708 = arith.ori %and3A_704, %and3A_707 : vector<16xi1>
        %and3A_709 = arith.andi %le3A_702, %or3A_708 : vector<16xi1>
        %le3A_710 = arith.cmpi sle, %add3A_689, %gather3A_687 : vector<16xi32>
        %gt3A_711 = arith.cmpi sgt, %and3A_695, %gather3A_687 : vector<16xi32>
        %lt3A_712 = arith.cmpi slt, %add3A_689, %gather3A_687 : vector<16xi32>
        %lt3A_713 = arith.cmpi slt, %shift_right_logical3A_701, %gather3A_686 : vector<16xi32>
        %and3A_714 = arith.andi %lt3A_712, %lt3A_713 : vector<16xi1>
        %or3A_715 = arith.ori %gt3A_711, %and3A_714 : vector<16xi1>
        %and3A_716 = arith.andi %le3A_710, %or3A_715 : vector<16xi1>
        %or3A_717 = arith.ori %and3A_709, %and3A_716 : vector<16xi1>
        %all_reduce_population_count3A_718 = tpu.all_reduce %or3A_717 {dim = 0 : i64, kind = #tpu.reduction_kind<sum>} : vector<16xi1> -> vector<16xi32>
        %eq3A_719 = arith.constant 0 : i32
        %eq3A_720 = vector.broadcast %eq3A_719 : i32 to vector<16xi32>
        %eq3A_721 = arith.cmpi eq, %all_reduce_population_count3A_718, %eq3A_720 : vector<16xi32>
        %lt3A_722 = arith.cmpi slt, %add3A_683, %broadcast_in_dim3A_96 : vector<16xi32>
        %and3A_723 = arith.andi %eq3A_721, %lt3A_722 : vector<16xi1>
        %and3A_724 = arith.andi %and3A_723, %eq3A_19 : vector<16xi1>
        %eq3A_725 = arith.constant 8 : i32
        %eq3A_726 = vector.broadcast %eq3A_725 : i32 to vector<16xi32>
        %eq3A_727 = arith.cmpi eq, %iota3A, %eq3A_726 : vector<16xi32>
        %and3A_728 = arith.andi %and3A_723, %eq3A_727 : vector<16xi1>
        %or3A_729 = arith.ori %or3A_660, %and3A_728 : vector<16xi1>
        %and3A_730 = vector.broadcast %while3A : i32 to vector<16xi32>
        %and3A_731 = arith.andi %gather3A_690, %and3A_730 : vector<16xi32>
        %max3A_732 = arith.maxsi %and3A_731, %gather3A_687 : vector<16xi32>
        %shift_right_logical3A_733 = arith.constant 14 : i32
        %shift_right_logical3A_734 = vector.broadcast %shift_right_logical3A_733 : i32 to vector<16xi32>
        %shift_right_logical3A_735 = arith.shrui %gather3A_690, %shift_right_logical3A_734 : vector<16xi32>
        %shift_left3A_736 = arith.constant 14 : i32
        %shift_left3A_737 = vector.broadcast %shift_left3A_736 : i32 to vector<16xi32>
        %shift_left3A_738 = arith.shli %shift_right_logical3A_735, %shift_left3A_737 : vector<16xi32>
        %or3A_739 = arith.ori %max3A_732, %shift_left3A_738 : vector<16xi32>
        tpu.vector_store_idx %arg16[%add3A_688], %or3A_739 masked %and3A_724 : memref<8224xi32, #tpu.memory_space<vmem>>[vector<16xi32>], vector<16xi32>, vector<16xi1>
        %gather3A_740 = tpu.vector_load_idx %arg16[%gather3A_687] : memref<8224xi32, #tpu.memory_space<vmem>>[vector<16xi32>], vector<16xi32>,
        %and3A_741 = vector.broadcast %while3A : i32 to vector<16xi32>
        %and3A_742 = arith.andi %gather3A_740, %and3A_741 : vector<16xi32>
        %shift_right_logical3A_743 = arith.constant 14 : i32
        %shift_right_logical3A_744 = vector.broadcast %shift_right_logical3A_743 : i32 to vector<16xi32>
        %shift_right_logical3A_745 = arith.shrui %gather3A_740, %shift_right_logical3A_744 : vector<16xi32>
        %min3A_746 = arith.minsi %shift_right_logical3A_745, %gather3A_686 : vector<16xi32>
        %shift_left3A_747 = arith.constant 14 : i32
        %shift_left3A_748 = vector.broadcast %shift_left3A_747 : i32 to vector<16xi32>
        %shift_left3A_749 = arith.shli %min3A_746, %shift_left3A_748 : vector<16xi32>
        %or3A_750 = arith.ori %and3A_742, %shift_left3A_749 : vector<16xi32>
        tpu.vector_store_idx %arg16[%gather3A_687], %or3A_750 masked %and3A_724 : memref<8224xi32, #tpu.memory_space<vmem>>[vector<16xi32>], vector<16xi32>, vector<16xi1>
        %convert_element_type3A_751 = arith.extui %and3A_723 : vector<16xi1> to vector<16xi32>
        %add3A_752 = arith.addi %add3A_683, %convert_element_type3A_751 : vector<16xi32>
        %broadcast_in_dim3A_753 = arith.constant 25 : i32
        %broadcast_in_dim3A_754 = vector.broadcast %broadcast_in_dim3A_753 : i32 to vector<16xi32>
        %gather3A_755 = tpu.vector_load_idx %arg22[%broadcast_in_dim3A_754] : memref<32xi32, #tpu.memory_space<vmem>>[vector<16xi32>], vector<16xi32>,
        %gather3A_756 = tpu.vector_load_idx %arg23[%broadcast_in_dim3A_754] : memref<32xi32, #tpu.memory_space<vmem>>[vector<16xi32>], vector<16xi32>,
        %add3A_757 = arith.addi %gather3A_755, %iota3A : vector<16xi32>
        %add3A_758 = arith.addi %gather3A_755, %add3A_93 : vector<16xi32>
        %gather3A_759 = tpu.vector_load_idx %arg16[%add3A_757] : memref<8224xi32, #tpu.memory_space<vmem>>[vector<16xi32>], vector<16xi32>,
        %gather3A_760 = tpu.vector_load_idx %arg16[%add3A_758] : memref<8224xi32, #tpu.memory_space<vmem>>[vector<16xi32>], vector<16xi32>,
        %and3A_761 = vector.broadcast %while3A : i32 to vector<16xi32>
        %and3A_762 = arith.andi %gather3A_759, %and3A_761 : vector<16xi32>
        %and3A_763 = vector.broadcast %while3A : i32 to vector<16xi32>
        %and3A_764 = arith.andi %gather3A_760, %and3A_763 : vector<16xi32>
        %shift_right_logical3A_765 = arith.constant 14 : i32
        %shift_right_logical3A_766 = vector.broadcast %shift_right_logical3A_765 : i32 to vector<16xi32>
        %shift_right_logical3A_767 = arith.shrui %gather3A_759, %shift_right_logical3A_766 : vector<16xi32>
        %shift_right_logical3A_768 = arith.constant 14 : i32
        %shift_right_logical3A_769 = vector.broadcast %shift_right_logical3A_768 : i32 to vector<16xi32>
        %shift_right_logical3A_770 = arith.shrui %gather3A_760, %shift_right_logical3A_769 : vector<16xi32>
        %le3A_771 = arith.cmpi sle, %add3A_757, %gather3A_756 : vector<16xi32>
        %gt3A_772 = arith.cmpi sgt, %and3A_762, %gather3A_756 : vector<16xi32>
        %and3A_773 = arith.andi %gt3A_91, %gt3A_772 : vector<16xi1>
        %lt3A_774 = arith.cmpi slt, %add3A_757, %gather3A_756 : vector<16xi32>
        %lt3A_775 = arith.cmpi slt, %shift_right_logical3A_767, %gather3A_755 : vector<16xi32>
        %and3A_776 = arith.andi %lt3A_774, %lt3A_775 : vector<16xi1>
        %or3A_777 = arith.ori %and3A_773, %and3A_776 : vector<16xi1>
        %and3A_778 = arith.andi %le3A_771, %or3A_777 : vector<16xi1>
        %le3A_779 = arith.cmpi sle, %add3A_758, %gather3A_756 : vector<16xi32>
        %gt3A_780 = arith.cmpi sgt, %and3A_764, %gather3A_756 : vector<16xi32>
        %lt3A_781 = arith.cmpi slt, %add3A_758, %gather3A_756 : vector<16xi32>
        %lt3A_782 = arith.cmpi slt, %shift_right_logical3A_770, %gather3A_755 : vector<16xi32>
        %and3A_783 = arith.andi %lt3A_781, %lt3A_782 : vector<16xi1>
        %or3A_784 = arith.ori %gt3A_780, %and3A_783 : vector<16xi1>
        %and3A_785 = arith.andi %le3A_779, %or3A_784 : vector<16xi1>
        %or3A_786 = arith.ori %and3A_778, %and3A_785 : vector<16xi1>
        %all_reduce_population_count3A_787 = tpu.all_reduce %or3A_786 {dim = 0 : i64, kind = #tpu.reduction_kind<sum>} : vector<16xi1> -> vector<16xi32>
        %eq3A_788 = arith.constant 0 : i32
        %eq3A_789 = vector.broadcast %eq3A_788 : i32 to vector<16xi32>
        %eq3A_790 = arith.cmpi eq, %all_reduce_population_count3A_787, %eq3A_789 : vector<16xi32>
        %lt3A_791 = arith.cmpi slt, %add3A_752, %broadcast_in_dim3A_96 : vector<16xi32>
        %and3A_792 = arith.andi %eq3A_790, %lt3A_791 : vector<16xi1>
        %and3A_793 = arith.andi %and3A_792, %eq3A_19 : vector<16xi1>
        %eq3A_794 = arith.constant 9 : i32
        %eq3A_795 = vector.broadcast %eq3A_794 : i32 to vector<16xi32>
        %eq3A_796 = arith.cmpi eq, %iota3A, %eq3A_795 : vector<16xi32>
        %and3A_797 = arith.andi %and3A_792, %eq3A_796 : vector<16xi1>
        %or3A_798 = arith.ori %or3A_729, %and3A_797 : vector<16xi1>
        %and3A_799 = vector.broadcast %while3A : i32 to vector<16xi32>
        %and3A_800 = arith.andi %gather3A_759, %and3A_799 : vector<16xi32>
        %max3A_801 = arith.maxsi %and3A_800, %gather3A_756 : vector<16xi32>
        %shift_right_logical3A_802 = arith.constant 14 : i32
        %shift_right_logical3A_803 = vector.broadcast %shift_right_logical3A_802 : i32 to vector<16xi32>
        %shift_right_logical3A_804 = arith.shrui %gather3A_759, %shift_right_logical3A_803 : vector<16xi32>
        %shift_left3A_805 = arith.constant 14 : i32
        %shift_left3A_806 = vector.broadcast %shift_left3A_805 : i32 to vector<16xi32>
        %shift_left3A_807 = arith.shli %shift_right_logical3A_804, %shift_left3A_806 : vector<16xi32>
        %or3A_808 = arith.ori %max3A_801, %shift_left3A_807 : vector<16xi32>
        tpu.vector_store_idx %arg16[%add3A_757], %or3A_808 masked %and3A_793 : memref<8224xi32, #tpu.memory_space<vmem>>[vector<16xi32>], vector<16xi32>, vector<16xi1>
        %gather3A_809 = tpu.vector_load_idx %arg16[%gather3A_756] : memref<8224xi32, #tpu.memory_space<vmem>>[vector<16xi32>], vector<16xi32>,
        %and3A_810 = vector.broadcast %while3A : i32 to vector<16xi32>
        %and3A_811 = arith.andi %gather3A_809, %and3A_810 : vector<16xi32>
        %shift_right_logical3A_812 = arith.constant 14 : i32
        %shift_right_logical3A_813 = vector.broadcast %shift_right_logical3A_812 : i32 to vector<16xi32>
        %shift_right_logical3A_814 = arith.shrui %gather3A_809, %shift_right_logical3A_813 : vector<16xi32>
        %min3A_815 = arith.minsi %shift_right_logical3A_814, %gather3A_755 : vector<16xi32>
        %shift_left3A_816 = arith.constant 14 : i32
        %shift_left3A_817 = vector.broadcast %shift_left3A_816 : i32 to vector<16xi32>
        %shift_left3A_818 = arith.shli %min3A_815, %shift_left3A_817 : vector<16xi32>
        %or3A_819 = arith.ori %and3A_811, %shift_left3A_818 : vector<16xi32>
        tpu.vector_store_idx %arg16[%gather3A_756], %or3A_819 masked %and3A_793 : memref<8224xi32, #tpu.memory_space<vmem>>[vector<16xi32>], vector<16xi32>, vector<16xi1>
        %convert_element_type3A_820 = arith.extui %and3A_792 : vector<16xi1> to vector<16xi32>
        %add3A_821 = arith.addi %add3A_752, %convert_element_type3A_820 : vector<16xi32>
        %broadcast_in_dim3A_822 = arith.constant 26 : i32
        %broadcast_in_dim3A_823 = vector.broadcast %broadcast_in_dim3A_822 : i32 to vector<16xi32>
        %gather3A_824 = tpu.vector_load_idx %arg22[%broadcast_in_dim3A_823] : memref<32xi32, #tpu.memory_space<vmem>>[vector<16xi32>], vector<16xi32>,
        %gather3A_825 = tpu.vector_load_idx %arg23[%broadcast_in_dim3A_823] : memref<32xi32, #tpu.memory_space<vmem>>[vector<16xi32>], vector<16xi32>,
        %add3A_826 = arith.addi %gather3A_824, %iota3A : vector<16xi32>
        %add3A_827 = arith.addi %gather3A_824, %add3A_93 : vector<16xi32>
        %gather3A_828 = tpu.vector_load_idx %arg16[%add3A_826] : memref<8224xi32, #tpu.memory_space<vmem>>[vector<16xi32>], vector<16xi32>,
        %gather3A_829 = tpu.vector_load_idx %arg16[%add3A_827] : memref<8224xi32, #tpu.memory_space<vmem>>[vector<16xi32>], vector<16xi32>,
        %and3A_830 = vector.broadcast %while3A : i32 to vector<16xi32>
        %and3A_831 = arith.andi %gather3A_828, %and3A_830 : vector<16xi32>
        %and3A_832 = vector.broadcast %while3A : i32 to vector<16xi32>
        %and3A_833 = arith.andi %gather3A_829, %and3A_832 : vector<16xi32>
        %shift_right_logical3A_834 = arith.constant 14 : i32
        %shift_right_logical3A_835 = vector.broadcast %shift_right_logical3A_834 : i32 to vector<16xi32>
        %shift_right_logical3A_836 = arith.shrui %gather3A_828, %shift_right_logical3A_835 : vector<16xi32>
        %shift_right_logical3A_837 = arith.constant 14 : i32
        %shift_right_logical3A_838 = vector.broadcast %shift_right_logical3A_837 : i32 to vector<16xi32>
        %shift_right_logical3A_839 = arith.shrui %gather3A_829, %shift_right_logical3A_838 : vector<16xi32>
        %le3A_840 = arith.cmpi sle, %add3A_826, %gather3A_825 : vector<16xi32>
        %gt3A_841 = arith.cmpi sgt, %and3A_831, %gather3A_825 : vector<16xi32>
        %and3A_842 = arith.andi %gt3A_91, %gt3A_841 : vector<16xi1>
        %lt3A_843 = arith.cmpi slt, %add3A_826, %gather3A_825 : vector<16xi32>
        %lt3A_844 = arith.cmpi slt, %shift_right_logical3A_836, %gather3A_824 : vector<16xi32>
        %and3A_845 = arith.andi %lt3A_843, %lt3A_844 : vector<16xi1>
        %or3A_846 = arith.ori %and3A_842, %and3A_845 : vector<16xi1>
        %and3A_847 = arith.andi %le3A_840, %or3A_846 : vector<16xi1>
        %le3A_848 = arith.cmpi sle, %add3A_827, %gather3A_825 : vector<16xi32>
        %gt3A_849 = arith.cmpi sgt, %and3A_833, %gather3A_825 : vector<16xi32>
        %lt3A_850 = arith.cmpi slt, %add3A_827, %gather3A_825 : vector<16xi32>
        %lt3A_851 = arith.cmpi slt, %shift_right_logical3A_839, %gather3A_824 : vector<16xi32>
        %and3A_852 = arith.andi %lt3A_850, %lt3A_851 : vector<16xi1>
        %or3A_853 = arith.ori %gt3A_849, %and3A_852 : vector<16xi1>
        %and3A_854 = arith.andi %le3A_848, %or3A_853 : vector<16xi1>
        %or3A_855 = arith.ori %and3A_847, %and3A_854 : vector<16xi1>
        %all_reduce_population_count3A_856 = tpu.all_reduce %or3A_855 {dim = 0 : i64, kind = #tpu.reduction_kind<sum>} : vector<16xi1> -> vector<16xi32>
        %eq3A_857 = arith.constant 0 : i32
        %eq3A_858 = vector.broadcast %eq3A_857 : i32 to vector<16xi32>
        %eq3A_859 = arith.cmpi eq, %all_reduce_population_count3A_856, %eq3A_858 : vector<16xi32>
        %lt3A_860 = arith.cmpi slt, %add3A_821, %broadcast_in_dim3A_96 : vector<16xi32>
        %and3A_861 = arith.andi %eq3A_859, %lt3A_860 : vector<16xi1>
        %and3A_862 = arith.andi %and3A_861, %eq3A_19 : vector<16xi1>
        %eq3A_863 = arith.constant 10 : i32
        %eq3A_864 = vector.broadcast %eq3A_863 : i32 to vector<16xi32>
        %eq3A_865 = arith.cmpi eq, %iota3A, %eq3A_864 : vector<16xi32>
        %and3A_866 = arith.andi %and3A_861, %eq3A_865 : vector<16xi1>
        %or3A_867 = arith.ori %or3A_798, %and3A_866 : vector<16xi1>
        %and3A_868 = vector.broadcast %while3A : i32 to vector<16xi32>
        %and3A_869 = arith.andi %gather3A_828, %and3A_868 : vector<16xi32>
        %max3A_870 = arith.maxsi %and3A_869, %gather3A_825 : vector<16xi32>
        %shift_right_logical3A_871 = arith.constant 14 : i32
        %shift_right_logical3A_872 = vector.broadcast %shift_right_logical3A_871 : i32 to vector<16xi32>
        %shift_right_logical3A_873 = arith.shrui %gather3A_828, %shift_right_logical3A_872 : vector<16xi32>
        %shift_left3A_874 = arith.constant 14 : i32
        %shift_left3A_875 = vector.broadcast %shift_left3A_874 : i32 to vector<16xi32>
        %shift_left3A_876 = arith.shli %shift_right_logical3A_873, %shift_left3A_875 : vector<16xi32>
        %or3A_877 = arith.ori %max3A_870, %shift_left3A_876 : vector<16xi32>
        tpu.vector_store_idx %arg16[%add3A_826], %or3A_877 masked %and3A_862 : memref<8224xi32, #tpu.memory_space<vmem>>[vector<16xi32>], vector<16xi32>, vector<16xi1>
        %gather3A_878 = tpu.vector_load_idx %arg16[%gather3A_825] : memref<8224xi32, #tpu.memory_space<vmem>>[vector<16xi32>], vector<16xi32>,
        %and3A_879 = vector.broadcast %while3A : i32 to vector<16xi32>
        %and3A_880 = arith.andi %gather3A_878, %and3A_879 : vector<16xi32>
        %shift_right_logical3A_881 = arith.constant 14 : i32
        %shift_right_logical3A_882 = vector.broadcast %shift_right_logical3A_881 : i32 to vector<16xi32>
        %shift_right_logical3A_883 = arith.shrui %gather3A_878, %shift_right_logical3A_882 : vector<16xi32>
        %min3A_884 = arith.minsi %shift_right_logical3A_883, %gather3A_824 : vector<16xi32>
        %shift_left3A_885 = arith.constant 14 : i32
        %shift_left3A_886 = vector.broadcast %shift_left3A_885 : i32 to vector<16xi32>
        %shift_left3A_887 = arith.shli %min3A_884, %shift_left3A_886 : vector<16xi32>
        %or3A_888 = arith.ori %and3A_880, %shift_left3A_887 : vector<16xi32>
        tpu.vector_store_idx %arg16[%gather3A_825], %or3A_888 masked %and3A_862 : memref<8224xi32, #tpu.memory_space<vmem>>[vector<16xi32>], vector<16xi32>, vector<16xi1>
        %convert_element_type3A_889 = arith.extui %and3A_861 : vector<16xi1> to vector<16xi32>
        %add3A_890 = arith.addi %add3A_821, %convert_element_type3A_889 : vector<16xi32>
        %broadcast_in_dim3A_891 = arith.constant 27 : i32
        %broadcast_in_dim3A_892 = vector.broadcast %broadcast_in_dim3A_891 : i32 to vector<16xi32>
        %gather3A_893 = tpu.vector_load_idx %arg22[%broadcast_in_dim3A_892] : memref<32xi32, #tpu.memory_space<vmem>>[vector<16xi32>], vector<16xi32>,
        %gather3A_894 = tpu.vector_load_idx %arg23[%broadcast_in_dim3A_892] : memref<32xi32, #tpu.memory_space<vmem>>[vector<16xi32>], vector<16xi32>,
        %add3A_895 = arith.addi %gather3A_893, %iota3A : vector<16xi32>
        %add3A_896 = arith.addi %gather3A_893, %add3A_93 : vector<16xi32>
        %gather3A_897 = tpu.vector_load_idx %arg16[%add3A_895] : memref<8224xi32, #tpu.memory_space<vmem>>[vector<16xi32>], vector<16xi32>,
        %gather3A_898 = tpu.vector_load_idx %arg16[%add3A_896] : memref<8224xi32, #tpu.memory_space<vmem>>[vector<16xi32>], vector<16xi32>,
        %and3A_899 = vector.broadcast %while3A : i32 to vector<16xi32>
        %and3A_900 = arith.andi %gather3A_897, %and3A_899 : vector<16xi32>
        %and3A_901 = vector.broadcast %while3A : i32 to vector<16xi32>
        %and3A_902 = arith.andi %gather3A_898, %and3A_901 : vector<16xi32>
        %shift_right_logical3A_903 = arith.constant 14 : i32
        %shift_right_logical3A_904 = vector.broadcast %shift_right_logical3A_903 : i32 to vector<16xi32>
        %shift_right_logical3A_905 = arith.shrui %gather3A_897, %shift_right_logical3A_904 : vector<16xi32>
        %shift_right_logical3A_906 = arith.constant 14 : i32
        %shift_right_logical3A_907 = vector.broadcast %shift_right_logical3A_906 : i32 to vector<16xi32>
        %shift_right_logical3A_908 = arith.shrui %gather3A_898, %shift_right_logical3A_907 : vector<16xi32>
        %le3A_909 = arith.cmpi sle, %add3A_895, %gather3A_894 : vector<16xi32>
        %gt3A_910 = arith.cmpi sgt, %and3A_900, %gather3A_894 : vector<16xi32>
        %and3A_911 = arith.andi %gt3A_91, %gt3A_910 : vector<16xi1>
        %lt3A_912 = arith.cmpi slt, %add3A_895, %gather3A_894 : vector<16xi32>
        %lt3A_913 = arith.cmpi slt, %shift_right_logical3A_905, %gather3A_893 : vector<16xi32>
        %and3A_914 = arith.andi %lt3A_912, %lt3A_913 : vector<16xi1>
        %or3A_915 = arith.ori %and3A_911, %and3A_914 : vector<16xi1>
        %and3A_916 = arith.andi %le3A_909, %or3A_915 : vector<16xi1>
        %le3A_917 = arith.cmpi sle, %add3A_896, %gather3A_894 : vector<16xi32>
        %gt3A_918 = arith.cmpi sgt, %and3A_902, %gather3A_894 : vector<16xi32>
        %lt3A_919 = arith.cmpi slt, %add3A_896, %gather3A_894 : vector<16xi32>
        %lt3A_920 = arith.cmpi slt, %shift_right_logical3A_908, %gather3A_893 : vector<16xi32>
        %and3A_921 = arith.andi %lt3A_919, %lt3A_920 : vector<16xi1>
        %or3A_922 = arith.ori %gt3A_918, %and3A_921 : vector<16xi1>
        %and3A_923 = arith.andi %le3A_917, %or3A_922 : vector<16xi1>
        %or3A_924 = arith.ori %and3A_916, %and3A_923 : vector<16xi1>
        %all_reduce_population_count3A_925 = tpu.all_reduce %or3A_924 {dim = 0 : i64, kind = #tpu.reduction_kind<sum>} : vector<16xi1> -> vector<16xi32>
        %eq3A_926 = arith.constant 0 : i32
        %eq3A_927 = vector.broadcast %eq3A_926 : i32 to vector<16xi32>
        %eq3A_928 = arith.cmpi eq, %all_reduce_population_count3A_925, %eq3A_927 : vector<16xi32>
        %lt3A_929 = arith.cmpi slt, %add3A_890, %broadcast_in_dim3A_96 : vector<16xi32>
        %and3A_930 = arith.andi %eq3A_928, %lt3A_929 : vector<16xi1>
        %and3A_931 = arith.andi %and3A_930, %eq3A_19 : vector<16xi1>
        %eq3A_932 = arith.constant 11 : i32
        %eq3A_933 = vector.broadcast %eq3A_932 : i32 to vector<16xi32>
        %eq3A_934 = arith.cmpi eq, %iota3A, %eq3A_933 : vector<16xi32>
        %and3A_935 = arith.andi %and3A_930, %eq3A_934 : vector<16xi1>
        %or3A_936 = arith.ori %or3A_867, %and3A_935 : vector<16xi1>
        %and3A_937 = vector.broadcast %while3A : i32 to vector<16xi32>
        %and3A_938 = arith.andi %gather3A_897, %and3A_937 : vector<16xi32>
        %max3A_939 = arith.maxsi %and3A_938, %gather3A_894 : vector<16xi32>
        %shift_right_logical3A_940 = arith.constant 14 : i32
        %shift_right_logical3A_941 = vector.broadcast %shift_right_logical3A_940 : i32 to vector<16xi32>
        %shift_right_logical3A_942 = arith.shrui %gather3A_897, %shift_right_logical3A_941 : vector<16xi32>
        %shift_left3A_943 = arith.constant 14 : i32
        %shift_left3A_944 = vector.broadcast %shift_left3A_943 : i32 to vector<16xi32>
        %shift_left3A_945 = arith.shli %shift_right_logical3A_942, %shift_left3A_944 : vector<16xi32>
        %or3A_946 = arith.ori %max3A_939, %shift_left3A_945 : vector<16xi32>
        tpu.vector_store_idx %arg16[%add3A_895], %or3A_946 masked %and3A_931 : memref<8224xi32, #tpu.memory_space<vmem>>[vector<16xi32>], vector<16xi32>, vector<16xi1>
        %gather3A_947 = tpu.vector_load_idx %arg16[%gather3A_894] : memref<8224xi32, #tpu.memory_space<vmem>>[vector<16xi32>], vector<16xi32>,
        %and3A_948 = vector.broadcast %while3A : i32 to vector<16xi32>
        %and3A_949 = arith.andi %gather3A_947, %and3A_948 : vector<16xi32>
        %shift_right_logical3A_950 = arith.constant 14 : i32
        %shift_right_logical3A_951 = vector.broadcast %shift_right_logical3A_950 : i32 to vector<16xi32>
        %shift_right_logical3A_952 = arith.shrui %gather3A_947, %shift_right_logical3A_951 : vector<16xi32>
        %min3A_953 = arith.minsi %shift_right_logical3A_952, %gather3A_893 : vector<16xi32>
        %shift_left3A_954 = arith.constant 14 : i32
        %shift_left3A_955 = vector.broadcast %shift_left3A_954 : i32 to vector<16xi32>
        %shift_left3A_956 = arith.shli %min3A_953, %shift_left3A_955 : vector<16xi32>
        %or3A_957 = arith.ori %and3A_949, %shift_left3A_956 : vector<16xi32>
        tpu.vector_store_idx %arg16[%gather3A_894], %or3A_957 masked %and3A_931 : memref<8224xi32, #tpu.memory_space<vmem>>[vector<16xi32>], vector<16xi32>, vector<16xi1>
        %convert_element_type3A_958 = arith.extui %and3A_930 : vector<16xi1> to vector<16xi32>
        %add3A_959 = arith.addi %add3A_890, %convert_element_type3A_958 : vector<16xi32>
        %broadcast_in_dim3A_960 = arith.constant 28 : i32
        %broadcast_in_dim3A_961 = vector.broadcast %broadcast_in_dim3A_960 : i32 to vector<16xi32>
        %gather3A_962 = tpu.vector_load_idx %arg22[%broadcast_in_dim3A_961] : memref<32xi32, #tpu.memory_space<vmem>>[vector<16xi32>], vector<16xi32>,
        %gather3A_963 = tpu.vector_load_idx %arg23[%broadcast_in_dim3A_961] : memref<32xi32, #tpu.memory_space<vmem>>[vector<16xi32>], vector<16xi32>,
        %add3A_964 = arith.addi %gather3A_962, %iota3A : vector<16xi32>
        %add3A_965 = arith.addi %gather3A_962, %add3A_93 : vector<16xi32>
        %gather3A_966 = tpu.vector_load_idx %arg16[%add3A_964] : memref<8224xi32, #tpu.memory_space<vmem>>[vector<16xi32>], vector<16xi32>,
        %gather3A_967 = tpu.vector_load_idx %arg16[%add3A_965] : memref<8224xi32, #tpu.memory_space<vmem>>[vector<16xi32>], vector<16xi32>,
        %and3A_968 = vector.broadcast %while3A : i32 to vector<16xi32>
        %and3A_969 = arith.andi %gather3A_966, %and3A_968 : vector<16xi32>
        %and3A_970 = vector.broadcast %while3A : i32 to vector<16xi32>
        %and3A_971 = arith.andi %gather3A_967, %and3A_970 : vector<16xi32>
        %shift_right_logical3A_972 = arith.constant 14 : i32
        %shift_right_logical3A_973 = vector.broadcast %shift_right_logical3A_972 : i32 to vector<16xi32>
        %shift_right_logical3A_974 = arith.shrui %gather3A_966, %shift_right_logical3A_973 : vector<16xi32>
        %shift_right_logical3A_975 = arith.constant 14 : i32
        %shift_right_logical3A_976 = vector.broadcast %shift_right_logical3A_975 : i32 to vector<16xi32>
        %shift_right_logical3A_977 = arith.shrui %gather3A_967, %shift_right_logical3A_976 : vector<16xi32>
        %le3A_978 = arith.cmpi sle, %add3A_964, %gather3A_963 : vector<16xi32>
        %gt3A_979 = arith.cmpi sgt, %and3A_969, %gather3A_963 : vector<16xi32>
        %and3A_980 = arith.andi %gt3A_91, %gt3A_979 : vector<16xi1>
        %lt3A_981 = arith.cmpi slt, %add3A_964, %gather3A_963 : vector<16xi32>
        %lt3A_982 = arith.cmpi slt, %shift_right_logical3A_974, %gather3A_962 : vector<16xi32>
        %and3A_983 = arith.andi %lt3A_981, %lt3A_982 : vector<16xi1>
        %or3A_984 = arith.ori %and3A_980, %and3A_983 : vector<16xi1>
        %and3A_985 = arith.andi %le3A_978, %or3A_984 : vector<16xi1>
        %le3A_986 = arith.cmpi sle, %add3A_965, %gather3A_963 : vector<16xi32>
        %gt3A_987 = arith.cmpi sgt, %and3A_971, %gather3A_963 : vector<16xi32>
        %lt3A_988 = arith.cmpi slt, %add3A_965, %gather3A_963 : vector<16xi32>
        %lt3A_989 = arith.cmpi slt, %shift_right_logical3A_977, %gather3A_962 : vector<16xi32>
        %and3A_990 = arith.andi %lt3A_988, %lt3A_989 : vector<16xi1>
        %or3A_991 = arith.ori %gt3A_987, %and3A_990 : vector<16xi1>
        %and3A_992 = arith.andi %le3A_986, %or3A_991 : vector<16xi1>
        %or3A_993 = arith.ori %and3A_985, %and3A_992 : vector<16xi1>
        %all_reduce_population_count3A_994 = tpu.all_reduce %or3A_993 {dim = 0 : i64, kind = #tpu.reduction_kind<sum>} : vector<16xi1> -> vector<16xi32>
        %eq3A_995 = arith.constant 0 : i32
        %eq3A_996 = vector.broadcast %eq3A_995 : i32 to vector<16xi32>
        %eq3A_997 = arith.cmpi eq, %all_reduce_population_count3A_994, %eq3A_996 : vector<16xi32>
        %lt3A_998 = arith.cmpi slt, %add3A_959, %broadcast_in_dim3A_96 : vector<16xi32>
        %and3A_999 = arith.andi %eq3A_997, %lt3A_998 : vector<16xi1>
        %and3A_1000 = arith.andi %and3A_999, %eq3A_19 : vector<16xi1>
        %eq3A_1001 = arith.constant 12 : i32
        %eq3A_1002 = vector.broadcast %eq3A_1001 : i32 to vector<16xi32>
        %eq3A_1003 = arith.cmpi eq, %iota3A, %eq3A_1002 : vector<16xi32>
        %and3A_1004 = arith.andi %and3A_999, %eq3A_1003 : vector<16xi1>
        %or3A_1005 = arith.ori %or3A_936, %and3A_1004 : vector<16xi1>
        %and3A_1006 = vector.broadcast %while3A : i32 to vector<16xi32>
        %and3A_1007 = arith.andi %gather3A_966, %and3A_1006 : vector<16xi32>
        %max3A_1008 = arith.maxsi %and3A_1007, %gather3A_963 : vector<16xi32>
        %shift_right_logical3A_1009 = arith.constant 14 : i32
        %shift_right_logical3A_1010 = vector.broadcast %shift_right_logical3A_1009 : i32 to vector<16xi32>
        %shift_right_logical3A_1011 = arith.shrui %gather3A_966, %shift_right_logical3A_1010 : vector<16xi32>
        %shift_left3A_1012 = arith.constant 14 : i32
        %shift_left3A_1013 = vector.broadcast %shift_left3A_1012 : i32 to vector<16xi32>
        %shift_left3A_1014 = arith.shli %shift_right_logical3A_1011, %shift_left3A_1013 : vector<16xi32>
        %or3A_1015 = arith.ori %max3A_1008, %shift_left3A_1014 : vector<16xi32>
        tpu.vector_store_idx %arg16[%add3A_964], %or3A_1015 masked %and3A_1000 : memref<8224xi32, #tpu.memory_space<vmem>>[vector<16xi32>], vector<16xi32>, vector<16xi1>
        %gather3A_1016 = tpu.vector_load_idx %arg16[%gather3A_963] : memref<8224xi32, #tpu.memory_space<vmem>>[vector<16xi32>], vector<16xi32>,
        %and3A_1017 = vector.broadcast %while3A : i32 to vector<16xi32>
        %and3A_1018 = arith.andi %gather3A_1016, %and3A_1017 : vector<16xi32>
        %shift_right_logical3A_1019 = arith.constant 14 : i32
        %shift_right_logical3A_1020 = vector.broadcast %shift_right_logical3A_1019 : i32 to vector<16xi32>
        %shift_right_logical3A_1021 = arith.shrui %gather3A_1016, %shift_right_logical3A_1020 : vector<16xi32>
        %min3A_1022 = arith.minsi %shift_right_logical3A_1021, %gather3A_962 : vector<16xi32>
        %shift_left3A_1023 = arith.constant 14 : i32
        %shift_left3A_1024 = vector.broadcast %shift_left3A_1023 : i32 to vector<16xi32>
        %shift_left3A_1025 = arith.shli %min3A_1022, %shift_left3A_1024 : vector<16xi32>
        %or3A_1026 = arith.ori %and3A_1018, %shift_left3A_1025 : vector<16xi32>
        tpu.vector_store_idx %arg16[%gather3A_963], %or3A_1026 masked %and3A_1000 : memref<8224xi32, #tpu.memory_space<vmem>>[vector<16xi32>], vector<16xi32>, vector<16xi1>
        %convert_element_type3A_1027 = arith.extui %and3A_999 : vector<16xi1> to vector<16xi32>
        %add3A_1028 = arith.addi %add3A_959, %convert_element_type3A_1027 : vector<16xi32>
        %broadcast_in_dim3A_1029 = arith.constant 29 : i32
        %broadcast_in_dim3A_1030 = vector.broadcast %broadcast_in_dim3A_1029 : i32 to vector<16xi32>
        %gather3A_1031 = tpu.vector_load_idx %arg22[%broadcast_in_dim3A_1030] : memref<32xi32, #tpu.memory_space<vmem>>[vector<16xi32>], vector<16xi32>,
        %gather3A_1032 = tpu.vector_load_idx %arg23[%broadcast_in_dim3A_1030] : memref<32xi32, #tpu.memory_space<vmem>>[vector<16xi32>], vector<16xi32>,
        %add3A_1033 = arith.addi %gather3A_1031, %iota3A : vector<16xi32>
        %add3A_1034 = arith.addi %gather3A_1031, %add3A_93 : vector<16xi32>
        %gather3A_1035 = tpu.vector_load_idx %arg16[%add3A_1033] : memref<8224xi32, #tpu.memory_space<vmem>>[vector<16xi32>], vector<16xi32>,
        %gather3A_1036 = tpu.vector_load_idx %arg16[%add3A_1034] : memref<8224xi32, #tpu.memory_space<vmem>>[vector<16xi32>], vector<16xi32>,
        %and3A_1037 = vector.broadcast %while3A : i32 to vector<16xi32>
        %and3A_1038 = arith.andi %gather3A_1035, %and3A_1037 : vector<16xi32>
        %and3A_1039 = vector.broadcast %while3A : i32 to vector<16xi32>
        %and3A_1040 = arith.andi %gather3A_1036, %and3A_1039 : vector<16xi32>
        %shift_right_logical3A_1041 = arith.constant 14 : i32
        %shift_right_logical3A_1042 = vector.broadcast %shift_right_logical3A_1041 : i32 to vector<16xi32>
        %shift_right_logical3A_1043 = arith.shrui %gather3A_1035, %shift_right_logical3A_1042 : vector<16xi32>
        %shift_right_logical3A_1044 = arith.constant 14 : i32
        %shift_right_logical3A_1045 = vector.broadcast %shift_right_logical3A_1044 : i32 to vector<16xi32>
        %shift_right_logical3A_1046 = arith.shrui %gather3A_1036, %shift_right_logical3A_1045 : vector<16xi32>
        %le3A_1047 = arith.cmpi sle, %add3A_1033, %gather3A_1032 : vector<16xi32>
        %gt3A_1048 = arith.cmpi sgt, %and3A_1038, %gather3A_1032 : vector<16xi32>
        %and3A_1049 = arith.andi %gt3A_91, %gt3A_1048 : vector<16xi1>
        %lt3A_1050 = arith.cmpi slt, %add3A_1033, %gather3A_1032 : vector<16xi32>
        %lt3A_1051 = arith.cmpi slt, %shift_right_logical3A_1043, %gather3A_1031 : vector<16xi32>
        %and3A_1052 = arith.andi %lt3A_1050, %lt3A_1051 : vector<16xi1>
        %or3A_1053 = arith.ori %and3A_1049, %and3A_1052 : vector<16xi1>
        %and3A_1054 = arith.andi %le3A_1047, %or3A_1053 : vector<16xi1>
        %le3A_1055 = arith.cmpi sle, %add3A_1034, %gather3A_1032 : vector<16xi32>
        %gt3A_1056 = arith.cmpi sgt, %and3A_1040, %gather3A_1032 : vector<16xi32>
        %lt3A_1057 = arith.cmpi slt, %add3A_1034, %gather3A_1032 : vector<16xi32>
        %lt3A_1058 = arith.cmpi slt, %shift_right_logical3A_1046, %gather3A_1031 : vector<16xi32>
        %and3A_1059 = arith.andi %lt3A_1057, %lt3A_1058 : vector<16xi1>
        %or3A_1060 = arith.ori %gt3A_1056, %and3A_1059 : vector<16xi1>
        %and3A_1061 = arith.andi %le3A_1055, %or3A_1060 : vector<16xi1>
        %or3A_1062 = arith.ori %and3A_1054, %and3A_1061 : vector<16xi1>
        %all_reduce_population_count3A_1063 = tpu.all_reduce %or3A_1062 {dim = 0 : i64, kind = #tpu.reduction_kind<sum>} : vector<16xi1> -> vector<16xi32>
        %eq3A_1064 = arith.constant 0 : i32
        %eq3A_1065 = vector.broadcast %eq3A_1064 : i32 to vector<16xi32>
        %eq3A_1066 = arith.cmpi eq, %all_reduce_population_count3A_1063, %eq3A_1065 : vector<16xi32>
        %lt3A_1067 = arith.cmpi slt, %add3A_1028, %broadcast_in_dim3A_96 : vector<16xi32>
        %and3A_1068 = arith.andi %eq3A_1066, %lt3A_1067 : vector<16xi1>
        %and3A_1069 = arith.andi %and3A_1068, %eq3A_19 : vector<16xi1>
        %eq3A_1070 = arith.constant 13 : i32
        %eq3A_1071 = vector.broadcast %eq3A_1070 : i32 to vector<16xi32>
        %eq3A_1072 = arith.cmpi eq, %iota3A, %eq3A_1071 : vector<16xi32>
        %and3A_1073 = arith.andi %and3A_1068, %eq3A_1072 : vector<16xi1>
        %or3A_1074 = arith.ori %or3A_1005, %and3A_1073 : vector<16xi1>
        %and3A_1075 = vector.broadcast %while3A : i32 to vector<16xi32>
        %and3A_1076 = arith.andi %gather3A_1035, %and3A_1075 : vector<16xi32>
        %max3A_1077 = arith.maxsi %and3A_1076, %gather3A_1032 : vector<16xi32>
        %shift_right_logical3A_1078 = arith.constant 14 : i32
        %shift_right_logical3A_1079 = vector.broadcast %shift_right_logical3A_1078 : i32 to vector<16xi32>
        %shift_right_logical3A_1080 = arith.shrui %gather3A_1035, %shift_right_logical3A_1079 : vector<16xi32>
        %shift_left3A_1081 = arith.constant 14 : i32
        %shift_left3A_1082 = vector.broadcast %shift_left3A_1081 : i32 to vector<16xi32>
        %shift_left3A_1083 = arith.shli %shift_right_logical3A_1080, %shift_left3A_1082 : vector<16xi32>
        %or3A_1084 = arith.ori %max3A_1077, %shift_left3A_1083 : vector<16xi32>
        tpu.vector_store_idx %arg16[%add3A_1033], %or3A_1084 masked %and3A_1069 : memref<8224xi32, #tpu.memory_space<vmem>>[vector<16xi32>], vector<16xi32>, vector<16xi1>
        %gather3A_1085 = tpu.vector_load_idx %arg16[%gather3A_1032] : memref<8224xi32, #tpu.memory_space<vmem>>[vector<16xi32>], vector<16xi32>,
        %and3A_1086 = vector.broadcast %while3A : i32 to vector<16xi32>
        %and3A_1087 = arith.andi %gather3A_1085, %and3A_1086 : vector<16xi32>
        %shift_right_logical3A_1088 = arith.constant 14 : i32
        %shift_right_logical3A_1089 = vector.broadcast %shift_right_logical3A_1088 : i32 to vector<16xi32>
        %shift_right_logical3A_1090 = arith.shrui %gather3A_1085, %shift_right_logical3A_1089 : vector<16xi32>
        %min3A_1091 = arith.minsi %shift_right_logical3A_1090, %gather3A_1031 : vector<16xi32>
        %shift_left3A_1092 = arith.constant 14 : i32
        %shift_left3A_1093 = vector.broadcast %shift_left3A_1092 : i32 to vector<16xi32>
        %shift_left3A_1094 = arith.shli %min3A_1091, %shift_left3A_1093 : vector<16xi32>
        %or3A_1095 = arith.ori %and3A_1087, %shift_left3A_1094 : vector<16xi32>
        tpu.vector_store_idx %arg16[%gather3A_1032], %or3A_1095 masked %and3A_1069 : memref<8224xi32, #tpu.memory_space<vmem>>[vector<16xi32>], vector<16xi32>, vector<16xi1>
        %convert_element_type3A_1096 = arith.extui %and3A_1068 : vector<16xi1> to vector<16xi32>
        %add3A_1097 = arith.addi %add3A_1028, %convert_element_type3A_1096 : vector<16xi32>
        %broadcast_in_dim3A_1098 = arith.constant 30 : i32
        %broadcast_in_dim3A_1099 = vector.broadcast %broadcast_in_dim3A_1098 : i32 to vector<16xi32>
        %gather3A_1100 = tpu.vector_load_idx %arg22[%broadcast_in_dim3A_1099] : memref<32xi32, #tpu.memory_space<vmem>>[vector<16xi32>], vector<16xi32>,
        %gather3A_1101 = tpu.vector_load_idx %arg23[%broadcast_in_dim3A_1099] : memref<32xi32, #tpu.memory_space<vmem>>[vector<16xi32>], vector<16xi32>,
        %add3A_1102 = arith.addi %gather3A_1100, %iota3A : vector<16xi32>
        %add3A_1103 = arith.addi %gather3A_1100, %add3A_93 : vector<16xi32>
        %gather3A_1104 = tpu.vector_load_idx %arg16[%add3A_1102] : memref<8224xi32, #tpu.memory_space<vmem>>[vector<16xi32>], vector<16xi32>,
        %gather3A_1105 = tpu.vector_load_idx %arg16[%add3A_1103] : memref<8224xi32, #tpu.memory_space<vmem>>[vector<16xi32>], vector<16xi32>,
        %and3A_1106 = vector.broadcast %while3A : i32 to vector<16xi32>
        %and3A_1107 = arith.andi %gather3A_1104, %and3A_1106 : vector<16xi32>
        %and3A_1108 = vector.broadcast %while3A : i32 to vector<16xi32>
        %and3A_1109 = arith.andi %gather3A_1105, %and3A_1108 : vector<16xi32>
        %shift_right_logical3A_1110 = arith.constant 14 : i32
        %shift_right_logical3A_1111 = vector.broadcast %shift_right_logical3A_1110 : i32 to vector<16xi32>
        %shift_right_logical3A_1112 = arith.shrui %gather3A_1104, %shift_right_logical3A_1111 : vector<16xi32>
        %shift_right_logical3A_1113 = arith.constant 14 : i32
        %shift_right_logical3A_1114 = vector.broadcast %shift_right_logical3A_1113 : i32 to vector<16xi32>
        %shift_right_logical3A_1115 = arith.shrui %gather3A_1105, %shift_right_logical3A_1114 : vector<16xi32>
        %le3A_1116 = arith.cmpi sle, %add3A_1102, %gather3A_1101 : vector<16xi32>
        %gt3A_1117 = arith.cmpi sgt, %and3A_1107, %gather3A_1101 : vector<16xi32>
        %and3A_1118 = arith.andi %gt3A_91, %gt3A_1117 : vector<16xi1>
        %lt3A_1119 = arith.cmpi slt, %add3A_1102, %gather3A_1101 : vector<16xi32>
        %lt3A_1120 = arith.cmpi slt, %shift_right_logical3A_1112, %gather3A_1100 : vector<16xi32>
        %and3A_1121 = arith.andi %lt3A_1119, %lt3A_1120 : vector<16xi1>
        %or3A_1122 = arith.ori %and3A_1118, %and3A_1121 : vector<16xi1>
        %and3A_1123 = arith.andi %le3A_1116, %or3A_1122 : vector<16xi1>
        %le3A_1124 = arith.cmpi sle, %add3A_1103, %gather3A_1101 : vector<16xi32>
        %gt3A_1125 = arith.cmpi sgt, %and3A_1109, %gather3A_1101 : vector<16xi32>
        %lt3A_1126 = arith.cmpi slt, %add3A_1103, %gather3A_1101 : vector<16xi32>
        %lt3A_1127 = arith.cmpi slt, %shift_right_logical3A_1115, %gather3A_1100 : vector<16xi32>
        %and3A_1128 = arith.andi %lt3A_1126, %lt3A_1127 : vector<16xi1>
        %or3A_1129 = arith.ori %gt3A_1125, %and3A_1128 : vector<16xi1>
        %and3A_1130 = arith.andi %le3A_1124, %or3A_1129 : vector<16xi1>
        %or3A_1131 = arith.ori %and3A_1123, %and3A_1130 : vector<16xi1>
        %all_reduce_population_count3A_1132 = tpu.all_reduce %or3A_1131 {dim = 0 : i64, kind = #tpu.reduction_kind<sum>} : vector<16xi1> -> vector<16xi32>
        %eq3A_1133 = arith.constant 0 : i32
        %eq3A_1134 = vector.broadcast %eq3A_1133 : i32 to vector<16xi32>
        %eq3A_1135 = arith.cmpi eq, %all_reduce_population_count3A_1132, %eq3A_1134 : vector<16xi32>
        %lt3A_1136 = arith.cmpi slt, %add3A_1097, %broadcast_in_dim3A_96 : vector<16xi32>
        %and3A_1137 = arith.andi %eq3A_1135, %lt3A_1136 : vector<16xi1>
        %and3A_1138 = arith.andi %and3A_1137, %eq3A_19 : vector<16xi1>
        %eq3A_1139 = arith.constant 14 : i32
        %eq3A_1140 = vector.broadcast %eq3A_1139 : i32 to vector<16xi32>
        %eq3A_1141 = arith.cmpi eq, %iota3A, %eq3A_1140 : vector<16xi32>
        %and3A_1142 = arith.andi %and3A_1137, %eq3A_1141 : vector<16xi1>
        %or3A_1143 = arith.ori %or3A_1074, %and3A_1142 : vector<16xi1>
        %and3A_1144 = vector.broadcast %while3A : i32 to vector<16xi32>
        %and3A_1145 = arith.andi %gather3A_1104, %and3A_1144 : vector<16xi32>
        %max3A_1146 = arith.maxsi %and3A_1145, %gather3A_1101 : vector<16xi32>
        %shift_right_logical3A_1147 = arith.constant 14 : i32
        %shift_right_logical3A_1148 = vector.broadcast %shift_right_logical3A_1147 : i32 to vector<16xi32>
        %shift_right_logical3A_1149 = arith.shrui %gather3A_1104, %shift_right_logical3A_1148 : vector<16xi32>
        %shift_left3A_1150 = arith.constant 14 : i32
        %shift_left3A_1151 = vector.broadcast %shift_left3A_1150 : i32 to vector<16xi32>
        %shift_left3A_1152 = arith.shli %shift_right_logical3A_1149, %shift_left3A_1151 : vector<16xi32>
        %or3A_1153 = arith.ori %max3A_1146, %shift_left3A_1152 : vector<16xi32>
        tpu.vector_store_idx %arg16[%add3A_1102], %or3A_1153 masked %and3A_1138 : memref<8224xi32, #tpu.memory_space<vmem>>[vector<16xi32>], vector<16xi32>, vector<16xi1>
        %gather3A_1154 = tpu.vector_load_idx %arg16[%gather3A_1101] : memref<8224xi32, #tpu.memory_space<vmem>>[vector<16xi32>], vector<16xi32>,
        %and3A_1155 = vector.broadcast %while3A : i32 to vector<16xi32>
        %and3A_1156 = arith.andi %gather3A_1154, %and3A_1155 : vector<16xi32>
        %shift_right_logical3A_1157 = arith.constant 14 : i32
        %shift_right_logical3A_1158 = vector.broadcast %shift_right_logical3A_1157 : i32 to vector<16xi32>
        %shift_right_logical3A_1159 = arith.shrui %gather3A_1154, %shift_right_logical3A_1158 : vector<16xi32>
        %min3A_1160 = arith.minsi %shift_right_logical3A_1159, %gather3A_1100 : vector<16xi32>
        %shift_left3A_1161 = arith.constant 14 : i32
        %shift_left3A_1162 = vector.broadcast %shift_left3A_1161 : i32 to vector<16xi32>
        %shift_left3A_1163 = arith.shli %min3A_1160, %shift_left3A_1162 : vector<16xi32>
        %or3A_1164 = arith.ori %and3A_1156, %shift_left3A_1163 : vector<16xi32>
        tpu.vector_store_idx %arg16[%gather3A_1101], %or3A_1164 masked %and3A_1138 : memref<8224xi32, #tpu.memory_space<vmem>>[vector<16xi32>], vector<16xi32>, vector<16xi1>
        %convert_element_type3A_1165 = arith.extui %and3A_1137 : vector<16xi1> to vector<16xi32>
        %add3A_1166 = arith.addi %add3A_1097, %convert_element_type3A_1165 : vector<16xi32>
        %broadcast_in_dim3A_1167 = arith.constant 31 : i32
        %broadcast_in_dim3A_1168 = vector.broadcast %broadcast_in_dim3A_1167 : i32 to vector<16xi32>
        %gather3A_1169 = tpu.vector_load_idx %arg22[%broadcast_in_dim3A_1168] : memref<32xi32, #tpu.memory_space<vmem>>[vector<16xi32>], vector<16xi32>,
        %gather3A_1170 = tpu.vector_load_idx %arg23[%broadcast_in_dim3A_1168] : memref<32xi32, #tpu.memory_space<vmem>>[vector<16xi32>], vector<16xi32>,
        %add3A_1171 = arith.addi %gather3A_1169, %iota3A : vector<16xi32>
        %add3A_1172 = arith.addi %gather3A_1169, %add3A_93 : vector<16xi32>
        %gather3A_1173 = tpu.vector_load_idx %arg16[%add3A_1171] : memref<8224xi32, #tpu.memory_space<vmem>>[vector<16xi32>], vector<16xi32>,
        %gather3A_1174 = tpu.vector_load_idx %arg16[%add3A_1172] : memref<8224xi32, #tpu.memory_space<vmem>>[vector<16xi32>], vector<16xi32>,
        %and3A_1175 = vector.broadcast %while3A : i32 to vector<16xi32>
        %and3A_1176 = arith.andi %gather3A_1173, %and3A_1175 : vector<16xi32>
        %and3A_1177 = vector.broadcast %while3A : i32 to vector<16xi32>
        %and3A_1178 = arith.andi %gather3A_1174, %and3A_1177 : vector<16xi32>
        %shift_right_logical3A_1179 = arith.constant 14 : i32
        %shift_right_logical3A_1180 = vector.broadcast %shift_right_logical3A_1179 : i32 to vector<16xi32>
        %shift_right_logical3A_1181 = arith.shrui %gather3A_1173, %shift_right_logical3A_1180 : vector<16xi32>
        %shift_right_logical3A_1182 = arith.constant 14 : i32
        %shift_right_logical3A_1183 = vector.broadcast %shift_right_logical3A_1182 : i32 to vector<16xi32>
        %shift_right_logical3A_1184 = arith.shrui %gather3A_1174, %shift_right_logical3A_1183 : vector<16xi32>
        %le3A_1185 = arith.cmpi sle, %add3A_1171, %gather3A_1170 : vector<16xi32>
        %gt3A_1186 = arith.cmpi sgt, %and3A_1176, %gather3A_1170 : vector<16xi32>
        %and3A_1187 = arith.andi %gt3A_91, %gt3A_1186 : vector<16xi1>
        %lt3A_1188 = arith.cmpi slt, %add3A_1171, %gather3A_1170 : vector<16xi32>
        %lt3A_1189 = arith.cmpi slt, %shift_right_logical3A_1181, %gather3A_1169 : vector<16xi32>
        %and3A_1190 = arith.andi %lt3A_1188, %lt3A_1189 : vector<16xi1>
        %or3A_1191 = arith.ori %and3A_1187, %and3A_1190 : vector<16xi1>
        %and3A_1192 = arith.andi %le3A_1185, %or3A_1191 : vector<16xi1>
        %le3A_1193 = arith.cmpi sle, %add3A_1172, %gather3A_1170 : vector<16xi32>
        %gt3A_1194 = arith.cmpi sgt, %and3A_1178, %gather3A_1170 : vector<16xi32>
        %lt3A_1195 = arith.cmpi slt, %add3A_1172, %gather3A_1170 : vector<16xi32>
        %lt3A_1196 = arith.cmpi slt, %shift_right_logical3A_1184, %gather3A_1169 : vector<16xi32>
        %and3A_1197 = arith.andi %lt3A_1195, %lt3A_1196 : vector<16xi1>
        %or3A_1198 = arith.ori %gt3A_1194, %and3A_1197 : vector<16xi1>
        %and3A_1199 = arith.andi %le3A_1193, %or3A_1198 : vector<16xi1>
        %or3A_1200 = arith.ori %and3A_1192, %and3A_1199 : vector<16xi1>
        %all_reduce_population_count3A_1201 = tpu.all_reduce %or3A_1200 {dim = 0 : i64, kind = #tpu.reduction_kind<sum>} : vector<16xi1> -> vector<16xi32>
        %eq3A_1202 = arith.constant 0 : i32
        %eq3A_1203 = vector.broadcast %eq3A_1202 : i32 to vector<16xi32>
        %eq3A_1204 = arith.cmpi eq, %all_reduce_population_count3A_1201, %eq3A_1203 : vector<16xi32>
        %lt3A_1205 = arith.cmpi slt, %add3A_1166, %broadcast_in_dim3A_96 : vector<16xi32>
        %and3A_1206 = arith.andi %eq3A_1204, %lt3A_1205 : vector<16xi1>
        %and3A_1207 = arith.andi %and3A_1206, %eq3A_19 : vector<16xi1>
        %eq3A_1208 = arith.constant 15 : i32
        %eq3A_1209 = vector.broadcast %eq3A_1208 : i32 to vector<16xi32>
        %eq3A_1210 = arith.cmpi eq, %iota3A, %eq3A_1209 : vector<16xi32>
        %and3A_1211 = arith.andi %and3A_1206, %eq3A_1210 : vector<16xi1>
        %or3A_1212 = arith.ori %or3A_1143, %and3A_1211 : vector<16xi1>
        %and3A_1213 = vector.broadcast %while3A : i32 to vector<16xi32>
        %and3A_1214 = arith.andi %gather3A_1173, %and3A_1213 : vector<16xi32>
        %max3A_1215 = arith.maxsi %and3A_1214, %gather3A_1170 : vector<16xi32>
        %shift_right_logical3A_1216 = arith.constant 14 : i32
        %shift_right_logical3A_1217 = vector.broadcast %shift_right_logical3A_1216 : i32 to vector<16xi32>
        %shift_right_logical3A_1218 = arith.shrui %gather3A_1173, %shift_right_logical3A_1217 : vector<16xi32>
        %shift_left3A_1219 = arith.constant 14 : i32
        %shift_left3A_1220 = vector.broadcast %shift_left3A_1219 : i32 to vector<16xi32>
        %shift_left3A_1221 = arith.shli %shift_right_logical3A_1218, %shift_left3A_1220 : vector<16xi32>
        %or3A_1222 = arith.ori %max3A_1215, %shift_left3A_1221 : vector<16xi32>
        tpu.vector_store_idx %arg16[%add3A_1171], %or3A_1222 masked %and3A_1207 : memref<8224xi32, #tpu.memory_space<vmem>>[vector<16xi32>], vector<16xi32>, vector<16xi1>
        %gather3A_1223 = tpu.vector_load_idx %arg16[%gather3A_1170] : memref<8224xi32, #tpu.memory_space<vmem>>[vector<16xi32>], vector<16xi32>,
        %and3A_1224 = vector.broadcast %while3A : i32 to vector<16xi32>
        %and3A_1225 = arith.andi %gather3A_1223, %and3A_1224 : vector<16xi32>
        %shift_right_logical3A_1226 = arith.constant 14 : i32
        %shift_right_logical3A_1227 = vector.broadcast %shift_right_logical3A_1226 : i32 to vector<16xi32>
        %shift_right_logical3A_1228 = arith.shrui %gather3A_1223, %shift_right_logical3A_1227 : vector<16xi32>
        %min3A_1229 = arith.minsi %shift_right_logical3A_1228, %gather3A_1169 : vector<16xi32>
        %shift_left3A_1230 = arith.constant 14 : i32
        %shift_left3A_1231 = vector.broadcast %shift_left3A_1230 : i32 to vector<16xi32>
        %shift_left3A_1232 = arith.shli %min3A_1229, %shift_left3A_1231 : vector<16xi32>
        %or3A_1233 = arith.ori %and3A_1225, %shift_left3A_1232 : vector<16xi32>
        tpu.vector_store_idx %arg16[%gather3A_1170], %or3A_1233 masked %and3A_1207 : memref<8224xi32, #tpu.memory_space<vmem>>[vector<16xi32>], vector<16xi32>, vector<16xi1>
        %convert_element_type3A_1234 = arith.extui %and3A_1206 : vector<16xi1> to vector<16xi32>
        %add3A_1235 = arith.addi %add3A_1166, %convert_element_type3A_1234 : vector<16xi32>
        tpu.vector_store_idx %arg10[%get3A_123], %broadcast_in_dim3A_95 masked %or3A_1212 : memref<20000xi32, #tpu.memory_space<vmem>>[vector<16xi32>], vector<16xi32>, vector<16xi1>
        %add3A_1236 = arith.constant 16 : i32
        %add3A_1237 = arith.addi %while3A_120, %add3A_1236 : i32
        scf.yield %add3A_1237, %add3A_1235 : i32, vector<16xi32>
      }
      %slice3A_101 = vector.extract_strided_slice %while3A_100#1 {offsets = [0], sizes = [1], strides = [1]} : vector<16xi32> to vector<1xi32>
      %squeeze3A_102 = vector.extract %slice3A_101[0] : i32 from vector<1xi32>
      %broadcast_in_dim3A_103 = arith.constant 0 : i32
      %broadcast_in_dim3A_104 = vector.broadcast %broadcast_in_dim3A_103 : i32 to vector<16xi32>
      %scan3A_105 = arith.constant 0 : i32
      %scan3A_106 = arith.constant 1250 : i32
      %scan3A_107 = arith.addi %scan3A_105, %scan3A_106 : i32
      %scan3A_108 = arith.constant 1 : i32
      %scan3A_109 = scf.for %scan3A_120 = %scan3A_105 to %scan3A_107 step %scan3A_108 iter_args(%scan3A_121 = %broadcast_in_dim3A_104) -> (vector<16xi32>)  : i32 {
        %mul3A = arith.constant 16 : i32
        %mul3A_122 = arith.muli %scan3A_120, %mul3A : i32
        %get3A_123 = arith.index_cast %mul3A_122 : i32 to index
        %get3A_124 = tpu.vector_load %arg10[%get3A_123] {strides = array<i32>} : memref<20000xi32, #tpu.memory_space<vmem>>, vector<16xi32>,
        %gt3A_125 = arith.constant 0 : i32
        %gt3A_126 = vector.broadcast %gt3A_125 : i32 to vector<16xi32>
        %gt3A_127 = arith.cmpi sgt, %get3A_124, %gt3A_126 : vector<16xi32>
        %convert_element_type3A_128 = arith.extui %gt3A_127 : vector<16xi1> to vector<16xi32>
        %broadcast_in_dim3A_129 = arith.constant true
        %broadcast_in_dim3A_130 = vector.broadcast %broadcast_in_dim3A_129 : i1 to vector<16xi1>
        %masked_cumsum3A = tpu.scan <sum>, %convert_element_type3A_128 masked %broadcast_in_dim3A_130 : vector<16xi32>, vector<16xi1> -> vector<16xi32>
        %add3A_131 = arith.addi %scan3A_121, %masked_cumsum3A : vector<16xi32>
        %sub3A = arith.constant 1 : i32
        %sub3A_132 = vector.broadcast %sub3A : i32 to vector<16xi32>
        %sub3A_133 = arith.subi %add3A_131, %sub3A_132 : vector<16xi32>
        %mul3A_134 = arith.constant 16 : i32
        %mul3A_135 = arith.muli %scan3A_120, %mul3A_134 : i32
        %add3A_136 = vector.broadcast %mul3A_135 : i32 to vector<16xi32>
        %add3A_137 = arith.addi %add3A_136, %iota3A : vector<16xi32>
        tpu.vector_store_idx %arg17[%sub3A_133], %add3A_137 masked %gt3A_127 : memref<2000xi32, #tpu.memory_space<vmem>>[vector<16xi32>], vector<16xi32>, vector<16xi1>
        %all_reduce_population_count3A = tpu.all_reduce %gt3A_127 {dim = 0 : i64, kind = #tpu.reduction_kind<sum>} : vector<16xi1> -> vector<16xi32>
        %add3A_138 = arith.addi %scan3A_121, %all_reduce_population_count3A : vector<16xi32>
        scf.yield %add3A_138 : vector<16xi32>
      }
      %scan3A_110 = arith.constant 1250 : i32
      %get3A_111 = arith.constant 0 : index
      %get3A_112 = tpu.vector_load %arg17[%get3A_111] {strides = array<i32>} : memref<2000xi32, #tpu.memory_space<vmem>>, vector<16xi32>,
      %slice3A_113 = vector.extract_strided_slice %get3A_112 {offsets = [0], sizes = [1], strides = [1]} : vector<16xi32> to vector<1xi32>
      %squeeze3A_114 = vector.extract %slice3A_113[0] : i32 from vector<1xi32>
      "tpu.region"() ({
        %run_scoped3A = tpu.sem_alloc : memref<!tpu.dma_semaphore, #tpu.memory_space<semaphore_mem>>
        tpu.enqueue_dma source(%arg4 : memref<20000xi32, #tpu.memory_space<hbm>>) target(%arg12 : memref<20000xi32, #tpu.memory_space<vmem>>) target_semaphore(%run_scoped3A : memref<!tpu.dma_semaphore, #tpu.memory_space<semaphore_mem>>)
        tpu.wait_dma2 semaphore(%run_scoped3A : memref<!tpu.dma_semaphore, #tpu.memory_space<semaphore_mem>>) src(%arg4 : memref<20000xi32, #tpu.memory_space<hbm>>) dst(%arg12 : memref<20000xi32, #tpu.memory_space<vmem>>)
        tpu.yield
      }) : () -> ()
      %scan3A_115 = arith.constant 0 : i32
      %scan3A_116 = arith.constant 125 : i32
      %scan3A_117 = arith.addi %scan3A_115, %scan3A_116 : i32
      %scan3A_118 = arith.constant 1 : i32
      scf.for %scan3A_120 = %scan3A_115 to %scan3A_117 step %scan3A_118  : i32 {
        %mul3A = arith.constant 1 : i32
        %mul3A_121 = arith.muli %scan3A_120, %mul3A : i32
        %add3A_122 = arith.constant 0 : i32
        %add3A_123 = arith.addi %add3A_122, %mul3A_121 : i32
        %mul3A_124 = arith.constant 16 : i32
        %mul3A_125 = arith.muli %add3A_123, %mul3A_124 : i32
        %mul3A_126 = arith.constant 16 : i32
        %mul3A_127 = arith.muli %add3A_123, %mul3A_126 : i32
        %add3A_128 = vector.broadcast %mul3A_127 : i32 to vector<16xi32>
        %add3A_129 = arith.addi %add3A_128, %iota3A : vector<16xi32>
        %lt3A = vector.broadcast %squeeze3A_102 : i32 to vector<16xi32>
        %lt3A_130 = arith.cmpi slt, %add3A_129, %lt3A : vector<16xi32>
        %get3A_131 = arith.index_cast %mul3A_125 : i32 to index
        %get3A_132 = tpu.vector_load %arg17[%get3A_131] {strides = array<i32>} : memref<2000xi32, #tpu.memory_space<vmem>>, vector<16xi32>,
        %broadcast_in_dim3A_133 = vector.broadcast %squeeze3A_114 : i32 to vector<16xi32>
        %select_n3A = arith.select %lt3A_130, %get3A_132, %broadcast_in_dim3A_133 : vector<16xi1>, vector<16xi32>
        %swap3A = arith.index_cast %mul3A_125 : i32 to index
        %swap3A_134 = tpu.vector_load %arg17[%swap3A] {strides = array<i32>} : memref<2000xi32, #tpu.memory_space<vmem>>, vector<16xi32>,
        tpu.vector_store %arg17[%swap3A], %select_n3A {strides = array<i32>} : memref<2000xi32, #tpu.memory_space<vmem>>, vector<16xi32>,
        %gather3A = tpu.vector_load_idx %arg14[%select_n3A] : memref<20016xi32, #tpu.memory_space<vmem>>[vector<16xi32>], vector<16xi32>,
        %and3A_135 = arith.constant 8191 : i32
        %and3A_136 = vector.broadcast %and3A_135 : i32 to vector<16xi32>
        %and3A_137 = arith.andi %gather3A, %and3A_136 : vector<16xi32>
        %swap3A_138 = arith.index_cast %mul3A_125 : i32 to index
        %swap3A_139 = tpu.vector_load %arg18[%swap3A_138] {strides = array<i32>} : memref<2000xi32, #tpu.memory_space<vmem>>, vector<16xi32>,
        tpu.vector_store %arg18[%swap3A_138], %and3A_137 {strides = array<i32>} : memref<2000xi32, #tpu.memory_space<vmem>>, vector<16xi32>,
        %shift_right_logical3A = arith.constant 13 : i32
        %shift_right_logical3A_140 = vector.broadcast %shift_right_logical3A : i32 to vector<16xi32>
        %shift_right_logical3A_141 = arith.shrui %gather3A, %shift_right_logical3A_140 : vector<16xi32>
        %add3A_142 = arith.addi %and3A_137, %shift_right_logical3A_141 : vector<16xi32>
        %swap3A_143 = arith.index_cast %mul3A_125 : i32 to index
        %swap3A_144 = tpu.vector_load %arg19[%swap3A_143] {strides = array<i32>} : memref<2000xi32, #tpu.memory_space<vmem>>, vector<16xi32>,
        tpu.vector_store %arg19[%swap3A_143], %add3A_142 {strides = array<i32>} : memref<2000xi32, #tpu.memory_space<vmem>>, vector<16xi32>,
        %gather3A_145 = tpu.vector_load_idx %arg12[%select_n3A] : memref<20000xi32, #tpu.memory_space<vmem>>[vector<16xi32>], vector<16xi32>,
        %swap3A_146 = arith.index_cast %mul3A_125 : i32 to index
        %swap3A_147 = tpu.vector_load %arg20[%swap3A_146] {strides = array<i32>} : memref<2000xi32, #tpu.memory_space<vmem>>, vector<16xi32>,
        tpu.vector_store %arg20[%swap3A_146], %gather3A_145 {strides = array<i32>} : memref<2000xi32, #tpu.memory_space<vmem>>, vector<16xi32>,
      }
      %scan3A_119 = arith.constant 125 : i32
      "tpu.region"() ({
        %run_scoped3A = tpu.sem_alloc : memref<!tpu.dma_semaphore, #tpu.memory_space<semaphore_mem>>
        tpu.enqueue_dma source(%arg17 : memref<2000xi32, #tpu.memory_space<vmem>>) target(%arg6 : memref<2000xi32, #tpu.memory_space<hbm>>) target_semaphore(%run_scoped3A : memref<!tpu.dma_semaphore, #tpu.memory_space<semaphore_mem>>)
        tpu.wait_dma2 semaphore(%run_scoped3A : memref<!tpu.dma_semaphore, #tpu.memory_space<semaphore_mem>>) src(%arg17 : memref<2000xi32, #tpu.memory_space<vmem>>) dst(%arg6 : memref<2000xi32, #tpu.memory_space<hbm>>)
        tpu.yield
      }) : () -> ()
      "tpu.region"() ({
        %run_scoped3A = tpu.sem_alloc : memref<!tpu.dma_semaphore, #tpu.memory_space<semaphore_mem>>
        tpu.enqueue_dma source(%arg18 : memref<2000xi32, #tpu.memory_space<vmem>>) target(%arg7 : memref<2000xi32, #tpu.memory_space<hbm>>) target_semaphore(%run_scoped3A : memref<!tpu.dma_semaphore, #tpu.memory_space<semaphore_mem>>)
        tpu.wait_dma2 semaphore(%run_scoped3A : memref<!tpu.dma_semaphore, #tpu.memory_space<semaphore_mem>>) src(%arg18 : memref<2000xi32, #tpu.memory_space<vmem>>) dst(%arg7 : memref<2000xi32, #tpu.memory_space<hbm>>)
        tpu.yield
      }) : () -> ()
      "tpu.region"() ({
        %run_scoped3A = tpu.sem_alloc : memref<!tpu.dma_semaphore, #tpu.memory_space<semaphore_mem>>
        tpu.enqueue_dma source(%arg19 : memref<2000xi32, #tpu.memory_space<vmem>>) target(%arg8 : memref<2000xi32, #tpu.memory_space<hbm>>) target_semaphore(%run_scoped3A : memref<!tpu.dma_semaphore, #tpu.memory_space<semaphore_mem>>)
        tpu.wait_dma2 semaphore(%run_scoped3A : memref<!tpu.dma_semaphore, #tpu.memory_space<semaphore_mem>>) src(%arg19 : memref<2000xi32, #tpu.memory_space<vmem>>) dst(%arg8 : memref<2000xi32, #tpu.memory_space<hbm>>)
        tpu.yield
      }) : () -> ()
      "tpu.region"() ({
        %run_scoped3A = tpu.sem_alloc : memref<!tpu.dma_semaphore, #tpu.memory_space<semaphore_mem>>
        tpu.enqueue_dma source(%arg20 : memref<2000xi32, #tpu.memory_space<vmem>>) target(%arg9 : memref<2000xi32, #tpu.memory_space<hbm>>) target_semaphore(%run_scoped3A : memref<!tpu.dma_semaphore, #tpu.memory_space<semaphore_mem>>)
        tpu.wait_dma2 semaphore(%run_scoped3A : memref<!tpu.dma_semaphore, #tpu.memory_space<semaphore_mem>>) src(%arg20 : memref<2000xi32, #tpu.memory_space<vmem>>) dst(%arg9 : memref<2000xi32, #tpu.memory_space<hbm>>)
        tpu.yield
      }) : () -> ()
    } else {
    }
    return
  }
}

</mosaic_0001>

<sc_bundles>
// kernel: kernel.3.cloned.1.call-start
scs
__scs_entry_jumppad:
0x0: {  	(pc) =	sbr.rel $0x88, $3  }
0x1: {  	(tag) =	ssettag $0x0;
	lr =	simm.s32 $0x1  }
0x2: {  	[smem:$0x3F9D] =	sst lr;
	_ =	strace $0xD0000000  }
0x3: {  	_ = 	snop  }
0x4: {  	_ = 	snop  }
0x5: {  	_ = 	snop  }
0x6: {  	_ = 	snop  }
0x7: {  	_ = 	snop  }
__scs_overlays_trampoline_lowered:
0x8: {  	[smem:$0x3FAC] =	sst s0  }
0x9: {  	[smem:$0x3FAD] =	sst s1  }
0xa: {  	[smem:$0x3FAE] =	sst s2  }
0xb: {  	[smem:$0x3FAF] =	sst s3  }
0xc: {  	[smem:$0x3FB0] =	sst s4  }
0xd: {  	[smem:$0x3FB1] =	sst s5  }
0xe: {  	[smem:$0x3FB2] =	sst s6  }
0xf: {  	[smem:$0x3FB3] =	sst s7  }
0x10: {  	[smem:$0x3FB4] =	sst s8  }
0x11: {  	[smem:$0x3FB5] =	sst s9;
	s0 =	simm.s32 @!p0 $0x0  }
0x12: {  	s1 =	sld [smem:$0x3F9B];
	s0 =	simm.s32 @p0 $0x1  }
0x13: {  	[smem:$0x3FB6] =	sst s0;
	s0 =	simm.s32 @!p1 $0x0  }
0x14: {  	s2 =	sld [smem:$0x3F9A];
	s0 =	simm.s32 @p1 $0x1  }
0x15: {  	[smem:$0x3FB7] =	sst s0;
	s0 =	simm.s32 @!p2 $0x0  }
0x16: {  	s3 =	sld [smem:$0x3FDB];
	s0 =	simm.s32 @p2 $0x1  }
0x17: {  	s4 =	simm.s32 $0x1BF5;
	[smem:$0x3FB9] =	sst s0  }
0x18: {  	s0 =	sld [smem:$0x3F9C];
	_ =	swait.ge [sflag:s4], $0x0  }
0x19: {  	s7 =	sld [smem:$0x3F9D]  }
0x1a: {  	s8 =	sadd.s32 $0xFFFFE003, lr  }
0x1b: {  	s9 =	sadd.s32 $0xFFFFFEF7, lr;
	s5 =	simm.s32 $0xFFFFFFFF;
	p2 =	slt.u32 s8, $0xFFFFF086  }
0x1c: {  	p1 =	slt.u32 s9, $0xF7A;
	s5 =	simm.s32 @!p2 $0x0  }
0x1d: {  	s5 =	simm.s32 @p1 $0x1;
	p0 =	seq.s32 s7, s2  }
0x1e: {  	s7 =	smul.u32 @!p0 $0xF7A, s2;
	p2 =	seq.s32 @!p0 s5, $0x0  }
0x1f: {  	s9 =	smul.u32 $0xF7A, s1;
	s8 =	simm.s32 @!p0 $0x1BF5;
	p2 =	por !p2, p0  }
0x20: {  	[sflag:s8] =	ssyncset.s32 @!p0 $0xFFFFF086;
	s6 =	sadd.s32 @!p0 s3, s7;
	s7 =	simm.s32 @!p0 $0x108  }
0x21: {  	s3 =	sadd.s32 s3, s9;
	s6 =	sadd.s32 @!p0 $0x88, s6;
	s7 =	simm.s32 @p2 $0x1082  }
0x22: {  	[simem:s7], [sflag:s8] =	dma.local @!p0 [hbm:s6], $0xF7A  }
0x23: {  	s9 =	sor.u32 $0xD0000000, s2;
	s6 =	simm.s32 $0x108;
	_ =	swait.ge @!p0 [sflag:s8], $0x0  }
0x24: {  	s3 =	sadd.s32 $0x88, s3;
	s6 =	simm.s32 @!p1 $0x1082;
	[sflag:s4] =	ssyncset.s32 $0xFFFFF086  }
0x25: {  	[simem:s6], [sflag:s4] =	dma.local [hbm:s3], $0xF7A  }
0x26: {  	[smem:$0x3F9D] =	sst s1;
	(tag) =	ssettag s2;
	_ =	strace s9  }
0x27: {  	s1 =	sld [smem:$0x3FAD]  }
0x28: {  	s2 =	sld [smem:$0x3FAE]  }
0x29: {  	s4 =	sld [smem:$0x3FB0]  }
0x2a: {  	p0 =	seq.s32 s5, $0x0;
	s5 =	sld [smem:$0x3FB1]  }
0x2b: {  	s6 =	sld [smem:$0x3FB2]  }
0x2c: {  	s7 =	sld [smem:$0x3FB3]  }
0x2d: {  	s3 =	simm.s32 $0x108;
	s8 =	sld [smem:$0x3FB4]  }
0x2e: {  	s3 =	simm.s32 @!p0 $0x1082;
	s9 =	sld [smem:$0x3FB5]  }
0x2f: {  	lr =	sadd.s32 s0, s3;
	s0 =	sld [smem:$0x3FAC]  }
0x30: {  	s3 =	sld [smem:$0x3FAF]  }
0x31: {  	[smem:$0x3FB8] =	sst s10  }
0x32: {  	s10 =	sld [smem:$0x3FB6];
	_ =	sdelay $0x3  }
0x33: {  	p0 =	seq.s32 s10, $0x1;
	s10 =	sld [smem:$0x3FB8];
	_ =	sdelay $0x3  }
0x34: {  	[smem:$0x3FB8] =	sst s10  }
0x35: {  	s10 =	sld [smem:$0x3FB7];
	_ =	sdelay $0x3  }
0x36: {  	p1 =	seq.s32 s10, $0x1;
	s10 =	sld [smem:$0x3FB8];
	_ =	sdelay $0x3  }
0x37: {  	[smem:$0x3FB8] =	sst s10  }
0x38: {  	s10 =	sld [smem:$0x3FB9]  }
0x39: {  	_ = 	snop;
	(pc) =	sbr.ind lr, $3  }
0x3a: {  	_ = 	snop  }
0x3b: {  	_ = 	snop  }
0x3c: {  	p2 =	seq.s32 s10, $0x1;
	s10 =	sld [smem:$0x3FB8]  }
0x3d: {  	_ =	shalt  }
0x3e: {  	_ =	shalt  }
0x3f: {  	_ =	shalt  }
0x40: {  	_ =	shalt  }
0x41: {  	_ =	shalt  }
0x42: {  	_ =	shalt  }
0x43: {  	_ =	shalt  }
0x44: {  	_ =	shalt  }
0x45: {  	_ =	shalt  }
0x46: {  	_ =	shalt  }
0x47: {  	_ =	shalt  }
0x48: {  	_ =	shalt  }
0x49: {  	_ =	shalt  }
0x4a: {  	_ =	shalt  }
0x4b: {  	_ =	shalt  }
0x4c: {  	_ =	shalt  }
0x4d: {  	_ =	shalt  }
0x4e: {  	_ =	shalt  }
0x4f: {  	_ =	shalt  }
0x50: {  	_ =	shalt  }
0x51: {  	_ =	shalt  }
0x52: {  	_ =	shalt  }
0x53: {  	_ =	shalt  }
0x54: {  	_ =	shalt  }
0x55: {  	_ =	shalt  }
0x56: {  	_ =	shalt  }
0x57: {  	_ =	shalt  }
0x58: {  	_ =	shalt  }
0x59: {  	_ =	shalt  }
0x5a: {  	_ =	shalt  }
0x5b: {  	_ =	shalt  }
0x5c: {  	_ =	shalt  }
0x5d: {  	_ =	shalt  }
0x5e: {  	_ =	shalt  }
0x5f: {  	_ =	shalt  }
0x60: {  	_ =	shalt  }
0x61: {  	_ =	shalt  }
0x62: {  	_ =	shalt  }
0x63: {  	_ =	shalt  }
0x64: {  	_ =	shalt  }
0x65: {  	_ =	shalt  }
0x66: {  	_ =	shalt  }
0x67: {  	_ =	shalt  }
0x68: {  	_ =	shalt  }
0x69: {  	_ =	shalt  }
0x6a: {  	_ =	shalt  }
0x6b: {  	_ =	shalt  }
0x6c: {  	_ =	shalt  }
0x6d: {  	_ =	shalt  }
0x6e: {  	_ =	shalt  }
0x6f: {  	_ =	shalt  }
0x70: {  	_ =	shalt  }
0x71: {  	_ =	shalt  }
0x72: {  	_ =	shalt  }
0x73: {  	_ =	shalt  }
0x74: {  	_ =	shalt  }
0x75: {  	_ =	shalt  }
0x76: {  	_ =	shalt  }
0x77: {  	_ =	shalt  }
0x78: {  	_ =	shalt  }
0x79: {  	_ =	shalt  }
0x7a: {  	_ =	shalt  }
0x7b: {  	_ =	shalt  }
0x7c: {  	_ =	shalt  }
0x7d: {  	_ =	shalt  }
0x7e: {  	_ =	shalt  }
0x7f: {  	_ =	shalt  }
0x80: {  	_ =	shalt  }
0x81: {  	_ =	shalt  }
0x82: {  	_ =	shalt  }
0x83: {  	_ =	shalt  }
0x84: {  	_ =	shalt  }
0x85: {  	_ =	shalt  }
0x86: {  	_ =	shalt  }
0x87: {  	_ =	shalt  }
.Lfunc_end0:
.L_simem_size_0:
called_computation_lowered:
.L_overlay_start_0:
0x88: {  	s2 =	sld [smem:$0x3FD9]  }
0x89: {  	s3 =	sld [smem:$0x3FFE];
	_ =	sdelay $0x1  }
0x8a: {  	s1 =	srdreg.scid  }
0x8b: {  	s0 =	sand.u32 $0x1, s1  }
0x8c: {  	s14 =	sshll.u32 s0, $0xA;
	s2 =	sadd.s32 s3, s2  }
0x8d: {  	s2 =	sadd.s32 s2, s14  }
0x8e: {  	[smem:$0x3FC4] =	sst s2  }
0x8f: {  	_ = 	snop  }
0x90: {  	s2 =	sld [smem:$0x3FD0];
	_ =	sdelay $0x1  }
0x91: {  	s15 =	sld [smem:$0x3FC9]  }
0x92: {  	s5 =	simm.s32 $0xA;
	s6 =	simm.s32 $0x10;
	s4 =	sld [smem:$0x3FC8]  }
0x93: {  	[smem:s6], [sflag:s5] =	dma.local [hbm:s2], $0x1  }
0x94: {  	_ =	swait.eq [sflag:s5], $0x1  }
0x95: {  	s16 =	sld [smem:$0x10]  }
0x96: {  	s17 =	sld [smem:$0x11];
	[sflag:s5] =	ssyncset.done $0x0  }
0x97: {  	s7 =	sld [smem:$0x12];
	[sflag:s5] =	ssyncadd.s32 $0xFFFFFFFF  }
0x98: {  	s18 =	sld [smem:$0x13];
	(tm) =	ssettm $0x1  }
0x99: {  	s8 =	sld [smem:$0x3FFB];
	_ =	sdelay $0x3  }
0x9a: {  	_ =	strace s8  }
0x9b: {  	s8 =	sld [smem:$0x3FFC];
	_ =	sdelay $0x3  }
0x9c: {  	_ =	strace s8  }
0x9d: {  	s8 =	sld [smem:$0x3FFD];
	_ =	sdelay $0x3  }
0x9e: {  	_ =	strace s8  }
0x9f: {  	_ =	strace $0x8FFFFFFF  }
0xa0: {  	s19 =	sld [smem:$0x3FDB];
	_ =	sdelay $0x1  }
0xa1: {  	s9 =	simm.s32 $_scs_section_size  }
0xa2: {  	s10 =	simm.s32 $_size__tile_overlayer_lowered;
	s11 =	simm.s32 $_tile_overlayer_lowered  }
0xa3: {  	s22 =	simm.s32 $0x1BFF;
	s21 =	sshll.u32 s11, $0x1;
	s8 =	sadd.s32 s9, s19  }
0xa4: {  	s12 =	simm.s32 $0x0;
	s20 =	sshll.u32 s10, $0x1;
	s10 =	sadd.s32 s21, s8  }
0xa5: {  	[timem:s12], [sflag:s22] =	dma.local [hbm:s10], s20  }
0xa6: {  	_ =	swait.ge [sflag:s22], s20  }
0xa7: {  	s9 =	ssub.s32 $0x0, s20;
	[sflag:s22] =	ssyncset.done $0x0  }
0xa8: {  	[sflag:s22] =	ssyncadd.s32 s9;
	_ =	sdelay $0x1  }
0xa9: {  	s23 =	simm.s32 $0x1B8B  }
0xaa: {  	_ =	swait.ge [sflag:s23], $0x1  }
0xab: {  	[sflag:s23] =	ssyncset.done $0x0  }
0xac: {  	s25 =	simm.s32 $0x1B8E;
	s24 =	sld [smem:$0x3FFE];
	[sflag:s23] =	ssyncadd.s32 $0xFFFFFFFF  }
0xad: {  	s26 =	simm.s32 $execute0_lowered;
	[smem:$0x3FD2] =	sst s25  }
0xae: {  	s10 =	sshll.u32 s26, $0x1;
	_ =	strace $0x80000046;
	[dreg:$0x1] =	wrdreg $0xFFFFFFFF  }
0xaf: {  	s28 =	simm.s32 $_size_execute0_lowered;
	s8 =	sadd.s32 s8, s10;
	[dreg:$0x0] =	wrdreg $0x0  }
0xb0: {  	s10 =	sshll.u32 s28, $0x1;
	[dreg:$0x2] =	wrdreg s8  }
0xb1: {  	[dreg:$0x3] =	wrdreg s10  }
0xb2: {  	[dreg:$0x4] =	wrdreg $0xC0  }
0xb3: {  	_ =	task [dreg:s12], $0x5FFFF  }
0xb4: {  	[dreg:$0x1] =	wrdreg $0xFFFFFFFF  }
0xb5: {  	[dreg:$0x0] =	wrdreg $0x60  }
0xb6: {  	[dreg:$0x2] =	wrdreg s15  }
0xb7: {  	[dreg:$0x3] =	wrdreg s4  }
0xb8: {  	[dreg:$0x4] =	wrdreg s24  }
0xb9: {  	[dreg:$0x5] =	wrdreg s18  }
0xba: {  	[dreg:$0x6] =	wrdreg s16  }
0xbb: {  	[dreg:$0x7] =	wrdreg s17  }
0xbc: {  	[dreg:$0x8] =	wrdreg s7  }
0xbd: {  	[dreg:$0x9] =	wrdreg $0x9  }
0xbe: {  	_ =	task.clear_ibuf [dreg:s12], $0xAFFFF;
	_ =	strace $0x90000046  }
0xbf: {  	s29 =	simm.s32 $0x9;
	_ =	strace $0x80000048  }
0xc0: {  	_ =	swait.ge [sflag:s29], $0x1  }
0xc1: {  	[sflag:s29] =	ssyncadd.s32 $0xFFFFFFFF  }
0xc2: {  	_ =	strace $0x90000048  }
0xc3: {  	_ =	sfence  }
0xc4: {  	s30 =	sld [smem:$0x0];
	_ =	sdelay $0x2  }
0xc5: {  	s31 =	sshll.u32 s1, $0xD;
	s1 =	sshrl.u32 s1, $0x2  }
0xc6: {  	s3 =	sand.u32 $0x4000, s31;
	s1 =	sadd.s32 s1, s30  }
0xc7: {  	s0 =	sor.u32 s3, s0;
	s1 =	sshll.u32 s1, $0x11  }
0xc8: {  	s0 =	sor.u32 s1, s0  }
0xc9: {  	s0 =	sadd.s32 $0x8F2B, s0  }
0xca: {  	[sflag:s0] =	ssyncadd.remote.s32 $0x1  }
0xcb: {  	_ =	sfence.sel $0xFFFF  }
0xcc: {  	[dreg:$0x0] =	wrdreg $0xFFFFFFFF;
	(pc) =	sbr.abs _section_cstart, $3  }
0xcd: {  	[dreg:$0x1] =	wrdreg $0xFFFFFFFF  }
0xce: {  	_ =	task.clear_ibuf [dreg:s12], $0x2FFFF;
	_ =	strace $0x9FFFFFFF  }
0xcf: {  	(tm) =	ssettm $0x7FFFFFFF  }
tec
execute0_lowered:
.L_overlay_start_1:
0x0: {  	(tag) =	ssettag $0x1  }
0x1: {  	s0 =	rddreg [dreg:$0x0]  }
0x2: {  	s2 =	rddreg [dreg:$0x1]  }
0x3: {  	s1 =	rddreg [dreg:$0x2]  }
0x4: {  	s3 =	rddreg [dreg:$0x3]  }
0x5: {  	s4 =	rddreg [dreg:$0x4]  }
0x6: {  	s5 =	rddreg [dreg:$0x5]  }
0x7: {  	s6 =	rddreg [dreg:$0x6];
	_ =	strace $0x80000047;
	v0 =	vimm.s32 $0x0  }
0x8: {  	(xrf1) =	vunique.msk.u32 $0xffff, v0;
	_ =	sdelay $0xd  }
0x9: {  	_, v1, _ =	vpop (xrf1)  }
0xa: {  	v1 =	vxor.u32 $0x80000000, v1  }
0xb: {  	(xrf0) =	vmin.scan.msk.u32 $0xffff, v1;
	_ =	sdelay $0x5  }
0xc: {  	v1, _, _ =	vpop (xrf0)  }
0xd: {  	(v2sf) =	vpush v1, $0xF;
	_ =	sdelay $0x6  }
0xe: {  	s7 =	srdreg.scid  }
0xf: {  	s8 =	stileid.u32;
	s7 =	sand.u32 $0x1, s7  }
0x10: {  	s8 =	sor.u32 s8, s7  }
0x11: {  	p0 =	sne.s32 s8, $0x0  }
.Ltmp0:
0x12: {  	_ = 	snop;
	(pc) =	sbr.rel @p0 .LBB2_37-.Ltmp0, $2  }
0x13: {  	_ =	sdelay $0x2  }
0x14: {  	s8 =	spop (v2sf)  }
0x15: {  	v3 =	vlaneseq.u32;
	v4 =	vimm.s32 $0x8000000;
	v5 =	vimm.s32 $0x10  }
0x16: {  	vm0 =	vmmov $0x1;
	v7 =	vimm.s32 $0x0;
	v8 =	vimm.s32 $0x12  }
0x17: {  	s8 =	sxor.u32 $0x80000000, s8;
	v9 =	vimm.s32 $0x13;
	v10 =	vimm.s32 $0x14;
	s7 =	ssub.s32 $0x2, s7;
	v11 =	vimm.s32 $0x15;
	s9 =	sadd.s32 $0x1200, s1  }
0x18: {  	v12 =	vimm.s32 $0x16;
	v13 =	vimm.s32 $0x17;
	s11 =	simm.s32 $0x0;
	v14 =	vimm.s32 $0x18;
	s12 =	simm.s32 $0x1;
	s13 =	simm.s32 $0x9D00  }
0x19: {  	s14 =	simm.s32 $0xEB80;
	v15 =	vimm.s32 $0x19;
	vm3 =	vcmask $0x2724;
	v16 =	vimm.s32 $0x1A;
	s16 =	simm.s32 $0x18880;
	s17 =	simm.s32 $0x4E80  }
0x1a: {  	v17 =	vimm.s32 $0x1B;
	s18 =	simm.s32 $0x13A00;
	s19 =	simm.s32 $0x1D180;
	s20 =	simm.s32 $0x1D200;
	v18 =	vimm.s32 $0x1C;
	v19 =	vimm.s32 $0x1D  }
0x1b: {  	s21 =	simm.s32 $0x19080;
	v20 =	vimm.s32 $0x1E;
	s22 =	simm.s32 $0x1B100;
	s23 =	simm.s32 $0x1B900;
	v21 =	vimm.s32 $0x1F;
	v1 =	vmov s8  }
0x1c: {  	v22 =	vimm.s32 $0x1;
	s24 =	simm.s32 $0x1C100;
	s25 =	simm.s32 $0x1C900;
	v7 =	vsel vm0, $0xFFFFFFFF, v7;
	s10 =	sshrl.u32 s7, $0x1;
	v2 =	vsub.s32 $0x1, v1  }
0x1d: {  	s26 =	simm.s32 $0x0;
	v6 =	vor.u32 $0x10, v3;
	s8 =	sadd.s32 $0x800, s1;
	[tilespmem:$0x1FFF0] =	vst v7;
	v7 =	vimm.s32 $0x11;
	s10 =	ssub.s32 s7, s10;
	v2 =	vbroadcast v2, $0x0  }
.LBB2_2:
0x1e: {  	[tilespmem:s11], [sflag:$0x1] =	stream.linear.gather [hbm4b:s8+s11], $0x4E80, $0x38;
	[tilespmem:$0x1D280] =	vst v63  }
0x1f: {  	_ =	swait.ge [sflag:s12], $0x4E80  }
0x20: {  	[sflag:s12] =	ssyncset.done $0x0  }
0x21: {  	[sflag:s12] =	ssyncadd.s32 $0xFFFFB180  }
0x22: {  	[tilespmem:s13], [sflag:$0x1] =	stream.linear.gather [hbm4b:s0+s11], $0x4E80, $0x38;
	[tilespmem:$0x1D280] =	vst v63  }
0x23: {  	_ =	swait.ge [sflag:s12], $0x4E80  }
0x24: {  	[sflag:s12] =	ssyncset.done $0x0  }
0x25: {  	[sflag:s12] =	ssyncadd.s32 $0xFFFFB180  }
0x26: {  	[tilespmem:s14], [sflag:$0x1] =	stream.linear.gather [hbm4b:s2+s11], $0x4E20, $0x38;
	[tilespmem:$0x1D280] =	vst v63  }
0x27: {  	_ =	swait.ge [sflag:s12], $0x4E20  }
0x28: {  	[sflag:s12] =	ssyncset.done $0x0  }
0x29: {  	s1 =	simm.s32 $0x1D100;
	[sflag:s12] =	ssyncadd.s32 $0xFFFFB1E0  }
0x2a: {  	[tilespmem:s1], [sflag:$0x1] =	stream.linear.gather [hbm4b:s3+s11], $0x80, $0x38;
	[tilespmem:$0x1D280] =	vst v63  }
0x2b: {  	_ =	swait.ge [sflag:s12], $0x80  }
0x2c: {  	[sflag:s12] =	ssyncset.done $0x0  }
0x2d: {  	[sflag:s12] =	ssyncadd.s32 $0xFFFFFF80  }
0x2e: {  	s7 =	simm.s32 $0x0;
	s1 =	simm.s32 $0x40;
	v23 =	vld [tilespmem:$0x1D100]  }
.LBB2_3:
0x2f: {  	p0 =	sne.s32 s1, $0x8040;
	[tilespmem:s7+$0x19080] =	vst v4;
	s7 =	smov.u32 s1;
	s1 =	sadd.s32 $0x40, s1  }
.Ltmp1:
0x30: {  	(pc) =	sbr.rel @p0 .LBB2_3-.Ltmp1, $2  }
0x31: {  	_ =	sdelay $0x2  }
0x32: {  	s7 =	sshra.s32 s7, $0x2  }
0x33: {  	[tilespmem:s7+$0x19080] =	vst v4;
	s28 =	simm.s32 $0x0;
	s1 =	simm.s32 $0x0  }
.LBB2_5:
0x34: {  	p0 =	sne.s32 s1, $0x1FC0  }
.Ltmp2:
0x35: {  	_ = 	snop;
	(pc) =	sbr.rel @p0 .LBB2_5-.Ltmp2, $3  }
0x36: {  	_ =	sdelay $0x1  }
0x37: {  	s7 =	sshra.s32 s1, $0x2  }
0x38: {  	s1 =	sadd.s32 $0x40, s1;
	[tilespmem:s7+$0x18880] =	vst v0  }
0x39: {  	v24 =	vld [tilespmem:s28+$0x0];
	_ =	sdelay $0x4  }
0x3a: {  	v25 =	vxor.u32 $0x7FFFFFFF, v24;
	vm0 =	vlt.s32 v24, $0x0  }
0x3b: {  	v24 =	vsel vm0, v24, v25  }
0x3c: {  	[tilespmem:s28+$0x0] =	vst v24;
	v24 =	vand.u32 $0x7FF, v24  }
0x3d: {  	(xrf1) =	vunique.msk.u32 $0xffff, v24  }
0x3e: {  	s29 =	simm.s32 $0x4E80;
	v25 =	vor.u32 s28, v3  }
0x3f: {  	s30 =	simm.s32 $0x9D00;
	[tilespmem:s29+$0x0] =	vst v25  }
0x40: {  	s1 =	simm.s32 $0xEB80;
	v25 =	vld [tilespmem:s30+$0x0]  }
0x41: {  	v26 =	vld [tilespmem:s1+$0x0];
	_ =	sdelay $0x4  }
0x42: {  	v26 =	vsub.s32 v26, v25  }
0x43: {  	v26 =	vshll.u32 v26, $0xD;
	_ =	sdelay $0x1  }
0x44: {  	s15 =	simm.s32 $0x13A00;
	v25 =	vor.u32 v25, v26  }
0x45: {  	[tilespmem:s15+$0x0] =	vst v25  }
0x46: {  	v25 =	vld.idx.msk [tilespmem:v24+s16+$0x0], $0xffff;
	_, v26, vm0 =	vpop (xrf1);
	_ =	sdelay $0x3  }
0x47: {  	v26 =	vadd.s32 v26, v2  }
0x48: {  	s31 =	simm.s32 $0x10;
	s7 =	simm.s32 $0x13A10;
	s1 =	simm.s32 $0xEB90;
	v25 =	vadd.s32 v25, v26  }
.LBB2_7:
0x49: {  	[tilespmem:v24+s16+$0x0] =	vst.idx.msk vm0, v25;
	s28 =	sadd.s32 $0x10, s28;
	s29 =	sadd.s32 $0x10, s29;
	s30 =	sadd.s32 $0x10, s30  }
0x4a: {  	p0 =	sne.s32 s31, $0x4E10;
	s15 =	smov.u32 s31;
	s31 =	sadd.s32 $0x10, s31;
	v24 =	vld [tilespmem:s28+$0x0]  }
0x4b: {  	_ =	sdelay $0x3  }
0x4c: {  	v25 =	vxor.u32 $0x7FFFFFFF, v24;
	vm0 =	vlt.s32 v24, $0x0  }
0x4d: {  	v24 =	vsel vm0, v24, v25  }
0x4e: {  	v25 =	vor.u32 s15, v3;
	[tilespmem:s28+$0x0] =	vst v24;
	v24 =	vand.u32 $0x7FF, v24  }
0x4f: {  	[tilespmem:s29+$0x0] =	vst v25;
	(xrf1) =	vunique.msk.u32 $0xffff, v24  }
0x50: {  	v25 =	vld [tilespmem:s30+$0x0]  }
0x51: {  	v26 =	vld [tilespmem:s1+$0x0];
	_ =	sdelay $0x4  }
0x52: {  	v26 =	vsub.s32 v26, v25  }
0x53: {  	v26 =	vshll.u32 v26, $0xD  }
0x54: {  	v25 =	vor.u32 v25, v26  }
0x55: {  	[tilespmem:s7+$0x0] =	vst v25  }
0x56: {  	v25 =	vld.idx.msk [tilespmem:v24+s16+$0x0], $0xffff;
	_ =	sdelay $0x2  }
0x57: {  	_, v26, vm0 =	vpop (xrf1)  }
.Ltmp3:
0x58: {  	(pc) =	sbr.rel @p0 .LBB2_7-.Ltmp3, $3  }
0x59: {  	_ =	sdelay $0x1  }
0x5a: {  	v26 =	vadd.s32 v26, v2  }
0x5b: {  	s15 =	simm.s32 $0x0;
	s1 =	sadd.s32 $0x10, s1;
	s7 =	sadd.s32 $0x10, s7;
	v25 =	vadd.s32 v25, v26  }
0x5c: {  	_ =	sdelay $0x4  }
0x5d: {  	[tilespmem:v24+s16+$0x0] =	vst.idx.msk vm0, v25;
	s1 =	simm.s32 $0x0  }
0x5e: {  	v24 =	vld [tilespmem:s1+$0x18880];
	_ =	sdelay $0x4  }
0x5f: {  	(xrf0) =	vadd.scan.msk.s32 $0xffff, v24;
	_ =	sdelay $0x5  }
0x60: {  	v62, _, _ =	vpop (xrf0)  }
0x61: {  	v26 =	vxor.u32 $0x80000000, v62  }
0x62: {  	(xrf0) =	vmax.scan.msk.u32 $0xffff, v26;
	_ =	sdelay $0x4  }
0x63: {  	v24 =	vsub.s32 s15, v24  }
0x64: {  	v24 =	vadd.s32 v62, v24;
	v63, _, _ =	vpop (xrf0)  }
0x65: {  	s28 =	simm.s32 $0x40;
	s7 =	simm.s32 $0x80;
	[tilespmem:s1+$0x18880] =	vst v24;
	s1 =	simm.s32 $0x10;
	(v2sf) =	vpush v63, $0xF  }
.LBB2_9:
0x66: {  	p0 =	sne.s32 s7, $0x1FC0;
	v24 =	vld [tilespmem:s1+$0x18880];
	_ =	sdelay $0x4  }
0x67: {  	(xrf0) =	vadd.scan.msk.s32 $0xffff, v24;
	_ =	sdelay $0x5  }
0x68: {  	v25, _, _ =	vpop (xrf0)  }
0x69: {  	v26 =	vxor.u32 $0x80000000, v25  }
0x6a: {  	(xrf0) =	vmax.scan.msk.u32 $0xffff, v26  }
0x6b: {  	s29 =	spop (v2sf)  }
0x6c: {  	s15 =	sadd.s32 s29, s15  }
.Ltmp4:
0x6d: {  	s15 =	sadd.s32 $0x80000000, s15;
	(pc) =	sbr.rel @p0 .LBB2_9-.Ltmp4, $4  }
0x6e: {  	v26 =	vsub.s32 s15, v24  }
0x6f: {  	v25 =	vadd.s32 v25, v26  }
0x70: {  	[tilespmem:s1+$0x18880] =	vst v25;
	v24, _, _ =	vpop (xrf0)  }
0x71: {  	s1 =	sshra.s32 s7, $0x2;
	s7 =	sadd.s32 $0x40, s7;
	(v2sf) =	vpush v24, $0xF  }
0x72: {  	_ =	sdelay $0x5  }
0x73: {  	v24 =	vld [tilespmem:s1+$0x18880];
	_ =	sdelay $0x4  }
0x74: {  	(xrf0) =	vadd.scan.msk.s32 $0xffff, v24;
	_ =	sdelay $0x2  }
0x75: {  	s7 =	spop (v2sf)  }
0x76: {  	s7 =	sadd.s32 s7, s15  }
0x77: {  	s7 =	sadd.s32 $0x80000000, s7  }
0x78: {  	v25, _, _ =	vpop (xrf0);
	v24 =	vsub.s32 s7, v24  }
0x79: {  	v24 =	vadd.s32 v25, v24  }
0x7a: {  	s30 =	simm.s32 $0x0;
	[tilespmem:s1+$0x18880] =	vst v24  }
0x7b: {  	v26 =	vld [tilespmem:s30+$0x0];
	_ =	sdelay $0x3  }
0x7c: {  	v24 =	vxor.u32 $0x80000000, v25  }
0x7d: {  	(xrf0) =	vmax.scan.msk.u32 $0xffff, v24;
	v24 =	vand.u32 $0x7FF, v26  }
0x7e: {  	(xrf1) =	vunique.msk.u32 $0xffff, v24;
	_ =	sdelay $0x5  }
0x7f: {  	v25, _, _ =	vpop (xrf0)  }
0x80: {  	(v2sf) =	vpush v25, $0xF;
	_ =	sdelay $0x3  }
0x81: {  	v25 =	vld.idx.msk [tilespmem:v24+s16+$0x0], $0xffff;
	_ =	sdelay $0x2  }
0x82: {  	_, v27, vm0 =	vpop (xrf1)  }
0x83: {  	v27 =	vsub.s32 v27, v1  }
0x84: {  	v25 =	vadd.s32 v25, v27  }
0x85: {  	v27 =	vld [tilespmem:s30+$0x4E80];
	_ =	sdelay $0x3  }
0x86: {  	[tilespmem:v25+s13+$0x0] =	vst.idx.msk $0xffff, v26  }
0x87: {  	s1 =	simm.s32 $0x80;
	s31 =	spop (v2sf);
	[tilespmem:v25+s14+$0x0] =	vst.idx.msk $0xffff, v27;
	v25 =	vadd.s32 $0x1, v25  }
.LBB2_11:
0x88: {  	p0 =	sne.s32 s1, $0x13840  }
0x89: {  	s7 =	sshra.s32 s28, $0x2;
	[tilespmem:v24+s16+$0x0] =	vst.idx.msk vm0, v25;
	s28 =	smov.u32 s1;
	s1 =	sadd.s32 $0x40, s1  }
0x8a: {  	v25 =	vld [tilespmem:s7+$0x0];
	_ =	sdelay $0x4  }
0x8b: {  	v24 =	vand.u32 $0x7FF, v25  }
0x8c: {  	(xrf1) =	vunique.msk.u32 $0xffff, v24;
	_ =	sdelay $0x9  }
0x8d: {  	v26 =	vld.idx.msk [tilespmem:v24+s16+$0x0], $0xffff;
	_ =	sdelay $0x3  }
0x8e: {  	_, v27, vm0 =	vpop (xrf1)  }
0x8f: {  	v27 =	vsub.s32 v27, v1  }
0x90: {  	v26 =	vadd.s32 v26, v27  }
0x91: {  	v27 =	vld [tilespmem:s7+$0x4E80]  }
.Ltmp5:
0x92: {  	(pc) =	sbr.rel @p0 .LBB2_11-.Ltmp5, $3  }
0x93: {  	_ =	sdelay $0x1  }
0x94: {  	[tilespmem:v26+s13+$0x0] =	vst.idx.msk $0xffff, v25  }
0x95: {  	v25 =	vadd.s32 $0x1, v26;
	[tilespmem:v26+s14+$0x0] =	vst.idx.msk $0xffff, v27  }
0x96: {  	_ =	sdelay $0x4  }
0x97: {  	s1 =	sshra.s32 s28, $0x2;
	[tilespmem:v24+s16+$0x0] =	vst.idx.msk vm0, v25  }
0x98: {  	v24 =	vld [tilespmem:s1+$0x0];
	_ =	sdelay $0x4  }
0x99: {  	v61 =	vand.u32 $0x7FF, v24  }
0x9a: {  	(xrf1) =	vunique.msk.u32 $0xffff, v61;
	_ =	sdelay $0xa  }
0x9b: {  	v26 =	vld.idx.msk [tilespmem:v61+s16+$0x0], $0xffff;
	_ =	sdelay $0x2  }
0x9c: {  	_, v27, vm0 =	vpop (xrf1)  }
0x9d: {  	v27 =	vsub.s32 v27, v1  }
0x9e: {  	v26 =	vadd.s32 v26, v27  }
0x9f: {  	v62 =	vld [tilespmem:s1+$0x4E80]  }
0xa0: {  	p0 =	por $0x1, $0x1  }
.Ltmp6:
0xa1: {  	_ = 	snop;
	(pc) =	sbr.rel @!p0 .LBB2_14-.Ltmp6, $4  }
0xa2: {  	_ = 	snop  }
0xa3: {  	[tilespmem:v26+s13+$0x0] =	vst.idx.msk $0xffff, v24  }
0xa4: {  	v63 =	vadd.s32 $0x1, v26;
	[tilespmem:v26+s14+$0x0] =	vst.idx.msk $0xffff, v62  }
0xa5: {  	s7 =	simm.s32 $0x0;
	s1 =	simm.s32 $0x40;
	[tilespmem:v61+s16+$0x0] =	vst.idx.msk vm0, v63  }
.LBB2_13:
0xa6: {  	p0 =	sne.s32 s1, $0x1FC0;
	[tilespmem:s7+$0x18880] =	vst v0;
	s7 =	smov.u32 s1;
	s1 =	sadd.s32 $0x40, s1  }
.Ltmp7:
0xa7: {  	(pc) =	sbr.rel @p0 .LBB2_13-.Ltmp7, $2  }
0xa8: {  	_ =	sdelay $0x2  }
0xa9: {  	s7 =	sshra.s32 s7, $0x2  }
.LBB2_14:
0xaa: {  	p0 =	por $0x1, $0x1  }
.Ltmp8:
0xab: {  	_ = 	snop;
	(pc) =	sbr.rel @!p0 .LBB2_16-.Ltmp8, $2  }
0xac: {  	_ =	sdelay $0x2  }
0xad: {  	[tilespmem:s7+$0x18880] =	vst v0;
	s7 =	simm.s32 $0x0;
	s1 =	simm.s32 $0x40  }
.LBB2_15:
0xae: {  	p0 =	sne.s32 s1, $0x13840;
	v24 =	vld [tilespmem:s7+$0x9D00];
	_ =	sdelay $0x4  }
0xaf: {  	v24 =	vshrl.u32 v24, $0xB  }
0xb0: {  	v24 =	vand.u32 $0x7FF, v24  }
0xb1: {  	(xrf1) =	vunique.msk.u32 $0xffff, v24;
	_ =	sdelay $0xb  }
0xb2: {  	v25 =	vld.idx.msk [tilespmem:v24+s16+$0x0], $0xffff;
	_ =	sdelay $0x1  }
0xb3: {  	_, v26, vm0 =	vpop (xrf1);
	_ =	sdelay $0x1  }
.Ltmp9:
0xb4: {  	(pc) =	sbr.rel @p0 .LBB2_15-.Ltmp9, $4  }
0xb5: {  	_ = 	snop  }
0xb6: {  	v25 =	vadd.s32 v25, v2  }
0xb7: {  	v25 =	vadd.s32 v26, v25  }
0xb8: {  	s7 =	sshra.s32 s1, $0x2;
	s1 =	sadd.s32 $0x40, s1;
	[tilespmem:v24+s16+$0x0] =	vst.idx.msk vm0, v25  }
.LBB2_16:
0xb9: {  	v24 =	vld [tilespmem:s7+$0x9D00];
	_ =	sdelay $0x4  }
0xba: {  	v24 =	vshrl.u32 v24, $0xB  }
0xbb: {  	v24 =	vand.u32 $0x7FF, v24  }
0xbc: {  	(xrf1) =	vunique.msk.u32 $0xffff, v24;
	_ =	sdelay $0xc  }
0xbd: {  	v25 =	vld.idx.msk [tilespmem:v24+s16+$0x0], $0xffff  }
0xbe: {  	_, v26, vm0 =	vpop (xrf1);
	_ =	sdelay $0x3  }
0xbf: {  	v25 =	vadd.s32 v25, v2  }
0xc0: {  	v25 =	vadd.s32 v26, v25  }
0xc1: {  	s31 =	simm.s32 $0x0;
	[tilespmem:v24+s16+$0x0] =	vst.idx.msk vm0, v25  }
0xc2: {  	v24 =	vld [tilespmem:s31+$0x18880];
	_ =	sdelay $0x4  }
0xc3: {  	(xrf0) =	vadd.scan.msk.s32 $0xffff, v24;
	_ =	sdelay $0x5  }
0xc4: {  	v61, _, _ =	vpop (xrf0)  }
0xc5: {  	v62 =	vxor.u32 $0x80000000, v61  }
0xc6: {  	(xrf0) =	vmax.scan.msk.u32 $0xffff, v62;
	_ =	sdelay $0x3  }
0xc7: {  	s1 =	simm.s32 $0x0  }
0xc8: {  	v24 =	vsub.s32 s1, v24  }
0xc9: {  	v24 =	vadd.s32 v61, v24;
	v63, _, _ =	vpop (xrf0)  }
0xca: {  	s28 =	simm.s32 $0x40;
	s7 =	simm.s32 $0x10;
	s15 =	simm.s32 $0x80;
	[tilespmem:s31+$0x18880] =	vst v24;
	(v2sf) =	vpush v63, $0xF  }
.LBB2_17:
0xcb: {  	p0 =	sne.s32 s15, $0x1FC0;
	v24 =	vld [tilespmem:s7+$0x18880];
	_ =	sdelay $0x4  }
0xcc: {  	(xrf0) =	vadd.scan.msk.s32 $0xffff, v24;
	_ =	sdelay $0x5  }
0xcd: {  	v25, _, _ =	vpop (xrf0)  }
0xce: {  	v26 =	vxor.u32 $0x80000000, v25  }
0xcf: {  	(xrf0) =	vmax.scan.msk.u32 $0xffff, v26  }
0xd0: {  	s29 =	spop (v2sf)  }
0xd1: {  	s1 =	sadd.s32 s29, s1  }
.Ltmp10:
0xd2: {  	s1 =	sadd.s32 $0x80000000, s1;
	(pc) =	sbr.rel @p0 .LBB2_17-.Ltmp10, $4  }
0xd3: {  	v26 =	vsub.s32 s1, v24  }
0xd4: {  	v25 =	vadd.s32 v25, v26  }
0xd5: {  	[tilespmem:s7+$0x18880] =	vst v25;
	v24, _, _ =	vpop (xrf0)  }
0xd6: {  	s7 =	sshra.s32 s15, $0x2;
	s15 =	sadd.s32 $0x40, s15;
	(v2sf) =	vpush v24, $0xF  }
0xd7: {  	_ =	sdelay $0x5  }
0xd8: {  	v24 =	vld [tilespmem:s7+$0x18880];
	_ =	sdelay $0x4  }
0xd9: {  	(xrf0) =	vadd.scan.msk.s32 $0xffff, v24;
	_ =	sdelay $0x2  }
0xda: {  	s15 =	spop (v2sf)  }
0xdb: {  	s1 =	sadd.s32 s15, s1  }
0xdc: {  	s1 =	sadd.s32 $0x80000000, s1  }
0xdd: {  	v25, _, _ =	vpop (xrf0);
	v24 =	vsub.s32 s1, v24  }
0xde: {  	v24 =	vadd.s32 v25, v24  }
0xdf: {  	s30 =	simm.s32 $0x0;
	[tilespmem:s7+$0x18880] =	vst v24  }
0xe0: {  	v26 =	vld [tilespmem:s30+$0x9D00];
	_ =	sdelay $0x4  }
0xe1: {  	v24 =	vxor.u32 $0x80000000, v25;
	v25 =	vshrl.u32 v26, $0xB  }
0xe2: {  	(xrf0) =	vmax.scan.msk.u32 $0xffff, v24;
	v24 =	vand.u32 $0x7FF, v25  }
0xe3: {  	(xrf1) =	vunique.msk.u32 $0xffff, v24;
	_ =	sdelay $0x5  }
0xe4: {  	v25, _, _ =	vpop (xrf0)  }
0xe5: {  	(v2sf) =	vpush v25, $0xF;
	_ =	sdelay $0x3  }
0xe6: {  	v25 =	vld.idx.msk [tilespmem:v24+s16+$0x0], $0xffff;
	_ =	sdelay $0x2  }
0xe7: {  	_, v27, vm0 =	vpop (xrf1)  }
0xe8: {  	v27 =	vsub.s32 v27, v1  }
0xe9: {  	v25 =	vadd.s32 v25, v27  }
0xea: {  	v27 =	vld [tilespmem:s30+$0xEB80];
	_ =	sdelay $0x2  }
0xeb: {  	s1 =	simm.s32 $0x0  }
0xec: {  	[tilespmem:v25+s1+$0x0] =	vst.idx.msk $0xffff, v26  }
0xed: {  	s7 =	simm.s32 $0x80;
	s31 =	spop (v2sf);
	[tilespmem:v25+s17+$0x0] =	vst.idx.msk $0xffff, v27;
	v25 =	vadd.s32 $0x1, v25  }
.LBB2_19:
0xee: {  	p0 =	sne.s32 s7, $0x13840  }
0xef: {  	s15 =	sshra.s32 s28, $0x2;
	[tilespmem:v24+s16+$0x0] =	vst.idx.msk vm0, v25;
	s28 =	smov.u32 s7;
	s7 =	sadd.s32 $0x40, s7  }
0xf0: {  	v25 =	vld [tilespmem:s15+$0x9D00];
	_ =	sdelay $0x4  }
0xf1: {  	v24 =	vshrl.u32 v25, $0xB  }
0xf2: {  	v24 =	vand.u32 $0x7FF, v24  }
0xf3: {  	(xrf1) =	vunique.msk.u32 $0xffff, v24;
	_ =	sdelay $0x9  }
0xf4: {  	v26 =	vld.idx.msk [tilespmem:v24+s16+$0x0], $0xffff;
	_ =	sdelay $0x3  }
0xf5: {  	_, v27, vm0 =	vpop (xrf1)  }
0xf6: {  	v27 =	vsub.s32 v27, v1  }
0xf7: {  	v26 =	vadd.s32 v26, v27  }
0xf8: {  	v27 =	vld [tilespmem:s15+$0xEB80]  }
.Ltmp11:
0xf9: {  	(pc) =	sbr.rel @p0 .LBB2_19-.Ltmp11, $3  }
0xfa: {  	_ =	sdelay $0x1  }
0xfb: {  	[tilespmem:v26+s1+$0x0] =	vst.idx.msk $0xffff, v25  }
0xfc: {  	v25 =	vadd.s32 $0x1, v26;
	[tilespmem:v26+s17+$0x0] =	vst.idx.msk $0xffff, v27  }
0xfd: {  	_ =	sdelay $0x4  }
0xfe: {  	s1 =	sshra.s32 s28, $0x2;
	[tilespmem:v24+s16+$0x0] =	vst.idx.msk vm0, v25  }
0xff: {  	v24 =	vld [tilespmem:s1+$0x9D00];
	_ =	sdelay $0x4  }
0x100: {  	v61 =	vshrl.u32 v24, $0xB  }
0x101: {  	v25 =	vand.u32 $0x7FF, v61  }
0x102: {  	(xrf1) =	vunique.msk.u32 $0xffff, v25;
	_ =	sdelay $0xa  }
0x103: {  	v26 =	vld.idx.msk [tilespmem:v25+s16+$0x0], $0xffff;
	_ =	sdelay $0x2  }
0x104: {  	_, v27, vm0 =	vpop (xrf1)  }
0x105: {  	v27 =	vsub.s32 v27, v1  }
0x106: {  	v26 =	vadd.s32 v26, v27  }
0x107: {  	v62 =	vld [tilespmem:s1+$0xEB80]  }
0x108: {  	p0 =	por $0x1, $0x1  }
.Ltmp12:
0x109: {  	_ = 	snop;
	(pc) =	sbr.rel @!p0 .LBB2_22-.Ltmp12, $4  }
0x10a: {  	s31 =	simm.s32 $0x0  }
0x10b: {  	[tilespmem:v26+s31+$0x0] =	vst.idx.msk $0xffff, v24  }
0x10c: {  	v63 =	vadd.s32 $0x1, v26;
	[tilespmem:v26+s17+$0x0] =	vst.idx.msk $0xffff, v62  }
0x10d: {  	s7 =	simm.s32 $0x0;
	s1 =	simm.s32 $0x40;
	[tilespmem:v25+s16+$0x0] =	vst.idx.msk vm0, v63  }
.LBB2_21:
0x10e: {  	p0 =	sne.s32 s1, $0x1FC0;
	[tilespmem:s7+$0x18880] =	vst v0;
	s7 =	smov.u32 s1;
	s1 =	sadd.s32 $0x40, s1  }
.Ltmp13:
0x10f: {  	(pc) =	sbr.rel @p0 .LBB2_21-.Ltmp13, $2  }
0x110: {  	_ =	sdelay $0x2  }
0x111: {  	s7 =	sshra.s32 s7, $0x2  }
.LBB2_22:
0x112: {  	p0 =	por $0x1, $0x1  }
.Ltmp14:
0x113: {  	_ = 	snop;
	(pc) =	sbr.rel @!p0 .LBB2_24-.Ltmp14, $2  }
0x114: {  	_ =	sdelay $0x2  }
0x115: {  	[tilespmem:s7+$0x18880] =	vst v0;
	s7 =	simm.s32 $0x0;
	s1 =	simm.s32 $0x40  }
.LBB2_23:
0x116: {  	p0 =	sne.s32 s1, $0x13840;
	v24 =	vld [tilespmem:s7+$0x0];
	_ =	sdelay $0x4  }
0x117: {  	v24 =	vshrl.u32 v24, $0x16  }
0x118: {  	(xrf1) =	vunique.msk.u32 $0xffff, v24;
	_ =	sdelay $0xb  }
0x119: {  	v25 =	vld.idx.msk [tilespmem:v24+s16+$0x0], $0xffff;
	_ =	sdelay $0x1  }
0x11a: {  	_, v26, vm0 =	vpop (xrf1);
	_ =	sdelay $0x1  }
.Ltmp15:
0x11b: {  	(pc) =	sbr.rel @p0 .LBB2_23-.Ltmp15, $4  }
0x11c: {  	_ = 	snop  }
0x11d: {  	v25 =	vadd.s32 v25, v2  }
0x11e: {  	v25 =	vadd.s32 v26, v25  }
0x11f: {  	s7 =	sshra.s32 s1, $0x2;
	s1 =	sadd.s32 $0x40, s1;
	[tilespmem:v24+s16+$0x0] =	vst.idx.msk vm0, v25  }
.LBB2_24:
0x120: {  	v24 =	vld [tilespmem:s7+$0x0];
	_ =	sdelay $0x4  }
0x121: {  	v24 =	vshrl.u32 v24, $0x16  }
0x122: {  	(xrf1) =	vunique.msk.u32 $0xffff, v24;
	_ =	sdelay $0xc  }
0x123: {  	v25 =	vld.idx.msk [tilespmem:v24+s16+$0x0], $0xffff  }
0x124: {  	_, v26, vm0 =	vpop (xrf1);
	_ =	sdelay $0x3  }
0x125: {  	v25 =	vadd.s32 v25, v2  }
0x126: {  	v25 =	vadd.s32 v26, v25  }
0x127: {  	s31 =	simm.s32 $0x0;
	[tilespmem:v24+s16+$0x0] =	vst.idx.msk vm0, v25  }
0x128: {  	v24 =	vld [tilespmem:s31+$0x18880];
	_ =	sdelay $0x4  }
0x129: {  	(xrf0) =	vadd.scan.msk.s32 $0xffff, v24;
	_ =	sdelay $0x5  }
0x12a: {  	v61, _, _ =	vpop (xrf0)  }
0x12b: {  	v62 =	vxor.u32 $0x80000000, v61  }
0x12c: {  	(xrf0) =	vmax.scan.msk.u32 $0xffff, v62;
	_ =	sdelay $0x3  }
0x12d: {  	s1 =	simm.s32 $0x0  }
0x12e: {  	v24 =	vsub.s32 s1, v24  }
0x12f: {  	v24 =	vadd.s32 v61, v24;
	v63, _, _ =	vpop (xrf0)  }
0x130: {  	s28 =	simm.s32 $0x40;
	s7 =	simm.s32 $0x10;
	s15 =	simm.s32 $0x80;
	[tilespmem:s31+$0x18880] =	vst v24;
	(v2sf) =	vpush v63, $0xF  }
.LBB2_25:
0x131: {  	p0 =	sne.s32 s15, $0x1FC0;
	v24 =	vld [tilespmem:s7+$0x18880];
	_ =	sdelay $0x4  }
0x132: {  	(xrf0) =	vadd.scan.msk.s32 $0xffff, v24;
	_ =	sdelay $0x5  }
0x133: {  	v25, _, _ =	vpop (xrf0)  }
0x134: {  	v26 =	vxor.u32 $0x80000000, v25  }
0x135: {  	(xrf0) =	vmax.scan.msk.u32 $0xffff, v26  }
0x136: {  	s29 =	spop (v2sf)  }
0x137: {  	s1 =	sadd.s32 s29, s1  }
.Ltmp16:
0x138: {  	s1 =	sadd.s32 $0x80000000, s1;
	(pc) =	sbr.rel @p0 .LBB2_25-.Ltmp16, $4  }
0x139: {  	v26 =	vsub.s32 s1, v24  }
0x13a: {  	v25 =	vadd.s32 v25, v26  }
0x13b: {  	[tilespmem:s7+$0x18880] =	vst v25;
	v24, _, _ =	vpop (xrf0)  }
0x13c: {  	s7 =	sshra.s32 s15, $0x2;
	s15 =	sadd.s32 $0x40, s15;
	(v2sf) =	vpush v24, $0xF  }
0x13d: {  	_ =	sdelay $0x5  }
0x13e: {  	v24 =	vld [tilespmem:s7+$0x18880];
	_ =	sdelay $0x4  }
0x13f: {  	(xrf0) =	vadd.scan.msk.s32 $0xffff, v24;
	_ =	sdelay $0x2  }
0x140: {  	s15 =	spop (v2sf)  }
0x141: {  	s1 =	sadd.s32 s15, s1  }
0x142: {  	s1 =	sadd.s32 $0x80000000, s1  }
0x143: {  	v25, _, _ =	vpop (xrf0);
	v24 =	vsub.s32 s1, v24  }
0x144: {  	v24 =	vadd.s32 v25, v24  }
0x145: {  	s30 =	simm.s32 $0x0;
	[tilespmem:s7+$0x18880] =	vst v24  }
0x146: {  	v26 =	vld [tilespmem:s30+$0x0];
	_ =	sdelay $0x3  }
0x147: {  	v24 =	vxor.u32 $0x80000000, v25  }
0x148: {  	(xrf0) =	vmax.scan.msk.u32 $0xffff, v24;
	v24 =	vshrl.u32 v26, $0x16  }
0x149: {  	(xrf1) =	vunique.msk.u32 $0xffff, v24;
	_ =	sdelay $0x5  }
0x14a: {  	v25, _, _ =	vpop (xrf0)  }
0x14b: {  	(v2sf) =	vpush v25, $0xF;
	_ =	sdelay $0x2  }
0x14c: {  	[tilespmem:s30+$0x0] =	vst v0  }
0x14d: {  	v25 =	vld.idx.msk [tilespmem:v24+s16+$0x0], $0xffff;
	_ =	sdelay $0x2  }
0x14e: {  	_, v27, vm0 =	vpop (xrf1)  }
0x14f: {  	v27 =	vsub.s32 v27, v1  }
0x150: {  	v25 =	vadd.s32 v25, v27  }
0x151: {  	v27 =	vld [tilespmem:s30+$0x4E80];
	_ =	sdelay $0x3  }
0x152: {  	[tilespmem:v25+s13+$0x0] =	vst.idx.msk $0xffff, v26  }
0x153: {  	s1 =	simm.s32 $0x80;
	s31 =	spop (v2sf);
	[tilespmem:v25+s14+$0x0] =	vst.idx.msk $0xffff, v27;
	v25 =	vadd.s32 $0x1, v25  }
.LBB2_27:
0x154: {  	p0 =	sne.s32 s1, $0x13840  }
0x155: {  	s7 =	sshra.s32 s28, $0x2;
	[tilespmem:v24+s16+$0x0] =	vst.idx.msk vm0, v25;
	s28 =	smov.u32 s1;
	s1 =	sadd.s32 $0x40, s1  }
0x156: {  	v25 =	vld [tilespmem:s7+$0x0];
	_ =	sdelay $0x4  }
0x157: {  	v24 =	vshrl.u32 v25, $0x16  }
0x158: {  	(xrf1) =	vunique.msk.u32 $0xffff, v24;
	_ =	sdelay $0x8  }
0x159: {  	[tilespmem:s7+$0x0] =	vst v0  }
0x15a: {  	v26 =	vld.idx.msk [tilespmem:v24+s16+$0x0], $0xffff;
	_ =	sdelay $0x3  }
0x15b: {  	_, v27, vm0 =	vpop (xrf1)  }
0x15c: {  	v27 =	vsub.s32 v27, v1  }
0x15d: {  	v26 =	vadd.s32 v26, v27  }
0x15e: {  	v27 =	vld [tilespmem:s7+$0x4E80]  }
.Ltmp17:
0x15f: {  	(pc) =	sbr.rel @p0 .LBB2_27-.Ltmp17, $3  }
0x160: {  	_ =	sdelay $0x1  }
0x161: {  	[tilespmem:v26+s13+$0x0] =	vst.idx.msk $0xffff, v25  }
0x162: {  	v25 =	vadd.s32 $0x1, v26;
	[tilespmem:v26+s14+$0x0] =	vst.idx.msk $0xffff, v27  }
0x163: {  	_ =	sdelay $0x4  }
0x164: {  	s1 =	sshra.s32 s28, $0x2;
	[tilespmem:v24+s16+$0x0] =	vst.idx.msk vm0, v25  }
0x165: {  	v24 =	vld [tilespmem:s1+$0x0];
	_ =	sdelay $0x4  }
0x166: {  	v25 =	vshrl.u32 v24, $0x16  }
0x167: {  	(xrf1) =	vunique.msk.u32 $0xffff, v25;
	_ =	sdelay $0x1  }
0x168: {  	(v2sf) =	vpush v23, $0x0;
	_ =	sdelay $0x7  }
0x169: {  	[tilespmem:s1+$0x0] =	vst v0  }
0x16a: {  	v23 =	vld.idx.msk [tilespmem:v25+s16+$0x0], $0xffff;
	_ =	sdelay $0x2  }
0x16b: {  	_, v26, vm0 =	vpop (xrf1)  }
0x16c: {  	v26 =	vsub.s32 v26, v1  }
0x16d: {  	v23 =	vadd.s32 v23, v26  }
0x16e: {  	s28 =	spop (v2sf);
	v26 =	vld [tilespmem:s1+$0x4E80]  }
0x16f: {  	p0 =	sgt.s32 s28, $0x0  }
.Ltmp18:
0x170: {  	_ = 	snop;
	(pc) =	sbr.rel @!p0 .LBB2_32-.Ltmp18, $4  }
0x171: {  	_ = 	snop  }
0x172: {  	[tilespmem:v23+s13+$0x0] =	vst.idx.msk $0xffff, v24  }
0x173: {  	[tilespmem:v23+s14+$0x0] =	vst.idx.msk $0xffff, v26;
	v23 =	vadd.s32 $0x1, v23  }
0x174: {  	v24 =	vimm.s32 $0x0;
	[tilespmem:v25+s16+$0x0] =	vst.idx.msk vm0, v23;
	v23 =	vimm.s32 $0x0  }
0x175: {  	p0 =	slt.s32 s28, $0x7D0  }
0x176: {  	s28 =	simm.s32 @!p0 $0x7D0  }
0x177: {  	s30 =	simm.s32 $0x0;
	s29 =	simm.s32 $0xEB80;
	v26 =	vimm.s32 $0x0;
	v24 =	vmov s28  }
.LBB2_30:
0x178: {  	v25 =	vld [tilespmem:$0x1FFF0];
	_ =	sdelay $0x4  }
0x179: {  	vm9 =	vnez.u8 v25;
	v25 =	vld [tilespmem:s29+$0x0];
	_ =	sdelay $0x7  }
0x17a: {  	v27 =	vld.idx.msk [tilespmem:v25+s18+$0x0], $0xffff;
	_ =	sdelay $0x4  }
0x17b: {  	v28 =	vand.u32 $0x1FFF, v27;
	v27 =	vshrl.u32 v27, $0xD  }
0x17c: {  	[tilespmem:$0x1D190] =	vst v28;
	v27 =	vadd.s32 v27, v28  }
0x17d: {  	[tilespmem:$0x1D210] =	vst v27  }
0x17e: {  	v27 =	vld.idx.msk [tilespmem:v5+s19+$0x0], $0xffff;
	_ =	sdelay $0x4  }
0x17f: {  	v39 =	vadd.s32 v3, v27  }
0x180: {  	v29 =	vadd.s32 v6, v27;
	_ =	sdelay $0x2  }
0x181: {  	v32 =	vld.idx.msk [tilespmem:v5+s20+$0x0], $0xffff  }
0x182: {  	v30 =	vld.idx.msk [tilespmem:v39+s21+$0x0], $0xffff  }
0x183: {  	v31 =	vld.idx.msk [tilespmem:v29+s21+$0x0], $0xffff;
	_ =	sdelay $0x3  }
0x184: {  	vm13 =	vcmask $0x3F04;
	vm0 =	vle.s32 v39, v32;
	vm4 =	vlt.s32 v39, v32  }
0x185: {  	vm6 =	vlt.s32 v29, v32;
	v33 =	vand.u32 $0x3FFF, v30;
	v34 =	vand.u32 $0x3FFF, v31  }
0x186: {  	v35 =	vshrl.u32 v30, $0xE;
	v31 =	vshrl.u32 v31, $0xE;
	vm1 =	vgt.s32 v33, v32  }
0x187: {  	vm5 =	vlt.s32 v35, v27;
	vm7 =	vlt.s32 v31, v27;
	vm2 =	vmand vm1, vm13  }
0x188: {  	vm4 =	vmand vm4, vm5;
	vm5 =	vgt.s32 v34, v32;
	vm6 =	vmand vm6, vm7  }
0x189: {  	vm2 =	vmor vm2, vm4;
	vm4 =	vle.s32 v29, v32;
	vm5 =	vmor vm5, vm6  }
0x18a: {  	vm0 =	vmand vm0, vm2;
	vm2 =	vmand vm4, vm5  }
0x18b: {  	vm0 =	vmor vm0, vm2  }
0x18c: {  	v40 =	vmpcnt.ones.xlane vm0;
	_ =	sdelay $0x1  }
0x18d: {  	vm2 =	vlt.s32 v26, v24;
	vm0 =	veq.s32 v40, $0x0  }
0x18e: {  	vm0 =	vmand vm2, vm0  }
0x18f: {  	vm2 =	vmand vm0, vm9;
	_ =	sdelay $0x2  }
0x190: {  	v41 =	vimm.s32 $0x0  }
0x191: {  	v30 =	vand.u32 $0xFFFFC000, v30;
	v42 =	vsel vm1, v33, v32;
	v29 =	vsel vm2, $0xFFFFFFFF, v41  }
0x192: {  	[tilespmem:$0x1FFE0] =	vst v29;
	v29 =	vor.u32 v30, v42  }
0x193: {  	[tilespmem:v39+s21+$0x0] =	vst.idx.msk vm2, v29  }
0x194: {  	v28 =	vld.idx.msk [tilespmem:v32+s21+$0x0], $0xffff;
	_ =	sdelay $0x4  }
0x195: {  	v43 =	vshrl.u32 v28, $0xE  }
0x196: {  	vm1 =	vlt.s32 v43, v27  }
0x197: {  	v27 =	vsel vm1, v43, v27  }
0x198: {  	v28 =	vand.u32 $0x3FFF, v28;
	v27 =	vshll.u32 v27, $0xE  }
0x199: {  	v27 =	vor.u32 v28, v27  }
0x19a: {  	[tilespmem:v32+s21+$0x0] =	vst.idx.msk vm2, v27  }
0x19b: {  	v27 =	vld.idx.msk [tilespmem:v7+s19+$0x0], $0xffff;
	_ =	sdelay $0x4  }
0x19c: {  	v44 =	vadd.s32 v3, v27  }
0x19d: {  	v45 =	vadd.s32 v6, v27;
	_ =	sdelay $0x2  }
0x19e: {  	v32 =	vld.idx.msk [tilespmem:v7+s20+$0x0], $0xffff  }
0x19f: {  	v46 =	vld.idx.msk [tilespmem:v44+s21+$0x0], $0xffff  }
0x1a0: {  	v47 =	vld.idx.msk [tilespmem:v45+s21+$0x0], $0xffff;
	_ =	sdelay $0x3  }
0x1a1: {  	vm2 =	vle.s32 v44, v32;
	vm5 =	vlt.s32 v44, v32  }
0x1a2: {  	vm15 =	vlt.s32 v45, v32;
	v48 =	vand.u32 $0x3FFF, v46;
	v49 =	vand.u32 $0x3FFF, v47  }
0x1a3: {  	v50 =	vshrl.u32 v46, $0xE;
	v31 =	vshrl.u32 v47, $0xE;
	vm1 =	vgt.s32 v48, v32  }
0x1a4: {  	vm14 =	vlt.s32 v50, v27;
	vm8 =	vlt.s32 v31, v27;
	vm12 =	vgt.s32 v49, v32  }
0x1a5: {  	vm4 =	vmand vm1, vm13;
	vm5 =	vmand vm5, vm14;
	vm7 =	vmand vm15, vm8  }
0x1a6: {  	vm4 =	vmor vm4, vm5;
	vm5 =	vle.s32 v45, v32;
	vm6 =	vmor vm12, vm7  }
0x1a7: {  	v53 =	vld [tilespmem:$0x1FFF0];
	vm2 =	vmand vm2, vm4;
	vm4 =	vmand vm5, vm6  }
0x1a8: {  	vm2 =	vmor vm2, vm4  }
0x1a9: {  	v51 =	vsel vm0, $0x1, v0;
	v52 =	vmpcnt.ones.xlane vm2  }
0x1aa: {  	v26 =	vadd.s32 v51, v26  }
0x1ab: {  	vm2 =	vlt.s32 v26, v24;
	vm0 =	veq.s32 v52, $0x0  }
0x1ac: {  	vm4 =	vmand vm2, vm0;
	vm0 =	vnez.u8 v53  }
0x1ad: {  	vm0 =	vmand vm4, vm0;
	_ =	sdelay $0x2  }
0x1ae: {  	v54 =	vimm.s32 $0x0  }
0x1af: {  	v30 =	vand.u32 $0xFFFFC000, v46;
	v55 =	vsel vm1, v48, v32;
	v29 =	vsel vm4, $0xFFFFFFFF, v54  }
0x1b0: {  	[tilespmem:$0x1FF90] =	vst v29;
	v29 =	vor.u32 v30, v55  }
0x1b1: {  	[tilespmem:v44+s21+$0x0] =	vst.idx.msk vm0, v29  }
0x1b2: {  	v28 =	vld.idx.msk [tilespmem:v32+s21+$0x0], $0xffff;
	_ =	sdelay $0x4  }
0x1b3: {  	v56 =	vshrl.u32 v28, $0xE  }
0x1b4: {  	vm1 =	vlt.s32 v56, v27  }
0x1b5: {  	v27 =	vsel vm1, v56, v27  }
0x1b6: {  	v28 =	vand.u32 $0x3FFF, v28;
	v27 =	vshll.u32 v27, $0xE  }
0x1b7: {  	v27 =	vor.u32 v28, v27  }
0x1b8: {  	[tilespmem:v32+s21+$0x0] =	vst.idx.msk vm0, v27  }
0x1b9: {  	v27 =	vld.idx.msk [tilespmem:v8+s19+$0x0], $0xffff;
	_ =	sdelay $0x4  }
0x1ba: {  	v57 =	vadd.s32 v3, v27  }
0x1bb: {  	v58 =	vadd.s32 v6, v27;
	_ =	sdelay $0x2  }
0x1bc: {  	v32 =	vld.idx.msk [tilespmem:v8+s20+$0x0], $0xffff  }
0x1bd: {  	v59 =	vld.idx.msk [tilespmem:v57+s21+$0x0], $0xffff  }
0x1be: {  	v60 =	vld.idx.msk [tilespmem:v58+s21+$0x0], $0xffff;
	_ =	sdelay $0x3  }
0x1bf: {  	vm1 =	vle.s32 v57, v32;
	vm5 =	vlt.s32 v57, v32  }
0x1c0: {  	vm15 =	vlt.s32 v58, v32;
	v61 =	vand.u32 $0x3FFF, v59;
	v62 =	vand.u32 $0x3FFF, v60  }
0x1c1: {  	v63 =	vshrl.u32 v59, $0xE;
	v31 =	vshrl.u32 v60, $0xE;
	vm0 =	vgt.s32 v61, v32  }
0x1c2: {  	vm14 =	vlt.s32 v63, v27;
	vm12 =	vlt.s32 v31, v27;
	vm2 =	vmand vm0, vm13  }
0x1c3: {  	vm5 =	vmand vm5, vm14;
	vm14 =	vgt.s32 v62, v32;
	vm7 =	vmand vm15, vm12  }
0x1c4: {  	vm2 =	vmor vm2, vm5;
	vm5 =	vle.s32 v58, v32;
	vm6 =	vmor vm14, vm7  }
0x1c5: {  	v38 =	vld [tilespmem:$0x1FFF0];
	vm1 =	vmand vm1, vm2;
	vm2 =	vmand vm5, vm6  }
0x1c6: {  	vm1 =	vmor vm1, vm2  }
0x1c7: {  	v36 =	vsel vm4, $0x1, v0;
	v37 =	vmpcnt.ones.xlane vm1  }
0x1c8: {  	v26 =	vadd.s32 v36, v26  }
0x1c9: {  	vm2 =	vlt.s32 v26, v24;
	vm1 =	veq.s32 v37, $0x0  }
0x1ca: {  	vm4 =	vmand vm2, vm1;
	vm1 =	vnez.u8 v38  }
0x1cb: {  	vm1 =	vmand vm4, vm1;
	_ =	sdelay $0x2  }
0x1cc: {  	v39 =	vimm.s32 $0x0  }
0x1cd: {  	v30 =	vand.u32 $0xFFFFC000, v59;
	v40 =	vsel vm0, v61, v32;
	v29 =	vsel vm4, $0xFFFFFFFF, v39  }
0x1ce: {  	[tilespmem:$0x1FFA0] =	vst v29;
	v29 =	vor.u32 v30, v40  }
0x1cf: {  	[tilespmem:v57+s21+$0x0] =	vst.idx.msk vm1, v29  }
0x1d0: {  	v28 =	vld.idx.msk [tilespmem:v32+s21+$0x0], $0xffff;
	_ =	sdelay $0x4  }
0x1d1: {  	v41 =	vshrl.u32 v28, $0xE  }
0x1d2: {  	vm0 =	vlt.s32 v41, v27  }
0x1d3: {  	v27 =	vsel vm0, v41, v27  }
0x1d4: {  	v28 =	vand.u32 $0x3FFF, v28;
	v27 =	vshll.u32 v27, $0xE  }
0x1d5: {  	v27 =	vor.u32 v28, v27  }
0x1d6: {  	[tilespmem:v32+s21+$0x0] =	vst.idx.msk vm1, v27  }
0x1d7: {  	v27 =	vld.idx.msk [tilespmem:v9+s19+$0x0], $0xffff;
	_ =	sdelay $0x4  }
0x1d8: {  	v42 =	vadd.s32 v3, v27  }
0x1d9: {  	v43 =	vadd.s32 v6, v27;
	_ =	sdelay $0x2  }
0x1da: {  	v32 =	vld.idx.msk [tilespmem:v9+s20+$0x0], $0xffff  }
0x1db: {  	v44 =	vld.idx.msk [tilespmem:v42+s21+$0x0], $0xffff  }
0x1dc: {  	v45 =	vld.idx.msk [tilespmem:v43+s21+$0x0], $0xffff;
	_ =	sdelay $0x3  }
0x1dd: {  	vm1 =	vle.s32 v42, v32;
	vm6 =	vlt.s32 v42, v32  }
0x1de: {  	vm12 =	vlt.s32 v43, v32;
	v46 =	vand.u32 $0x3FFF, v44;
	v47 =	vand.u32 $0x3FFF, v45  }
0x1df: {  	v48 =	vshrl.u32 v44, $0xE;
	v31 =	vshrl.u32 v45, $0xE;
	vm0 =	vgt.s32 v46, v32  }
0x1e0: {  	vm15 =	vlt.s32 v48, v27;
	vm14 =	vlt.s32 v31, v27;
	vm2 =	vmand vm0, vm13  }
0x1e1: {  	vm6 =	vmand vm6, vm15;
	vm15 =	vgt.s32 v47, v32;
	vm8 =	vmand vm12, vm14  }
0x1e2: {  	vm11 =	vle.s32 v43, v32;
	vm2 =	vmor vm2, vm6;
	vm7 =	vmor vm15, vm8  }
0x1e3: {  	v51 =	vld [tilespmem:$0x1FFF0];
	vm1 =	vmand vm1, vm2;
	vm2 =	vmand vm11, vm7  }
0x1e4: {  	vm1 =	vmor vm1, vm2  }
0x1e5: {  	v49 =	vsel vm4, $0x1, v0;
	v50 =	vmpcnt.ones.xlane vm1  }
0x1e6: {  	v26 =	vadd.s32 v49, v26  }
0x1e7: {  	vm2 =	vlt.s32 v26, v24;
	vm1 =	veq.s32 v50, $0x0  }
0x1e8: {  	vm4 =	vmand vm2, vm1;
	vm1 =	vnez.u8 v51  }
0x1e9: {  	vm1 =	vmand vm4, vm1;
	_ =	sdelay $0x2  }
0x1ea: {  	v52 =	vimm.s32 $0x0  }
0x1eb: {  	v30 =	vand.u32 $0xFFFFC000, v44;
	v53 =	vsel vm0, v46, v32;
	v29 =	vsel vm4, $0xFFFFFFFF, v52  }
0x1ec: {  	[tilespmem:$0x1FFB0] =	vst v29;
	v29 =	vor.u32 v30, v53  }
0x1ed: {  	[tilespmem:v42+s21+$0x0] =	vst.idx.msk vm1, v29  }
0x1ee: {  	v28 =	vld.idx.msk [tilespmem:v32+s21+$0x0], $0xffff;
	_ =	sdelay $0x4  }
0x1ef: {  	v54 =	vshrl.u32 v28, $0xE  }
0x1f0: {  	vm0 =	vlt.s32 v54, v27  }
0x1f1: {  	v27 =	vsel vm0, v54, v27  }
0x1f2: {  	v28 =	vand.u32 $0x3FFF, v28;
	v27 =	vshll.u32 v27, $0xE  }
0x1f3: {  	v27 =	vor.u32 v28, v27  }
0x1f4: {  	[tilespmem:v32+s21+$0x0] =	vst.idx.msk vm1, v27  }
0x1f5: {  	v27 =	vld.idx.msk [tilespmem:v10+s19+$0x0], $0xffff;
	_ =	sdelay $0x4  }
0x1f6: {  	v55 =	vadd.s32 v3, v27  }
0x1f7: {  	v56 =	vadd.s32 v6, v27;
	_ =	sdelay $0x2  }
0x1f8: {  	v32 =	vld.idx.msk [tilespmem:v10+s20+$0x0], $0xffff  }
0x1f9: {  	v57 =	vld.idx.msk [tilespmem:v55+s21+$0x0], $0xffff  }
0x1fa: {  	v58 =	vld.idx.msk [tilespmem:v56+s21+$0x0], $0xffff;
	_ =	sdelay $0x3  }
0x1fb: {  	vm1 =	vle.s32 v55, v32;
	vm12 =	vlt.s32 v55, v32  }
0x1fc: {  	vm15 =	vlt.s32 v56, v32;
	v59 =	vand.u32 $0x3FFF, v57;
	v60 =	vand.u32 $0x3FFF, v58  }
0x1fd: {  	v61 =	vshrl.u32 v57, $0xE;
	v31 =	vshrl.u32 v58, $0xE;
	vm0 =	vgt.s32 v59, v32  }
0x1fe: {  	vm14 =	vlt.s32 v61, v27;
	vm10 =	vlt.s32 v31, v27;
	vm2 =	vmand vm0, vm13  }
0x1ff: {  	vm7 =	vmand vm12, vm14;
	vm12 =	vgt.s32 v60, v32;
	vm9 =	vmand vm15, vm10  }
0x200: {  	vm14 =	vle.s32 v56, v32;
	vm2 =	vmor vm2, vm7;
	vm8 =	vmor vm12, vm9  }
0x201: {  	v34 =	vld [tilespmem:$0x1FFF0];
	vm1 =	vmand vm1, vm2;
	vm2 =	vmand vm14, vm8  }
0x202: {  	vm1 =	vmor vm1, vm2  }
0x203: {  	v62 =	vsel vm4, $0x1, v0;
	v63 =	vmpcnt.ones.xlane vm1  }
0x204: {  	v26 =	vadd.s32 v62, v26  }
0x205: {  	vm2 =	vlt.s32 v26, v24;
	vm1 =	veq.s32 v63, $0x0  }
0x206: {  	vm7 =	vmand vm2, vm1;
	vm1 =	vnez.u8 v34  }
0x207: {  	vm1 =	vmand vm7, vm1;
	_ =	sdelay $0x3  }
0x208: {  	v30 =	vand.u32 $0xFFFFC000, v57;
	v35 =	vsel vm0, v59, v32  }
0x209: {  	v29 =	vor.u32 v30, v35  }
0x20a: {  	[tilespmem:v55+s21+$0x0] =	vst.idx.msk vm1, v29  }
0x20b: {  	v28 =	vld.idx.msk [tilespmem:v32+s21+$0x0], $0xffff;
	_ =	sdelay $0x4  }
0x20c: {  	v36 =	vshrl.u32 v28, $0xE  }
0x20d: {  	vm0 =	vlt.s32 v36, v27  }
0x20e: {  	v27 =	vsel vm0, v36, v27  }
0x20f: {  	v28 =	vand.u32 $0x3FFF, v28;
	v27 =	vshll.u32 v27, $0xE  }
0x210: {  	v27 =	vor.u32 v28, v27  }
0x211: {  	[tilespmem:v32+s21+$0x0] =	vst.idx.msk vm1, v27  }
0x212: {  	v27 =	vld.idx.msk [tilespmem:v11+s19+$0x0], $0xffff;
	_ =	sdelay $0x4  }
0x213: {  	v37 =	vadd.s32 v3, v27  }
0x214: {  	v38 =	vadd.s32 v6, v27;
	_ =	sdelay $0x2  }
0x215: {  	v32 =	vld.idx.msk [tilespmem:v11+s20+$0x0], $0xffff  }
0x216: {  	v39 =	vld.idx.msk [tilespmem:v37+s21+$0x0], $0xffff  }
0x217: {  	v40 =	vld.idx.msk [tilespmem:v38+s21+$0x0], $0xffff;
	_ =	sdelay $0x3  }
0x218: {  	vm1 =	vle.s32 v37, v32;
	vm15 =	vlt.s32 v37, v32  }
0x219: {  	vm12 =	vlt.s32 v38, v32;
	v41 =	vand.u32 $0x3FFF, v39;
	v42 =	vand.u32 $0x3FFF, v40  }
0x21a: {  	v43 =	vshrl.u32 v39, $0xE;
	v31 =	vshrl.u32 v40, $0xE;
	vm0 =	vgt.s32 v41, v32  }
0x21b: {  	vm6 =	vlt.s32 v43, v27;
	vm11 =	vlt.s32 v31, v27;
	vm14 =	vgt.s32 v42, v32  }
0x21c: {  	vm2 =	vmand vm0, vm13;
	vm8 =	vmand vm15, vm6;
	vm10 =	vmand vm12, vm11  }
0x21d: {  	vm15 =	vle.s32 v38, v32;
	vm2 =	vmor vm2, vm8;
	vm9 =	vmor vm14, vm10  }
0x21e: {  	v46 =	vld [tilespmem:$0x1FFF0];
	vm1 =	vmand vm1, vm2;
	vm2 =	vmand vm15, vm9  }
0x21f: {  	vm1 =	vmor vm1, vm2  }
0x220: {  	v44 =	vsel vm7, $0x1, v0;
	v45 =	vmpcnt.ones.xlane vm1  }
0x221: {  	v26 =	vadd.s32 v44, v26  }
0x222: {  	vm2 =	vlt.s32 v26, v24;
	vm1 =	veq.s32 v45, $0x0  }
0x223: {  	vm4 =	vmand vm2, vm1;
	vm1 =	vnez.u8 v46  }
0x224: {  	vm1 =	vmand vm4, vm1;
	_ =	sdelay $0x2  }
0x225: {  	v47 =	vimm.s32 $0x0  }
0x226: {  	v30 =	vand.u32 $0xFFFFC000, v39;
	v48 =	vsel vm0, v41, v32;
	v29 =	vsel vm4, $0xFFFFFFFF, v47  }
0x227: {  	[tilespmem:$0x1FFC0] =	vst v29;
	v29 =	vor.u32 v30, v48  }
0x228: {  	[tilespmem:v37+s21+$0x0] =	vst.idx.msk vm1, v29  }
0x229: {  	v28 =	vld.idx.msk [tilespmem:v32+s21+$0x0], $0xffff;
	_ =	sdelay $0x4  }
0x22a: {  	v49 =	vshrl.u32 v28, $0xE  }
0x22b: {  	vm0 =	vlt.s32 v49, v27  }
0x22c: {  	v27 =	vsel vm0, v49, v27  }
0x22d: {  	v28 =	vand.u32 $0x3FFF, v28;
	v27 =	vshll.u32 v27, $0xE  }
0x22e: {  	v27 =	vor.u32 v28, v27  }
0x22f: {  	[tilespmem:v32+s21+$0x0] =	vst.idx.msk vm1, v27  }
0x230: {  	v27 =	vld.idx.msk [tilespmem:v12+s19+$0x0], $0xffff;
	_ =	sdelay $0x4  }
0x231: {  	v50 =	vadd.s32 v3, v27  }
0x232: {  	v51 =	vadd.s32 v6, v27;
	_ =	sdelay $0x2  }
0x233: {  	v32 =	vld.idx.msk [tilespmem:v12+s20+$0x0], $0xffff  }
0x234: {  	v52 =	vld.idx.msk [tilespmem:v50+s21+$0x0], $0xffff  }
0x235: {  	v53 =	vld.idx.msk [tilespmem:v51+s21+$0x0], $0xffff;
	_ =	sdelay $0x3  }
0x236: {  	vm1 =	vle.s32 v50, v32;
	vm9 =	vlt.s32 v50, v32  }
0x237: {  	vm6 =	vlt.s32 v51, v32;
	v54 =	vand.u32 $0x3FFF, v52;
	v55 =	vand.u32 $0x3FFF, v53  }
0x238: {  	v56 =	vshrl.u32 v52, $0xE;
	v31 =	vshrl.u32 v53, $0xE;
	vm0 =	vgt.s32 v54, v32  }
0x239: {  	vm10 =	vlt.s32 v56, v27;
	vm12 =	vlt.s32 v31, v27;
	vm14 =	vgt.s32 v55, v32  }
0x23a: {  	vm2 =	vmand vm0, vm13;
	vm9 =	vmand vm9, vm10;
	vm11 =	vmand vm6, vm12  }
0x23b: {  	vm15 =	vle.s32 v51, v32;
	vm2 =	vmor vm2, vm9;
	vm10 =	vmor vm14, vm11  }
0x23c: {  	v59 =	vld [tilespmem:$0x1FFF0];
	vm1 =	vmand vm1, vm2;
	vm2 =	vmand vm15, vm10  }
0x23d: {  	vm1 =	vmor vm1, vm2  }
0x23e: {  	v57 =	vsel vm4, $0x1, v0;
	v58 =	vmpcnt.ones.xlane vm1  }
0x23f: {  	v26 =	vadd.s32 v57, v26  }
0x240: {  	vm2 =	vlt.s32 v26, v24;
	vm1 =	veq.s32 v58, $0x0  }
0x241: {  	vm4 =	vmand vm2, vm1;
	vm1 =	vnez.u8 v59  }
0x242: {  	vm1 =	vmand vm4, vm1;
	_ =	sdelay $0x2  }
0x243: {  	v60 =	vimm.s32 $0x0  }
0x244: {  	v30 =	vand.u32 $0xFFFFC000, v52;
	v61 =	vsel vm0, v54, v32;
	v29 =	vsel vm4, $0xFFFFFFFF, v60  }
0x245: {  	[tilespmem:$0x1FFD0] =	vst v29;
	v29 =	vor.u32 v30, v61  }
0x246: {  	[tilespmem:v50+s21+$0x0] =	vst.idx.msk vm1, v29  }
0x247: {  	v28 =	vld.idx.msk [tilespmem:v32+s21+$0x0], $0xffff;
	_ =	sdelay $0x4  }
0x248: {  	v62 =	vshrl.u32 v28, $0xE  }
0x249: {  	vm0 =	vlt.s32 v62, v27  }
0x24a: {  	v27 =	vsel vm0, v62, v27  }
0x24b: {  	v28 =	vand.u32 $0x3FFF, v28;
	v27 =	vshll.u32 v27, $0xE  }
0x24c: {  	v27 =	vor.u32 v28, v27  }
0x24d: {  	[tilespmem:v32+s21+$0x0] =	vst.idx.msk vm1, v27  }
0x24e: {  	v27 =	vld.idx.msk [tilespmem:v13+s19+$0x0], $0xffff;
	_ =	sdelay $0x4  }
0x24f: {  	v63 =	vadd.s32 v3, v27  }
0x250: {  	v36 =	vadd.s32 v6, v27;
	_ =	sdelay $0x2  }
0x251: {  	v32 =	vld.idx.msk [tilespmem:v13+s20+$0x0], $0xffff  }
0x252: {  	v37 =	vld.idx.msk [tilespmem:v63+s21+$0x0], $0xffff  }
0x253: {  	v38 =	vld.idx.msk [tilespmem:v36+s21+$0x0], $0xffff;
	_ =	sdelay $0x3  }
0x254: {  	vm1 =	vle.s32 v63, v32;
	vm10 =	vlt.s32 v63, v32  }
0x255: {  	vm12 =	vlt.s32 v36, v32;
	v39 =	vand.u32 $0x3FFF, v37;
	v40 =	vand.u32 $0x3FFF, v38  }
0x256: {  	v41 =	vshrl.u32 v37, $0xE;
	v31 =	vshrl.u32 v38, $0xE;
	vm0 =	vgt.s32 v39, v32  }
0x257: {  	vm11 =	vlt.s32 v41, v27;
	vm6 =	vlt.s32 v31, v27;
	vm2 =	vmand vm0, vm13  }
0x258: {  	vm10 =	vmand vm10, vm11;
	vm11 =	vgt.s32 v40, v32;
	vm12 =	vmand vm12, vm6  }
0x259: {  	vm6 =	vle.s32 v36, v32;
	vm2 =	vmor vm2, vm10;
	vm11 =	vmor vm11, vm12  }
0x25a: {  	v44 =	vld [tilespmem:$0x1FFF0];
	vm1 =	vmand vm1, vm2;
	vm2 =	vmand vm6, vm11  }
0x25b: {  	vm1 =	vmor vm1, vm2  }
0x25c: {  	v42 =	vsel vm4, $0x1, v0;
	v43 =	vmpcnt.ones.xlane vm1  }
0x25d: {  	v26 =	vadd.s32 v42, v26  }
0x25e: {  	vm2 =	vlt.s32 v26, v24;
	vm1 =	veq.s32 v43, $0x0  }
0x25f: {  	vm10 =	vmand vm2, vm1;
	vm1 =	vnez.u8 v44  }
0x260: {  	vm1 =	vmand vm10, vm1;
	_ =	sdelay $0x3  }
0x261: {  	v30 =	vand.u32 $0xFFFFC000, v37;
	v45 =	vsel vm0, v39, v32  }
0x262: {  	v29 =	vor.u32 v30, v45  }
0x263: {  	[tilespmem:v63+s21+$0x0] =	vst.idx.msk vm1, v29  }
0x264: {  	v28 =	vld.idx.msk [tilespmem:v32+s21+$0x0], $0xffff;
	_ =	sdelay $0x4  }
0x265: {  	v46 =	vshrl.u32 v28, $0xE  }
0x266: {  	vm0 =	vlt.s32 v46, v27  }
0x267: {  	v27 =	vsel vm0, v46, v27  }
0x268: {  	v28 =	vand.u32 $0x3FFF, v28;
	v27 =	vshll.u32 v27, $0xE  }
0x269: {  	v27 =	vor.u32 v28, v27  }
0x26a: {  	[tilespmem:v32+s21+$0x0] =	vst.idx.msk vm1, v27  }
0x26b: {  	v27 =	vld.idx.msk [tilespmem:v14+s19+$0x0], $0xffff;
	_ =	sdelay $0x4  }
0x26c: {  	v47 =	vadd.s32 v3, v27  }
0x26d: {  	v48 =	vadd.s32 v6, v27;
	_ =	sdelay $0x2  }
0x26e: {  	v32 =	vld.idx.msk [tilespmem:v14+s20+$0x0], $0xffff  }
0x26f: {  	v49 =	vld.idx.msk [tilespmem:v47+s21+$0x0], $0xffff  }
0x270: {  	v50 =	vld.idx.msk [tilespmem:v48+s21+$0x0], $0xffff;
	_ =	sdelay $0x3  }
0x271: {  	vm9 =	vmmov vm13;
	vm1 =	vle.s32 v47, v32;
	vm11 =	vlt.s32 v47, v32  }
0x272: {  	vm6 =	vlt.s32 v48, v32;
	v51 =	vand.u32 $0x3FFF, v49;
	v52 =	vand.u32 $0x3FFF, v50  }
0x273: {  	v53 =	vshrl.u32 v49, $0xE;
	v31 =	vshrl.u32 v50, $0xE;
	vm0 =	vgt.s32 v51, v32  }
0x274: {  	vm8 =	vlt.s32 v53, v27;
	vm14 =	vlt.s32 v31, v27;
	vm12 =	vgt.s32 v52, v32  }
0x275: {  	vm2 =	vmand vm0, vm9;
	vm11 =	vmand vm11, vm8;
	vm13 =	vmand vm6, vm14  }
0x276: {  	vm6 =	vle.s32 v48, v32;
	vm2 =	vmor vm2, vm11;
	vm12 =	vmor vm12, vm13  }
0x277: {  	v56 =	vld [tilespmem:$0x1FFF0];
	vm1 =	vmand vm1, vm2;
	vm2 =	vmand vm6, vm12  }
0x278: {  	vm1 =	vmor vm1, vm2  }
0x279: {  	v54 =	vsel vm10, $0x1, v0;
	v55 =	vmpcnt.ones.xlane vm1  }
0x27a: {  	v26 =	vadd.s32 v54, v26  }
0x27b: {  	vm2 =	vlt.s32 v26, v24;
	vm1 =	veq.s32 v55, $0x0  }
0x27c: {  	vm11 =	vmand vm2, vm1;
	vm1 =	vnez.u8 v56  }
0x27d: {  	vm1 =	vmand vm11, vm1;
	_ =	sdelay $0x3  }
0x27e: {  	v30 =	vand.u32 $0xFFFFC000, v49;
	v57 =	vsel vm0, v51, v32  }
0x27f: {  	v29 =	vor.u32 v30, v57  }
0x280: {  	[tilespmem:v47+s21+$0x0] =	vst.idx.msk vm1, v29  }
0x281: {  	v28 =	vld.idx.msk [tilespmem:v32+s21+$0x0], $0xffff;
	_ =	sdelay $0x4  }
0x282: {  	v58 =	vshrl.u32 v28, $0xE  }
0x283: {  	vm0 =	vlt.s32 v58, v27  }
0x284: {  	v27 =	vsel vm0, v58, v27  }
0x285: {  	v28 =	vand.u32 $0x3FFF, v28;
	v27 =	vshll.u32 v27, $0xE  }
0x286: {  	v27 =	vor.u32 v28, v27  }
0x287: {  	[tilespmem:v32+s21+$0x0] =	vst.idx.msk vm1, v27  }
0x288: {  	v27 =	vld.idx.msk [tilespmem:v15+s19+$0x0], $0xffff;
	_ =	sdelay $0x4  }
0x289: {  	v59 =	vadd.s32 v3, v27  }
0x28a: {  	v60 =	vadd.s32 v6, v27;
	_ =	sdelay $0x2  }
0x28b: {  	v32 =	vld.idx.msk [tilespmem:v15+s20+$0x0], $0xffff  }
0x28c: {  	v61 =	vld.idx.msk [tilespmem:v59+s21+$0x0], $0xffff  }
0x28d: {  	v62 =	vld.idx.msk [tilespmem:v60+s21+$0x0], $0xffff;
	_ =	sdelay $0x3  }
0x28e: {  	vm1 =	vle.s32 v59, v32;
	vm12 =	vlt.s32 v59, v32  }
0x28f: {  	vm6 =	vlt.s32 v60, v32;
	v63 =	vand.u32 $0x3FFF, v61;
	v36 =	vand.u32 $0x3FFF, v62  }
0x290: {  	v37 =	vshrl.u32 v61, $0xE;
	v31 =	vshrl.u32 v62, $0xE;
	vm0 =	vgt.s32 v63, v32  }
0x291: {  	vm8 =	vlt.s32 v37, v27;
	vm15 =	vlt.s32 v31, v27;
	vm2 =	vmand vm0, vm9  }
0x292: {  	vm12 =	vmand vm12, vm8;
	vm8 =	vgt.s32 v36, v32;
	vm14 =	vmand vm6, vm15  }
0x293: {  	vm6 =	vle.s32 v60, v32;
	vm2 =	vmor vm2, vm12;
	vm13 =	vmor vm8, vm14  }
0x294: {  	v40 =	vld [tilespmem:$0x1FFF0];
	vm1 =	vmand vm1, vm2;
	vm2 =	vmand vm6, vm13  }
0x295: {  	vm1 =	vmor vm1, vm2  }
0x296: {  	v38 =	vsel vm11, $0x1, v0;
	v39 =	vmpcnt.ones.xlane vm1  }
0x297: {  	v26 =	vadd.s32 v38, v26  }
0x298: {  	vm2 =	vlt.s32 v26, v24;
	vm1 =	veq.s32 v39, $0x0  }
0x299: {  	vm12 =	vmand vm2, vm1;
	vm1 =	vnez.u8 v40  }
0x29a: {  	vm1 =	vmand vm12, vm1;
	_ =	sdelay $0x3  }
0x29b: {  	v30 =	vand.u32 $0xFFFFC000, v61;
	v41 =	vsel vm0, v63, v32  }
0x29c: {  	v29 =	vor.u32 v30, v41  }
0x29d: {  	[tilespmem:v59+s21+$0x0] =	vst.idx.msk vm1, v29  }
0x29e: {  	v28 =	vld.idx.msk [tilespmem:v32+s21+$0x0], $0xffff;
	_ =	sdelay $0x4  }
0x29f: {  	v42 =	vshrl.u32 v28, $0xE  }
0x2a0: {  	vm0 =	vlt.s32 v42, v27  }
0x2a1: {  	v27 =	vsel vm0, v42, v27  }
0x2a2: {  	v28 =	vand.u32 $0x3FFF, v28;
	v27 =	vshll.u32 v27, $0xE  }
0x2a3: {  	v27 =	vor.u32 v28, v27  }
0x2a4: {  	[tilespmem:v32+s21+$0x0] =	vst.idx.msk vm1, v27  }
0x2a5: {  	v27 =	vld.idx.msk [tilespmem:v16+s19+$0x0], $0xffff;
	_ =	sdelay $0x4  }
0x2a6: {  	v43 =	vadd.s32 v3, v27  }
0x2a7: {  	v44 =	vadd.s32 v6, v27;
	_ =	sdelay $0x2  }
0x2a8: {  	v32 =	vld.idx.msk [tilespmem:v16+s20+$0x0], $0xffff  }
0x2a9: {  	v45 =	vld.idx.msk [tilespmem:v43+s21+$0x0], $0xffff  }
0x2aa: {  	v46 =	vld.idx.msk [tilespmem:v44+s21+$0x0], $0xffff;
	_ =	sdelay $0x2  }
0x2ab: {  	vm0 =	vle.s32 v43, v32;
	vm2 =	vlt.s32 v43, v32  }
0x2ac: {  	vm13 =	vlt.s32 v44, v32;
	v47 =	vand.u32 $0x3FFF, v45;
	v49 =	vshrl.u32 v45, $0xE  }
0x2ad: {  	v48 =	vand.u32 $0x3FFF, v46;
	v31 =	vshrl.u32 v46, $0xE;
	vm8 =	vlt.s32 v49, v27  }
0x2ae: {  	vm1 =	vgt.s32 v47, v32;
	vm6 =	vlt.s32 v31, v27;
	vm2 =	vmand vm2, vm8  }
0x2af: {  	vm8 =	vmand vm1, vm9;
	vm13 =	vmand vm13, vm6;
	vm6 =	vgt.s32 v48, v32  }
0x2b0: {  	vm2 =	vmor vm8, vm2;
	vm8 =	vle.s32 v44, v32;
	vm13 =	vmor vm6, vm13  }
0x2b1: {  	v52 =	vld [tilespmem:$0x1FFF0];
	vm0 =	vmand vm0, vm2;
	vm2 =	vmand vm8, vm13  }
0x2b2: {  	vm0 =	vmor vm0, vm2  }
0x2b3: {  	v50 =	vsel vm12, $0x1, v0;
	v51 =	vmpcnt.ones.xlane vm0  }
0x2b4: {  	v26 =	vadd.s32 v50, v26  }
0x2b5: {  	vm2 =	vlt.s32 v26, v24;
	vm0 =	veq.s32 v51, $0x0  }
0x2b6: {  	vm13 =	vmand vm2, vm0;
	vm0 =	vnez.u8 v52  }
0x2b7: {  	vm0 =	vmand vm13, vm0;
	_ =	sdelay $0x3  }
0x2b8: {  	v30 =	vand.u32 $0xFFFFC000, v45;
	v53 =	vsel vm1, v47, v32  }
0x2b9: {  	v29 =	vor.u32 v30, v53  }
0x2ba: {  	[tilespmem:v43+s21+$0x0] =	vst.idx.msk vm0, v29  }
0x2bb: {  	v28 =	vld.idx.msk [tilespmem:v32+s21+$0x0], $0xffff;
	_ =	sdelay $0x4  }
0x2bc: {  	v54 =	vshrl.u32 v28, $0xE  }
0x2bd: {  	vm1 =	vlt.s32 v54, v27  }
0x2be: {  	v27 =	vsel vm1, v54, v27  }
0x2bf: {  	v28 =	vand.u32 $0x3FFF, v28;
	v27 =	vshll.u32 v27, $0xE  }
0x2c0: {  	v27 =	vor.u32 v28, v27  }
0x2c1: {  	[tilespmem:v32+s21+$0x0] =	vst.idx.msk vm0, v27  }
0x2c2: {  	v27 =	vld.idx.msk [tilespmem:v17+s19+$0x0], $0xffff;
	_ =	sdelay $0x4  }
0x2c3: {  	v55 =	vadd.s32 v3, v27  }
0x2c4: {  	v56 =	vadd.s32 v6, v27;
	_ =	sdelay $0x2  }
0x2c5: {  	v32 =	vld.idx.msk [tilespmem:v17+s20+$0x0], $0xffff  }
0x2c6: {  	v57 =	vld.idx.msk [tilespmem:v55+s21+$0x0], $0xffff  }
0x2c7: {  	v58 =	vld.idx.msk [tilespmem:v56+s21+$0x0], $0xffff;
	_ =	sdelay $0x3  }
0x2c8: {  	vm2 =	vlt.s32 v55, v32;
	vm8 =	vlt.s32 v56, v32  }
0x2c9: {  	v59 =	vand.u32 $0x3FFF, v57;
	v60 =	vand.u32 $0x3FFF, v58;
	v61 =	vshrl.u32 v57, $0xE  }
0x2ca: {  	v31 =	vshrl.u32 v58, $0xE;
	vm0 =	vgt.s32 v59, v32;
	vm6 =	vlt.s32 v61, v27  }
0x2cb: {  	vm1 =	vmand vm0, vm9;
	vm2 =	vmand vm2, vm6;
	vm6 =	vlt.s32 v31, v27  }
0x2cc: {  	vm1 =	vmor vm1, vm2;
	vm2 =	vgt.s32 v60, v32;
	vm14 =	vmand vm8, vm6  }
0x2cd: {  	vm8 =	vle.s32 v55, v32;
	vm6 =	vle.s32 v56, v32;
	vm2 =	vmor vm2, vm14  }
0x2ce: {  	v34 =	vld [tilespmem:$0x1FFF0];
	vm1 =	vmand vm8, vm1;
	vm2 =	vmand vm6, vm2  }
0x2cf: {  	vm1 =	vmor vm1, vm2  }
0x2d0: {  	v62 =	vsel vm13, $0x1, v0;
	v63 =	vmpcnt.ones.xlane vm1  }
0x2d1: {  	v26 =	vadd.s32 v62, v26  }
0x2d2: {  	vm2 =	vlt.s32 v26, v24;
	vm1 =	veq.s32 v63, $0x0  }
0x2d3: {  	vm14 =	vmand vm2, vm1;
	vm1 =	vnez.u8 v34  }
0x2d4: {  	vm1 =	vmand vm14, vm1;
	_ =	sdelay $0x3  }
0x2d5: {  	v30 =	vand.u32 $0xFFFFC000, v57;
	v35 =	vsel vm0, v59, v32  }
0x2d6: {  	v29 =	vor.u32 v30, v35  }
0x2d7: {  	[tilespmem:v55+s21+$0x0] =	vst.idx.msk vm1, v29  }
0x2d8: {  	v28 =	vld.idx.msk [tilespmem:v32+s21+$0x0], $0xffff;
	_ =	sdelay $0x4  }
0x2d9: {  	v36 =	vshrl.u32 v28, $0xE  }
0x2da: {  	vm0 =	vlt.s32 v36, v27  }
0x2db: {  	v27 =	vsel vm0, v36, v27  }
0x2dc: {  	v28 =	vand.u32 $0x3FFF, v28;
	v27 =	vshll.u32 v27, $0xE  }
0x2dd: {  	v27 =	vor.u32 v28, v27  }
0x2de: {  	[tilespmem:v32+s21+$0x0] =	vst.idx.msk vm1, v27  }
0x2df: {  	v27 =	vld.idx.msk [tilespmem:v18+s19+$0x0], $0xffff;
	_ =	sdelay $0x4  }
0x2e0: {  	v37 =	vadd.s32 v3, v27  }
0x2e1: {  	v38 =	vadd.s32 v6, v27;
	_ =	sdelay $0x2  }
0x2e2: {  	v32 =	vld.idx.msk [tilespmem:v18+s20+$0x0], $0xffff  }
0x2e3: {  	v39 =	vld.idx.msk [tilespmem:v37+s21+$0x0], $0xffff  }
0x2e4: {  	v40 =	vld.idx.msk [tilespmem:v38+s21+$0x0], $0xffff;
	_ =	sdelay $0x3  }
0x2e5: {  	vm2 =	vlt.s32 v37, v32;
	vm15 =	vlt.s32 v38, v32;
	v41 =	vand.u32 $0x3FFF, v39  }
0x2e6: {  	v42 =	vand.u32 $0x3FFF, v40;
	v43 =	vshrl.u32 v39, $0xE;
	vm0 =	vgt.s32 v41, v32  }
0x2e7: {  	v31 =	vshrl.u32 v40, $0xE;
	vm8 =	vlt.s32 v43, v27;
	vm1 =	vmand vm0, vm9  }
0x2e8: {  	vm2 =	vmand vm2, vm8;
	vm8 =	vmmov vm3;
	vm3 =	vlt.s32 v31, v27  }
0x2e9: {  	vm1 =	vmor vm1, vm2;
	vm2 =	vmand vm15, vm3;
	vm3 =	vgt.s32 v42, v32  }
0x2ea: {  	vm6 =	vle.s32 v38, v32;
	vm2 =	vmor vm3, vm2;
	vm3 =	vle.s32 v37, v32  }
0x2eb: {  	v46 =	vld [tilespmem:$0x1FFF0];
	vm1 =	vmand vm3, vm1;
	vm2 =	vmand vm6, vm2  }
0x2ec: {  	vm1 =	vmor vm1, vm2  }
0x2ed: {  	v44 =	vsel vm14, $0x1, v0;
	v45 =	vmpcnt.ones.xlane vm1  }
0x2ee: {  	v26 =	vadd.s32 v44, v26  }
0x2ef: {  	vm2 =	vlt.s32 v26, v24;
	vm1 =	veq.s32 v45, $0x0  }
0x2f0: {  	vm15 =	vmand vm2, vm1;
	vm1 =	vnez.u8 v46  }
0x2f1: {  	vm1 =	vmand vm15, vm1;
	_ =	sdelay $0x3  }
0x2f2: {  	v30 =	vand.u32 $0xFFFFC000, v39;
	v47 =	vsel vm0, v41, v32  }
0x2f3: {  	v29 =	vor.u32 v30, v47  }
0x2f4: {  	[tilespmem:v37+s21+$0x0] =	vst.idx.msk vm1, v29  }
0x2f5: {  	v28 =	vld.idx.msk [tilespmem:v32+s21+$0x0], $0xffff;
	_ =	sdelay $0x4  }
0x2f6: {  	v48 =	vshrl.u32 v28, $0xE  }
0x2f7: {  	vm0 =	vlt.s32 v48, v27  }
0x2f8: {  	v27 =	vsel vm0, v48, v27  }
0x2f9: {  	v28 =	vand.u32 $0x3FFF, v28;
	v27 =	vshll.u32 v27, $0xE  }
0x2fa: {  	v27 =	vor.u32 v28, v27  }
0x2fb: {  	[tilespmem:v32+s21+$0x0] =	vst.idx.msk vm1, v27  }
0x2fc: {  	v27 =	vld.idx.msk [tilespmem:v19+s19+$0x0], $0xffff;
	_ =	sdelay $0x4  }
0x2fd: {  	v49 =	vadd.s32 v3, v27  }
0x2fe: {  	v50 =	vadd.s32 v6, v27;
	_ =	sdelay $0x2  }
0x2ff: {  	v51 =	vld.idx.msk [tilespmem:v19+s20+$0x0], $0xffff  }
0x300: {  	v52 =	vld.idx.msk [tilespmem:v49+s21+$0x0], $0xffff  }
0x301: {  	v32 =	vld.idx.msk [tilespmem:v50+s21+$0x0], $0xffff;
	_ =	sdelay $0x3  }
0x302: {  	vm0 =	vlt.s32 v49, v51;
	vm2 =	vlt.s32 v50, v51  }
0x303: {  	v53 =	vand.u32 $0x3FFF, v52;
	v54 =	vshrl.u32 v52, $0xE;
	v55 =	vand.u32 $0x3FFF, v32  }
0x304: {  	v32 =	vshrl.u32 v32, $0xE;
	vm1 =	vlt.s32 v54, v27;
	vm4 =	vgt.s32 v53, v51  }
0x305: {  	vm3 =	vmand vm0, vm1;
	vm1 =	vmand vm4, vm9;
	vm0 =	vlt.s32 v32, v27  }
0x306: {  	vm1 =	vmor vm1, vm3;
	vm0 =	vmand vm2, vm0;
	vm2 =	vgt.s32 v55, v51  }
0x307: {  	vm3 =	vle.s32 v50, v51;
	vm0 =	vmor vm2, vm0;
	vm2 =	vle.s32 v49, v51  }
0x308: {  	v58 =	vld [tilespmem:$0x1FFF0];
	vm1 =	vmand vm2, vm1;
	vm0 =	vmand vm3, vm0  }
0x309: {  	vm0 =	vmor vm1, vm0  }
0x30a: {  	v56 =	vsel vm15, $0x1, v0;
	v57 =	vmpcnt.ones.xlane vm0  }
0x30b: {  	v26 =	vadd.s32 v56, v26  }
0x30c: {  	vm1 =	vlt.s32 v26, v24;
	vm0 =	veq.s32 v57, $0x0  }
0x30d: {  	vm6 =	vmand vm1, vm0;
	vm0 =	vnez.u8 v58  }
0x30e: {  	vm0 =	vmand vm6, vm0;
	_ =	sdelay $0x3  }
0x30f: {  	v31 =	vand.u32 $0xFFFFC000, v52;
	v59 =	vsel vm4, v53, v51  }
0x310: {  	v29 =	vor.u32 v31, v59  }
0x311: {  	[tilespmem:v49+s21+$0x0] =	vst.idx.msk vm0, v29  }
0x312: {  	v28 =	vld.idx.msk [tilespmem:v51+s21+$0x0], $0xffff;
	_ =	sdelay $0x4  }
0x313: {  	v60 =	vshrl.u32 v28, $0xE  }
0x314: {  	vm1 =	vlt.s32 v60, v27  }
0x315: {  	v27 =	vsel vm1, v60, v27  }
0x316: {  	v28 =	vand.u32 $0x3FFF, v28;
	v27 =	vshll.u32 v27, $0xE  }
0x317: {  	v27 =	vor.u32 v28, v27  }
0x318: {  	[tilespmem:v51+s21+$0x0] =	vst.idx.msk vm0, v27  }
0x319: {  	v27 =	vld.idx.msk [tilespmem:v20+s19+$0x0], $0xffff;
	_ =	sdelay $0x4  }
0x31a: {  	v61 =	vadd.s32 v3, v27;
	_ =	sdelay $0x1  }
0x31b: {  	v62 =	vadd.s32 v6, v27;
	_ =	sdelay $0x1  }
0x31c: {  	v30 =	vld.idx.msk [tilespmem:v20+s20+$0x0], $0xffff  }
0x31d: {  	v63 =	vld.idx.msk [tilespmem:v61+s21+$0x0], $0xffff;
	_ =	sdelay $0x1  }
0x31e: {  	v36 =	vld.idx.msk [tilespmem:v62+s21+$0x0], $0xffff;
	_ =	sdelay $0x2  }
0x31f: {  	vm0 =	vlt.s32 v61, v30;
	v38 =	vshrl.u32 v63, $0xE  }
0x320: {  	vm4 =	vlt.s32 v62, v30;
	v37 =	vand.u32 $0x3FFF, v63;
	vm1 =	vlt.s32 v38, v27  }
0x321: {  	v32 =	vshrl.u32 v36, $0xE;
	vm2 =	vmand vm0, vm1;
	vm1 =	vgt.s32 v37, v30  }
0x322: {  	v39 =	vand.u32 $0x3FFF, v36;
	vm0 =	vlt.s32 v32, v27;
	vm3 =	vmand vm1, vm9  }
0x323: {  	vm0 =	vmand vm4, vm0;
	vm2 =	vmor vm3, vm2;
	vm3 =	vgt.s32 v39, v30  }
0x324: {  	vm4 =	vle.s32 v62, v30;
	vm0 =	vmor vm3, vm0;
	vm3 =	vle.s32 v61, v30  }
0x325: {  	v42 =	vld [tilespmem:$0x1FFF0];
	vm2 =	vmand vm3, vm2;
	vm0 =	vmand vm4, vm0  }
0x326: {  	vm0 =	vmor vm2, vm0  }
0x327: {  	v40 =	vsel vm6, $0x1, v0;
	v41 =	vmpcnt.ones.xlane vm0  }
0x328: {  	v26 =	vadd.s32 v40, v26  }
0x329: {  	vm2 =	vlt.s32 v26, v24;
	vm0 =	veq.s32 v41, $0x0  }
0x32a: {  	vm5 =	vmand vm2, vm0;
	vm0 =	vnez.u8 v42  }
0x32b: {  	vm2 =	vmand vm5, vm0;
	_ =	sdelay $0x3  }
0x32c: {  	v31 =	vand.u32 $0xFFFFC000, v63;
	v43 =	vsel vm1, v37, v30  }
0x32d: {  	v29 =	vor.u32 v31, v43  }
0x32e: {  	[tilespmem:v61+s21+$0x0] =	vst.idx.msk vm2, v29  }
0x32f: {  	v28 =	vld.idx.msk [tilespmem:v30+s21+$0x0], $0xffff;
	_ =	sdelay $0x4  }
0x330: {  	v44 =	vshrl.u32 v28, $0xE  }
0x331: {  	vm1 =	vlt.s32 v44, v27  }
0x332: {  	v27 =	vsel vm1, v44, v27  }
0x333: {  	v28 =	vand.u32 $0x3FFF, v28;
	v27 =	vshll.u32 v27, $0xE  }
0x334: {  	v27 =	vor.u32 v28, v27  }
0x335: {  	[tilespmem:v30+s21+$0x0] =	vst.idx.msk vm2, v27  }
0x336: {  	v27 =	vld.idx.msk [tilespmem:v21+s19+$0x0], $0xffff;
	_ =	sdelay $0x4  }
0x337: {  	v45 =	vadd.s32 v3, v27;
	_ =	sdelay $0x1  }
0x338: {  	v46 =	vadd.s32 v6, v27;
	_ =	sdelay $0x1  }
0x339: {  	v47 =	vld.idx.msk [tilespmem:v21+s20+$0x0], $0xffff  }
0x33a: {  	v30 =	vld.idx.msk [tilespmem:v45+s21+$0x0], $0xffff;
	_ =	sdelay $0x1  }
0x33b: {  	v48 =	vld.idx.msk [tilespmem:v46+s21+$0x0], $0xffff;
	_ =	sdelay $0x2  }
0x33c: {  	vm1 =	vlt.s32 v45, v47;
	v49 =	vshrl.u32 v30, $0xE  }
0x33d: {  	vm4 =	vlt.s32 v46, v47;
	v50 =	vand.u32 $0x3FFF, v30;
	vm2 =	vlt.s32 v49, v27  }
0x33e: {  	v32 =	vshrl.u32 v48, $0xE;
	vm2 =	vmand vm1, vm2;
	vm1 =	vgt.s32 v50, v47  }
0x33f: {  	v53 =	vld [tilespmem:$0x1FF90];
	v51 =	vand.u32 $0x3FFF, v48;
	vm0 =	vlt.s32 v32, v27;
	vm3 =	vmand vm1, vm9  }
0x340: {  	v54 =	vld [tilespmem:$0x1FFA0];
	vm0 =	vmand vm4, vm0;
	vm2 =	vmor vm3, vm2;
	vm3 =	vgt.s32 v51, v47  }
0x341: {  	vm4 =	vle.s32 v46, v47;
	vm0 =	vmor vm3, vm0;
	vm3 =	vle.s32 v45, v47  }
0x342: {  	v56 =	vld [tilespmem:$0x1FFB0];
	vm2 =	vmand vm3, vm2;
	vm0 =	vmand vm4, vm0  }
0x343: {  	v55 =	vsel vm5, $0x1, v0;
	vm0 =	vmor vm2, vm0  }
0x344: {  	vm2 =	vnez.u8 v53;
	v52 =	vmpcnt.ones.xlane vm0;
	vm0 =	vcmask $0x704  }
0x345: {  	vm3 =	vnez.u8 v54;
	vm0 =	vmand vm2, vm0;
	vm2 =	vcmask $0xB08  }
0x346: {  	v57 =	vld [tilespmem:$0x1FFC0];
	v26 =	vadd.s32 v55, v26;
	vm2 =	vmand vm3, vm2  }
0x347: {  	v58 =	vld [tilespmem:$0x1FFF0];
	vm3 =	vnez.u8 v56;
	vm0 =	vmor vm0, vm2;
	vm2 =	vcmask $0xF0C  }
0x348: {  	v60 =	vld [tilespmem:$0x1FFD0];
	vm4 =	vlt.s32 v26, v24;
	vm2 =	vmand vm3, vm2;
	vm3 =	veq.s32 v52, $0x0  }
0x349: {  	vm0 =	vmor vm0, vm2;
	vm2 =	vmand vm4, vm3;
	vm3 =	vcmask $0x1310  }
0x34a: {  	vm4 =	vcmask $0x1714;
	vm3 =	vmand vm7, vm3;
	v59 =	vsel vm2, $0x1, v0  }
0x34b: {  	vm0 =	vmor vm0, vm3;
	vm3 =	vnez.u8 v57;
	v26 =	vadd.s32 v59, v26  }
0x34c: {  	vm9 =	vnez.u8 v58;
	vm3 =	vmand vm3, vm4;
	(v2sf) =	vpush v26, $0x0  }
0x34d: {  	vm7 =	vcmask $0x1B18;
	vm0 =	vmor vm0, vm3;
	vm3 =	vnez.u8 v60  }
0x34e: {  	v61 =	vsel vm1, v50, v47;
	vm3 =	vmand vm3, vm7;
	vm7 =	vcmask $0x1F1C  }
0x34f: {  	vm0 =	vmor vm0, vm3;
	vm3 =	vmand vm10, vm7;
	vm10 =	vcmask $0x2320  }
0x350: {  	vm4 =	vmand vm2, vm9;
	vm0 =	vmor vm0, vm3;
	vm3 =	vmand vm11, vm10  }
0x351: {  	vm1 =	vmand vm12, vm8;
	vm11 =	vcmask $0x2B28;
	vm0 =	vmor vm0, vm3  }
0x352: {  	vm0 =	vmor vm0, vm1;
	vm1 =	vmand vm13, vm11;
	vm13 =	vcmask $0x2F2C  }
0x353: {  	vm0 =	vmor vm0, vm1;
	vm1 =	vmand vm14, vm13;
	vm14 =	vcmask $0x3330  }
0x354: {  	v30 =	vand.u32 $0xFFFFC000, v30;
	vm0 =	vmor vm0, vm1;
	vm1 =	vmand vm15, vm14  }
0x355: {  	v29 =	vor.u32 v30, v61;
	vm0 =	vmor vm0, vm1;
	vm1 =	vcmask $0x3734  }
0x356: {  	v62 =	vld [tilespmem:$0x1FFE0];
	[tilespmem:v45+s21+$0x0] =	vst.idx.msk vm4, v29;
	vm1 =	vmand vm6, vm1  }
0x357: {  	v28 =	vld.idx.msk [tilespmem:v47+s21+$0x0], $0xffff;
	vm0 =	vmor vm0, vm1;
	vm1 =	vcmask $0x3B38  }
0x358: {  	vm1 =	vmand vm5, vm1  }
0x359: {  	vm0 =	vmor vm0, vm1;
	vm1 =	vcmask $0x3F3C  }
0x35a: {  	vm1 =	vmand vm2, vm1  }
0x35b: {  	p0 =	sgt.u32 s30, $0x4E0F;
	vm0 =	vmor vm0, vm1;
	vm1 =	vnez.u8 v62;
	s1 =	spop (v2sf)  }
0x35c: {  	v63 =	vshrl.u32 v28, $0xE;
	vm0 =	vmor vm1, vm0;
	p1 =	slt.s32 @!p0 s1, s28  }
0x35d: {  	vm1 =	vlt.s32 v63, v27;
	p0 =	por p0, !p1  }
.Ltmp19:
0x35e: {  	v27 =	vsel vm1, v63, v27;
	(pc) =	sbr.rel @!p0 .LBB2_30-.Ltmp19, $4  }
0x35f: {  	v28 =	vand.u32 $0x3FFF, v28;
	v27 =	vshll.u32 v27, $0xE  }
0x360: {  	v27 =	vor.u32 v28, v27  }
0x361: {  	[tilespmem:v47+s21+$0x0] =	vst.idx.msk vm4, v27  }
0x362: {  	s30 =	sadd.s32 $0x10, s30;
	s29 =	sadd.s32 $0x10, s29;
	vm3 =	vmmov vm8;
	[tilespmem:v25+s11+$0x0] =	vst.idx.msk vm0, v22  }
0x363: {  	v24 =	vbroadcast v26, $0x0  }
.LBB2_32:
0x364: {  	s1 =	simm.s32 $0x0  }
0x365: {  	s7 =	simm.s32 $0x10;
	v25 =	vimm.s32 $0x0;
	s15 =	simm.s32 $0x0;
	v26 =	vld [tilespmem:s1+$0x0]  }
.LBB2_33:
0x366: {  	p0 =	sne.s32 s7, $0x4E10;
	_ =	sdelay $0x3  }
0x367: {  	vm0 =	vgt.s32 v26, $0x0  }
0x368: {  	v26 =	vsel vm0, $0x1, v0;
	v27 =	vmpcnt.ones.xlane vm0  }
0x369: {  	(xrf0) =	vadd.scan.msk.s32 $0xffff, v26  }
0x36a: {  	v23 =	vadd.s32 v23, v27;
	_ =	sdelay $0x4  }
0x36b: {  	v26, _, _ =	vpop (xrf0)  }
0x36c: {  	v26 =	vadd.s32 v26, v25;
	v25 =	vmov v23  }
0x36d: {  	v26 =	vadd.s32 $0xFFFFFFFF, v26;
	_ =	sdelay $0x1  }
.Ltmp20:
0x36e: {  	(pc) =	sbr.rel @p0 .LBB2_33-.Ltmp20, $4  }
0x36f: {  	_ = 	snop  }
0x370: {  	v27 =	vor.u32 s1, v3;
	s1 =	smov.u32 s7  }
0x371: {  	s15 =	sadd.s32 $0x10, s15;
	[tilespmem:v26+s22+$0x0] =	vst.idx.msk vm0, v27  }
0x372: {  	s7 =	sadd.s32 $0x10, s7;
	v26 =	vld [tilespmem:s15+$0x0]  }
0x373: {  	_ =	sdelay $0x3  }
0x374: {  	vm0 =	vgt.s32 v26, $0x0  }
0x375: {  	v23 =	vsel vm0, $0x1, v0  }
0x376: {  	(xrf0) =	vadd.scan.msk.s32 $0xffff, v23;
	_ =	sdelay $0x5  }
0x377: {  	v23, _, _ =	vpop (xrf0)  }
0x378: {  	v23 =	vadd.s32 v23, v25  }
0x379: {  	v23 =	vadd.s32 $0xFFFFFFFF, v23;
	_ =	sdelay $0x3  }
0x37a: {  	v25 =	vor.u32 s1, v3  }
0x37b: {  	s31 =	simm.s32 $0x0;
	[tilespmem:v23+s22+$0x0] =	vst.idx.msk vm0, v25  }
0x37c: {  	v23 =	vld.msk [tilespmem:$0x1B100 ss:$0x0], $0xffff;
	[tilespmem:s13], [sflag:$0x1] =	stream.linear.gather [hbm4b:s8+s31], $0x4E80, $0x38  }
0x37d: {  	_ =	swait.ge [sflag:s12], $0x4E80  }
0x37e: {  	[sflag:s12] =	ssyncset.done $0x0  }
0x37f: {  	s28 =	simm.s32 $0x1B100;
	[sflag:s12] =	ssyncadd.s32 $0xFFFFB180  }
0x380: {  	v25 =	vld [tilespmem:s28+$0x0];
	_ =	sdelay $0x2  }
0x381: {  	v26 =	vor.u32 s31, v3  }
0x382: {  	vm0 =	vlt.s32 v26, v24  }
0x383: {  	v25 =	vsel vm0, v25, v23;
	_ =	sdelay $0x3  }
0x384: {  	[tilespmem:s28+$0x0] =	vst v25  }
0x385: {  	v26 =	vld.idx.msk [tilespmem:v25+s18+$0x0], $0xffff;
	_ =	sdelay $0x4  }
0x386: {  	s1 =	simm.s32 $0x1B900;
	v27 =	vand.u32 $0x1FFF, v26;
	v26 =	vshrl.u32 v26, $0xD  }
0x387: {  	s7 =	simm.s32 $0x1C100;
	[tilespmem:s1+$0x0] =	vst v27;
	v26 =	vadd.s32 v26, v27  }
0x388: {  	[tilespmem:s7+$0x0] =	vst v26  }
0x389: {  	v25 =	vld.idx.msk [tilespmem:v25+s13+$0x0], $0xffff;
	_ =	sdelay $0x3  }
0x38a: {  	s30 =	simm.s32 $0x1C900;
	s15 =	simm.s32 $0x10;
	s29 =	simm.s32 $0x1C910  }
.LBB2_35:
0x38b: {  	[tilespmem:s30+$0x0] =	vst v25;
	s28 =	sadd.s32 $0x10, s28;
	s1 =	sadd.s32 $0x10, s1;
	s7 =	sadd.s32 $0x10, s7  }
0x38c: {  	p0 =	sne.s32 s15, $0x7C0;
	s31 =	smov.u32 s15;
	s15 =	sadd.s32 $0x10, s15;
	v25 =	vld [tilespmem:s28+$0x0]  }
0x38d: {  	s30 =	smov.u32 s29;
	_ =	sdelay $0x1  }
0x38e: {  	v26 =	vor.u32 s31, v3  }
0x38f: {  	vm0 =	vlt.s32 v26, v24  }
0x390: {  	v25 =	vsel vm0, v25, v23;
	_ =	sdelay $0x3  }
0x391: {  	[tilespmem:s28+$0x0] =	vst v25  }
0x392: {  	v26 =	vld.idx.msk [tilespmem:v25+s18+$0x0], $0xffff;
	_ =	sdelay $0x5  }
0x393: {  	v27 =	vand.u32 $0x1FFF, v26;
	v26 =	vshrl.u32 v26, $0xD  }
0x394: {  	v26 =	vadd.s32 v26, v27;
	[tilespmem:s1+$0x0] =	vst v27  }
0x395: {  	[tilespmem:s7+$0x0] =	vst v26  }
0x396: {  	v25 =	vld.idx.msk [tilespmem:v25+s13+$0x0], $0xffff  }
.Ltmp21:
0x397: {  	(pc) =	sbr.rel @p0 .LBB2_35-.Ltmp21, $2  }
0x398: {  	_ =	sdelay $0x2  }
0x399: {  	s29 =	sadd.s32 $0x10, s29  }
0x39a: {  	[tilespmem:s30+$0x0] =	vst v25  }
0x39b: {  	[hbm4b:s4+s11] =	stream.linear.scatter [tilespmem:s22], [sflag:$0x1], $0x800, $0x38;
	[tilespmem:$0x1D280] =	vst v63  }
0x39c: {  	_ =	swait.ge [sflag:s12], $0x800  }
0x39d: {  	[sflag:s12] =	ssyncset.done $0x0  }
0x39e: {  	[sflag:s12] =	ssyncadd.s32 $0xFFFFF800  }
0x39f: {  	[hbm4b:s5+s11] =	stream.linear.scatter [tilespmem:s23], [sflag:$0x1], $0x800, $0x38;
	[tilespmem:$0x1D280] =	vst v63  }
0x3a0: {  	_ =	swait.ge [sflag:s12], $0x800  }
0x3a1: {  	[sflag:s12] =	ssyncset.done $0x0  }
0x3a2: {  	[sflag:s12] =	ssyncadd.s32 $0xFFFFF800  }
0x3a3: {  	[hbm4b:s6+s11] =	stream.linear.scatter [tilespmem:s24], [sflag:$0x1], $0x800, $0x38;
	[tilespmem:$0x1D280] =	vst v63  }
0x3a4: {  	s26 =	sadd.s32 $0x1, s26;
	_ =	swait.ge [sflag:s12], $0x800  }
0x3a5: {  	p0 =	sne.s32 s26, s10;
	[sflag:s12] =	ssyncset.done $0x0  }
.Ltmp22:
0x3a6: {  	[sflag:s12] =	ssyncadd.s32 $0xFFFFF800;
	(pc) =	sbr.rel @p0 .LBB2_2-.Ltmp22, $4  }
0x3a7: {  	[hbm4b:s9+s11] =	stream.linear.scatter [tilespmem:s25], [sflag:$0x1], $0x800, $0x38;
	[tilespmem:$0x1D280] =	vst v63  }
0x3a8: {  	_ =	swait.ge [sflag:s12], $0x800  }
0x3a9: {  	[sflag:s12] =	ssyncset.done $0x0  }
0x3aa: {  	[sflag:s12] =	ssyncadd.s32 $0xFFFFF800  }
.LBB2_37:
0x3ab: {  	_ =	sfence.sel $0x180000  }
0x3ac: {  	[bflag:$0x0] =	sbarrier.arrive $0xFFFF  }
0x3ad: {  	_ =	strace $0x90000047  }
0x3ae: {  	s0 =	stileid.u32;
	[bflag:$0x2] =	sbarrier.arrive $0xFFFF  }
0x3af: {  	p0 =	sne.s32 s0, $0x0;
	s0 =	rddreg [dreg:$0x7]  }
0x3b0: {  	s0 =	sadd.s32 @!p0 $0x100000, s0  }
0x3b1: {  	[sflag:s0] =	ssyncadd.tile.s32 @!p0 $0x1;
	_ =	shalt  }
.Lfunc_end2:
_tile_overlayer_lowered:
.L_overlay_start_2:
0x3b2: {  	(tag) =	ssettag $0x2  }
0x3b3: {  	s0 =	rddreg [dreg:$0x0];
	s2 =	stileid.u32  }
0x3b4: {  	s1 =	rddreg [dreg:$0x1];
	p0 =	sne.s32 s2, $0x0  }
0x3b5: {  	s3 =	rddreg [dreg:$0x2];
	[bflag:$0x3] =	sbarrier.arrive $0xFFFF;
	s2 =	simm.s32 @!p0 $0x1C01  }
0x3b6: {  	[timem:s3], [sflag:s2] =	dma.local @!p0 [hbm:s0], s1  }
0x3b7: {  	s0 =	simm.s32 @!p0 $0x1  }
0x3b8: {  	_ =	swait.ge @!p0 [sflag:s0], s1  }
0x3b9: {  	s1 =	ssub.s32 @!p0 $0x0, s1;
	[sflag:s0] =	ssyncset.done @!p0 $0x0  }
0x3ba: {  	[sflag:s0] =	ssyncadd.s32 @!p0 s1  }
0x3bb: {  	[bflag:$0x3] =	sbarrier.arrive $0xFFFF  }
0x3bc: {  	_ =	shalt  }

</sc_bundles>
